<compile_context>
chip_gen: v7x
topology: tpu7x:2x2x1
jax: 0.10.2.dev20260603
libtpu: 0.0.44.dev20260713+nightly
codegen_flags: <defaults>
</compile_context>

<pallas_src>
import functools

import jax
import jax.numpy as jnp
from jax import lax
from jax.experimental import pallas as pl
from jax.experimental.pallas import tpu as pltpu
from jax.experimental.pallas import tpu_sc as plsc

_NC = 2
_NS = 16
_NW = _NC * _NS
_K = 128
_LANES = 16


def _cdiv(a, b):
    return (a + b - 1) // b


def _mesh():
    return plsc.VectorSubcoreMesh(core_axis_name="c", subcore_axis_name="s")


@functools.lru_cache(maxsize=None)
def _make_hist(c1, c2, np_):
    @functools.partial(
        pl.kernel,
        out_type=jax.ShapeDtypeStruct((_NW, 2, np_), jnp.float32),
        mesh=_mesh(),
        compiler_params=pltpu.CompilerParams(needs_layout_passes=False),
        scratch_types=[
            pltpu.VMEM((np_,), jnp.float32),
            pltpu.VMEM((np_,), jnp.float32),
            pltpu.VMEM((c1, _K), jnp.int32),
            pltpu.VMEM((c2, _K), jnp.int32),
        ],
    )
    def hist(row1_hbm, row2_hbm, out_hbm, h1, h2, i1, i2):
        wid = lax.axis_index("c") * _NS + lax.axis_index("s")
        zeros = jnp.zeros((_LANES,), jnp.float32)
        ones = jnp.ones((_LANES,), jnp.float32)
        pltpu.sync_copy(row1_hbm.at[wid], i1)
        pltpu.sync_copy(row2_hbm.at[wid], i2)

        def zero_body(i, carry):
            h1[pl.ds(i * _LANES, _LANES)] = zeros
            h2[pl.ds(i * _LANES, _LANES)] = zeros
            return carry

        lax.fori_loop(0, np_ // _LANES, zero_body, 0)

        def count1(j, carry):
            for k in range(_K // _LANES):
                plsc.addupdate_scatter(h1, [i1[j, pl.ds(k * _LANES, _LANES)]], ones)
            return carry

        lax.fori_loop(0, c1, count1, 0)

        def count2(j, carry):
            for k in range(_K // _LANES):
                plsc.addupdate_scatter(h2, [i2[j, pl.ds(k * _LANES, _LANES)]], ones)
            return carry

        lax.fori_loop(0, c2, count2, 0)
        pltpu.sync_copy(h1, out_hbm.at[wid, 0])
        pltpu.sync_copy(h2, out_hbm.at[wid, 1])

    return hist


@functools.lru_cache(maxsize=None)
def _make_prop(c, np_, dh, g, k):
    rows_per_tile = np_ // _NS

    @functools.partial(
        pl.kernel,
        out_type=jax.ShapeDtypeStruct((_NC, np_, dh), jnp.float32),
        mesh=_mesh(),
        compiler_params=pltpu.CompilerParams(needs_layout_passes=False,
                                             use_tc_tiling_on_sc=False),
        scratch_types=[
            pltpu.VMEM((c, k), jnp.int32),
            pltpu.VMEM((c, k), jnp.int32),
            pltpu.VMEM((g * k, dh), jnp.float32),
            pltpu.VMEM_SHARED((np_, dh), jnp.float32),
            [pltpu.SemaphoreType.DMA] * g,
        ],
    )
    def prop(hs_hbm, row_hbm, col_hbm, out_hbm, rows_v, cols_v, buf0,
             acc, gsems):
        cid = lax.axis_index("c")
        sid = lax.axis_index("s")
        base = sid * rows_per_tile
        table = hs_hbm.at[cid]
        pltpu.sync_copy(table.at[pl.ds(base, rows_per_tile)],
                        acc.at[pl.ds(base, rows_per_tile)])
        pltpu.sync_copy(row_hbm.at[sid], rows_v)
        pltpu.sync_copy(col_hbm.at[sid], cols_v)
        plsc.subcore_barrier()

        bufs = [buf0.at[pl.ds(i * k, k)] for i in range(g)]
        for i in range(g):
            pltpu.async_copy(table.at[rows_v.at[i]], bufs[i], gsems[i])

        def body(t, carry):
            j0 = g * t
            for i in range(g):
                pltpu.make_async_copy(table.at[pl.ds(0, k)], bufs[i],
                                      gsems[i]).wait()
                pltpu.sync_copy(bufs[i], acc.at[cols_v.at[j0 + i]], add=True)

                @pl.when(j0 + i + g < c)
                def _():
                    pltpu.async_copy(table.at[rows_v.at[j0 + i + g]], bufs[i],
                                     gsems[i])

            return carry

        lax.fori_loop(0, c // g, body, 0)
        plsc.subcore_barrier()
        pltpu.sync_copy(acc.at[pl.ds(base, rows_per_tile)],
                        out_hbm.at[cid, pl.ds(base, rows_per_tile)])

    return prop


def _prep_kernel(x_ref, w_ref, h_ref, hs_ref, dis_ref):
    dis = lax.rsqrt(jnp.sum(h_ref[...], axis=0) + 1.0)
    dis_ref[...] = dis
    h = lax.dot_general(x_ref[...], w_ref[...], (((1,), (1,)), ((), ())),
                        preferred_element_type=jnp.float32)
    h = jnp.maximum(h, 0.0) * dis[0][:, None]
    dh = h.shape[1] // 2
    hs_ref[0] = h[:, :dh]
    hs_ref[1] = h[:, dh:]


def _mid_kernel(a_ref, d1, d2, b, o_ref):
    p = jnp.concatenate([a_ref[0], a_ref[1]], axis=1)
    h = d2[...] * jnp.maximum(d1[...] * p + b[...], 0.0)
    dh = h.shape[1] // 2
    o_ref[0] = h[:, :dh]
    o_ref[1] = h[:, dh:]


def _final_kernel(a_ref, d2, b, o_ref):
    p = jnp.concatenate([a_ref[0], a_ref[1]], axis=1)
    o_ref[...] = d2[...] * p + b[...]


def kernel(x, edge_index, edge_attr, W, bias1, bias2):
    n, d = x.shape
    dh = d // 2
    np_ = _cdiv(n + 1, 128) * 128
    e1 = n - 1

    ei = edge_index.astype(jnp.int32)
    r1, c1 = ei[0, :e1], ei[1, :e1]
    r2, c2 = ei[0, e1:], ei[1, e1:]
    row1 = jnp.concatenate([r1, c1])
    col1 = jnp.concatenate([c1, r1])
    row2 = jnp.concatenate([r2, c2])
    col2 = jnp.concatenate([c2, r2])

    def padded(a, nt, cn, k):
        full = nt * cn * k
        a = jnp.concatenate([a, jnp.full((full - a.shape[0],), n, jnp.int32)])
        return a.reshape(nt, cn, k)

    c1h = _cdiv(row1.shape[0], _NW * _K)
    c2h = _cdiv(row2.shape[0], _NW * _K)
    hists = _make_hist(c1h, c2h, np_)(padded(row1, _NW, c1h, _K),
                                      padded(row2, _NW, c2h, _K))

    g1, k1, g2, k2 = 4, 32, 6, 32
    c1p = g1 * _cdiv(row1.shape[0], _NS * k1 * g1)
    c2p = g2 * _cdiv(row2.shape[0], _NS * k2 * g2)
    row1q, col1q = padded(row1, _NS, c1p, k1), padded(col1, _NS, c1p, k1)
    row2q, col2q = padded(row2, _NS, c2p, k2), padded(col2, _NS, c2p, k2)

    x_p = jnp.zeros((np_, d), x.dtype).at[:n].set(x)
    hs1, dis = pl.pallas_call(
        _prep_kernel,
        out_shape=(jax.ShapeDtypeStruct((2, np_, dh), jnp.float32),
                   jax.ShapeDtypeStruct((2, np_), jnp.float32)),
    )(x_p, W, hists)
    dis1 = dis[0][:, None]
    dis2 = dis[1][:, None]

    br = np_ // 4
    grid = (np_ // br,)
    blk = pl.BlockSpec((br, d), lambda i: (i, 0))
    sblk = pl.BlockSpec((2, br, dh), lambda i: (0, i, 0))
    colb = pl.BlockSpec((br, 1), lambda i: (i, 0))
    wblk = pl.BlockSpec((d, d), lambda i: (0, 0))
    bblk = pl.BlockSpec((1, d), lambda i: (0, 0))
    sshape = jax.ShapeDtypeStruct((2, np_, dh), jnp.float32)

    acc1 = _make_prop(c1p, np_, dh, g1, k1)(hs1, row1q, col1q)

    hs2 = pl.pallas_call(
        _mid_kernel, grid=grid,
        in_specs=[sblk, colb, colb, bblk], out_specs=sblk, out_shape=sshape,
    )(acc1, dis1, dis2, bias1[None, :])

    acc2 = _make_prop(c2p, np_, dh, g2, k2)(hs2, row2q, col2q)

    outp = pl.pallas_call(
        _final_kernel, grid=grid,
        in_specs=[sblk, colb, bblk], out_specs=blk,
        out_shape=jax.ShapeDtypeStruct((np_, d), jnp.float32),
    )(acc2, dis2, bias2[None, :])

    return outp[:n]

# --- scband reference (transcript-rebuilt; emitter-appended) ---
"""Pipeline reference for scband-hetero-gcnconv-81286551044568 (READ-ONLY COPY).

The authoritative reference and input builder live on the scoring server;
editing this copy changes nothing except your own understanding.
"""

import jax, jax.numpy as jnp
import numpy as np

N_NODES = 10000
N_EDGES = 320000
D_IN = 128
D_OUT = 128
D_EDGE = 4


def _gcn_conv(x, edge_index, bias):
    # add self loops (edge_attr variant of add_self_loops discards attr here)
    n = x.shape[0]
    loops = jnp.arange(n, dtype=edge_index.dtype)
    ei = jnp.concatenate([edge_index, jnp.stack([loops, loops], axis=0)], axis=1)
    row, col = ei[0], ei[1]
    deg = jnp.bincount(row, length=n).astype(x.dtype)
    deg_inv_sqrt = jnp.power(deg, -0.5)
    deg_inv_sqrt = jnp.where(jnp.isinf(deg_inv_sqrt), 0.0, deg_inv_sqrt)
    norm = deg_inv_sqrt[row] * deg_inv_sqrt[col]
    # message: norm * x_j (x_j = x[source]); aggregate 'add' at target (col)
    msg = norm[:, None] * x[row]
    out = jnp.zeros_like(x).at[col].add(msg)
    return out + bias


def setup_inputs(seed: int = 0) -> dict:
    key = jax.random.key(seed)
    k1, k2, k3, k4 = jax.random.split(key, 4)
    x = jax.random.normal(k1, (N_NODES, D_IN), dtype=jnp.float32)
    edge_index = jax.random.randint(k2, (2, N_EDGES), 0, N_NODES, dtype=jnp.int64)
    edge_attr = jax.random.normal(k3, (N_EDGES, D_EDGE), dtype=jnp.float32)
    # nn.Linear(in, out, bias=False): W shape [out, in]
    bound = 1.0 / np.sqrt(D_IN)
    W = jax.random.uniform(k4, (D_OUT, D_IN), dtype=jnp.float32, minval=-bound, maxval=bound)
    bias1 = jnp.zeros((D_OUT,), dtype=jnp.float32)
    bias2 = jnp.zeros((D_OUT,), dtype=jnp.float32)
    return {"x": x, "edge_index": edge_index, "edge_attr": edge_attr,
            "W": W, "bias1": bias1, "bias2": bias2}


def reference(x, edge_index, edge_attr, W, bias1, bias2):
    N = x.shape[0]
    tai_idx = jnp.stack((edge_index[0, :N - 1], edge_index[1, :N - 1]), axis=0)
    tai_idx = jnp.concatenate((tai_idx, jnp.flip(tai_idx, axis=0)), axis=1)
    nho_idx = jnp.stack((edge_index[0, N - 1:], edge_index[1, N - 1:]), axis=0)
    nho_idx = jnp.concatenate((nho_idx, jnp.flip(nho_idx, axis=0)), axis=1)
    # edge_attr is sliced/doubled in the original but unused by message(); kept for fidelity
    tai_attr = edge_attr[:N - 1]
    tai_attr = jnp.concatenate((tai_attr, tai_attr), axis=0)
    nho_attr = edge_attr[N - 1:]
    nho_attr = jnp.concatenate((nho_attr, nho_attr), axis=0)
    h = x @ W.T
    h = jax.nn.relu(h)
    h = _gcn_conv(h, tai_idx, bias1)
    h = jax.nn.relu(h)
    h = _gcn_conv(h, nho_idx, bias2)
    return h

if __name__ == "__main__":
    import jax
    _d = setup_inputs()
    print(jax.jit(kernel)(*tuple(_d.values())))

</pallas_src>

<mosaic_0001>
#map = affine_map<(d0, d1) -> (0, 0, 0)>
module attributes {stable_mosaic.version = 14 : i64} {
  func.func @hist(%arg0: i32, %arg1: i32, %arg2: memref<32x5x128xi32, #tpu.memory_space<hbm>>, %arg3: memref<32x152x128xi32, #tpu.memory_space<hbm>>, %arg4: memref<32x2x10112xf32, #tpu.memory_space<hbm>>, %arg5: memref<10112xf32, #tpu.memory_space<vmem>>, %arg6: memref<10112xf32, #tpu.memory_space<vmem>>, %arg7: memref<5x128xi32, #tpu.memory_space<vmem>>, %arg8: memref<152x128xi32, #tpu.memory_space<vmem>>) attributes {dimension_semantics = [#tpu.dimension_semantics<core_parallel>, #tpu.dimension_semantics<subcore_parallel>], iteration_bounds = array<i64: 2, 16>, scalar_prefetch = 0 : i64, scratch_operands = 4 : i64, tpu.core_type = #tpu.core_type<sc_vector_subcore>, window_params = [{transform_indices = #map}, {transform_indices = #map}, {transform_indices = #map}]} {
    %mul3A = arith.constant 16 : i32
    %mul3A_0 = arith.muli %arg0, %mul3A : i32
    %add3A = arith.addi %mul3A_0, %arg1 : i32
    %broadcast_in_dim3A = arith.constant 0.000000e+00 : f32
    %broadcast_in_dim3A_1 = vector.broadcast %broadcast_in_dim3A : f32 to vector<16xf32>
    %broadcast_in_dim3A_2 = arith.constant 1.000000e+00 : f32
    %broadcast_in_dim3A_3 = vector.broadcast %broadcast_in_dim3A_2 : f32 to vector<16xf32>
    "tpu.region"() ({
      %run_scoped3A_22 = tpu.sem_alloc : memref<!tpu.dma_semaphore, #tpu.memory_space<semaphore_mem>>
      %dma_start3A = arith.constant 0 : i32
      %dma_start3A_23 = arith.constant 0 : i32
      %dma_start3A_24 = tpu.memref_slice %arg2[%add3A, %dma_start3A, %dma_start3A_23] : memref<32x5x128xi32, #tpu.memory_space<hbm>> -> memref<1x5x128xi32, #tpu.memory_space<hbm>>
      %dma_start3A_25 = tpu.memref_squeeze %dma_start3A_24 : memref<1x5x128xi32, #tpu.memory_space<hbm>> -> memref<5x128xi32, #tpu.memory_space<hbm>>
      %dma_start3A_26 = arith.constant 0 : i32
      %dma_start3A_27 = arith.constant 0 : i32
      %dma_start3A_28 = tpu.memref_slice %arg2[%add3A, %dma_start3A_26, %dma_start3A_27] : memref<32x5x128xi32, #tpu.memory_space<hbm>> -> memref<1x5x128xi32, #tpu.memory_space<hbm>>
      %dma_start3A_29 = tpu.memref_squeeze %dma_start3A_28 : memref<1x5x128xi32, #tpu.memory_space<hbm>> -> memref<5x128xi32, #tpu.memory_space<hbm>>
      tpu.enqueue_dma source(%dma_start3A_29 : memref<5x128xi32, #tpu.memory_space<hbm>>) target(%arg7 : memref<5x128xi32, #tpu.memory_space<vmem>>) target_semaphore(%run_scoped3A_22 : memref<!tpu.dma_semaphore, #tpu.memory_space<semaphore_mem>>)
      %dma_wait3A = arith.constant 0 : i32
      %dma_wait3A_30 = arith.constant 0 : i32
      %dma_wait3A_31 = tpu.memref_slice %arg2[%add3A, %dma_wait3A, %dma_wait3A_30] : memref<32x5x128xi32, #tpu.memory_space<hbm>> -> memref<1x5x128xi32, #tpu.memory_space<hbm>>
      %dma_wait3A_32 = tpu.memref_squeeze %dma_wait3A_31 : memref<1x5x128xi32, #tpu.memory_space<hbm>> -> memref<5x128xi32, #tpu.memory_space<hbm>>
      %dma_wait3A_33 = arith.constant 0 : i32
      %dma_wait3A_34 = arith.constant 0 : i32
      %dma_wait3A_35 = tpu.memref_slice %arg2[%add3A, %dma_wait3A_33, %dma_wait3A_34] : memref<32x5x128xi32, #tpu.memory_space<hbm>> -> memref<1x5x128xi32, #tpu.memory_space<hbm>>
      %dma_wait3A_36 = tpu.memref_squeeze %dma_wait3A_35 : memref<1x5x128xi32, #tpu.memory_space<hbm>> -> memref<5x128xi32, #tpu.memory_space<hbm>>
      tpu.wait_dma2 semaphore(%run_scoped3A_22 : memref<!tpu.dma_semaphore, #tpu.memory_space<semaphore_mem>>) src(%dma_wait3A_36 : memref<5x128xi32, #tpu.memory_space<hbm>>) dst(%arg7 : memref<5x128xi32, #tpu.memory_space<vmem>>)
      tpu.yield
    }) : () -> ()
    "tpu.region"() ({
      %run_scoped3A_22 = tpu.sem_alloc : memref<!tpu.dma_semaphore, #tpu.memory_space<semaphore_mem>>
      %dma_start3A = arith.constant 0 : i32
      %dma_start3A_23 = arith.constant 0 : i32
      %dma_start3A_24 = tpu.memref_slice %arg3[%add3A, %dma_start3A, %dma_start3A_23] : memref<32x152x128xi32, #tpu.memory_space<hbm>> -> memref<1x152x128xi32, #tpu.memory_space<hbm>>
      %dma_start3A_25 = tpu.memref_squeeze %dma_start3A_24 : memref<1x152x128xi32, #tpu.memory_space<hbm>> -> memref<152x128xi32, #tpu.memory_space<hbm>>
      %dma_start3A_26 = arith.constant 0 : i32
      %dma_start3A_27 = arith.constant 0 : i32
      %dma_start3A_28 = tpu.memref_slice %arg3[%add3A, %dma_start3A_26, %dma_start3A_27] : memref<32x152x128xi32, #tpu.memory_space<hbm>> -> memref<1x152x128xi32, #tpu.memory_space<hbm>>
      %dma_start3A_29 = tpu.memref_squeeze %dma_start3A_28 : memref<1x152x128xi32, #tpu.memory_space<hbm>> -> memref<152x128xi32, #tpu.memory_space<hbm>>
      tpu.enqueue_dma source(%dma_start3A_29 : memref<152x128xi32, #tpu.memory_space<hbm>>) target(%arg8 : memref<152x128xi32, #tpu.memory_space<vmem>>) target_semaphore(%run_scoped3A_22 : memref<!tpu.dma_semaphore, #tpu.memory_space<semaphore_mem>>)
      %dma_wait3A = arith.constant 0 : i32
      %dma_wait3A_30 = arith.constant 0 : i32
      %dma_wait3A_31 = tpu.memref_slice %arg3[%add3A, %dma_wait3A, %dma_wait3A_30] : memref<32x152x128xi32, #tpu.memory_space<hbm>> -> memref<1x152x128xi32, #tpu.memory_space<hbm>>
      %dma_wait3A_32 = tpu.memref_squeeze %dma_wait3A_31 : memref<1x152x128xi32, #tpu.memory_space<hbm>> -> memref<152x128xi32, #tpu.memory_space<hbm>>
      %dma_wait3A_33 = arith.constant 0 : i32
      %dma_wait3A_34 = arith.constant 0 : i32
      %dma_wait3A_35 = tpu.memref_slice %arg3[%add3A, %dma_wait3A_33, %dma_wait3A_34] : memref<32x152x128xi32, #tpu.memory_space<hbm>> -> memref<1x152x128xi32, #tpu.memory_space<hbm>>
      %dma_wait3A_36 = tpu.memref_squeeze %dma_wait3A_35 : memref<1x152x128xi32, #tpu.memory_space<hbm>> -> memref<152x128xi32, #tpu.memory_space<hbm>>
      tpu.wait_dma2 semaphore(%run_scoped3A_22 : memref<!tpu.dma_semaphore, #tpu.memory_space<semaphore_mem>>) src(%dma_wait3A_36 : memref<152x128xi32, #tpu.memory_space<hbm>>) dst(%arg8 : memref<152x128xi32, #tpu.memory_space<vmem>>)
      tpu.yield
    }) : () -> ()
    %scan3A = arith.constant 0 : i32
    %scan3A_4 = arith.constant 0 : i32
    %scan3A_5 = arith.constant 632 : i32
    %scan3A_6 = arith.addi %scan3A_4, %scan3A_5 : i32
    %scan3A_7 = arith.constant 1 : i32
    scf.for %scan3A_22 = %scan3A_4 to %scan3A_6 step %scan3A_7  : i32 {
      %mul3A_23 = arith.constant 16 : i32
      %mul3A_24 = arith.muli %scan3A_22, %mul3A_23 : i32
      %swap3A = arith.index_cast %mul3A_24 : i32 to index
      %swap3A_25 = tpu.vector_load %arg5[%swap3A] {strides = array<i32>} : memref<10112xf32, #tpu.memory_space<vmem>>, vector<16xf32>,
      tpu.vector_store %arg5[%swap3A], %broadcast_in_dim3A_1 {strides = array<i32>} : memref<10112xf32, #tpu.memory_space<vmem>>, vector<16xf32>,
      %mul3A_26 = arith.constant 16 : i32
      %mul3A_27 = arith.muli %scan3A_22, %mul3A_26 : i32
      %swap3A_28 = arith.index_cast %mul3A_27 : i32 to index
      %swap3A_29 = tpu.vector_load %arg6[%swap3A_28] {strides = array<i32>} : memref<10112xf32, #tpu.memory_space<vmem>>, vector<16xf32>,
      tpu.vector_store %arg6[%swap3A_28], %broadcast_in_dim3A_1 {strides = array<i32>} : memref<10112xf32, #tpu.memory_space<vmem>>, vector<16xf32>,
    }
    %scan3A_8 = arith.constant 632 : i32
    %scan3A_9 = arith.constant 0 : i32
    %scan3A_10 = arith.constant 0 : i32
    %scan3A_11 = arith.constant 5 : i32
    %scan3A_12 = arith.addi %scan3A_10, %scan3A_11 : i32
    %scan3A_13 = arith.constant 1 : i32
    scf.for %scan3A_22 = %scan3A_10 to %scan3A_12 step %scan3A_13  : i32 {
      %get3A = arith.index_cast %scan3A_22 : i32 to index
      %get3A_23 = arith.constant 0 : index
      %get3A_24 = tpu.vector_load %arg7[%get3A, %get3A_23] {strides = array<i32>} : memref<5x128xi32, #tpu.memory_space<vmem>>, vector<16xi32>,
      tpu.vector_store_idx %arg5[%get3A_24], %broadcast_in_dim3A_3 {add = true} : memref<10112xf32, #tpu.memory_space<vmem>>[vector<16xi32>], vector<16xf32>,
      %get3A_25 = arith.index_cast %scan3A_22 : i32 to index
      %get3A_26 = arith.constant 16 : index
      %get3A_27 = tpu.vector_load %arg7[%get3A_25, %get3A_26] {strides = array<i32>} : memref<5x128xi32, #tpu.memory_space<vmem>>, vector<16xi32>,
      tpu.vector_store_idx %arg5[%get3A_27], %broadcast_in_dim3A_3 {add = true} : memref<10112xf32, #tpu.memory_space<vmem>>[vector<16xi32>], vector<16xf32>,
      %get3A_28 = arith.index_cast %scan3A_22 : i32 to index
      %get3A_29 = arith.constant 32 : index
      %get3A_30 = tpu.vector_load %arg7[%get3A_28, %get3A_29] {strides = array<i32>} : memref<5x128xi32, #tpu.memory_space<vmem>>, vector<16xi32>,
      tpu.vector_store_idx %arg5[%get3A_30], %broadcast_in_dim3A_3 {add = true} : memref<10112xf32, #tpu.memory_space<vmem>>[vector<16xi32>], vector<16xf32>,
      %get3A_31 = arith.index_cast %scan3A_22 : i32 to index
      %get3A_32 = arith.constant 48 : index
      %get3A_33 = tpu.vector_load %arg7[%get3A_31, %get3A_32] {strides = array<i32>} : memref<5x128xi32, #tpu.memory_space<vmem>>, vector<16xi32>,
      tpu.vector_store_idx %arg5[%get3A_33], %broadcast_in_dim3A_3 {add = true} : memref<10112xf32, #tpu.memory_space<vmem>>[vector<16xi32>], vector<16xf32>,
      %get3A_34 = arith.index_cast %scan3A_22 : i32 to index
      %get3A_35 = arith.constant 64 : index
      %get3A_36 = tpu.vector_load %arg7[%get3A_34, %get3A_35] {strides = array<i32>} : memref<5x128xi32, #tpu.memory_space<vmem>>, vector<16xi32>,
      tpu.vector_store_idx %arg5[%get3A_36], %broadcast_in_dim3A_3 {add = true} : memref<10112xf32, #tpu.memory_space<vmem>>[vector<16xi32>], vector<16xf32>,
      %get3A_37 = arith.index_cast %scan3A_22 : i32 to index
      %get3A_38 = arith.constant 80 : index
      %get3A_39 = tpu.vector_load %arg7[%get3A_37, %get3A_38] {strides = array<i32>} : memref<5x128xi32, #tpu.memory_space<vmem>>, vector<16xi32>,
      tpu.vector_store_idx %arg5[%get3A_39], %broadcast_in_dim3A_3 {add = true} : memref<10112xf32, #tpu.memory_space<vmem>>[vector<16xi32>], vector<16xf32>,
      %get3A_40 = arith.index_cast %scan3A_22 : i32 to index
      %get3A_41 = arith.constant 96 : index
      %get3A_42 = tpu.vector_load %arg7[%get3A_40, %get3A_41] {strides = array<i32>} : memref<5x128xi32, #tpu.memory_space<vmem>>, vector<16xi32>,
      tpu.vector_store_idx %arg5[%get3A_42], %broadcast_in_dim3A_3 {add = true} : memref<10112xf32, #tpu.memory_space<vmem>>[vector<16xi32>], vector<16xf32>,
      %get3A_43 = arith.index_cast %scan3A_22 : i32 to index
      %get3A_44 = arith.constant 112 : index
      %get3A_45 = tpu.vector_load %arg7[%get3A_43, %get3A_44] {strides = array<i32>} : memref<5x128xi32, #tpu.memory_space<vmem>>, vector<16xi32>,
      tpu.vector_store_idx %arg5[%get3A_45], %broadcast_in_dim3A_3 {add = true} : memref<10112xf32, #tpu.memory_space<vmem>>[vector<16xi32>], vector<16xf32>,
    }
    %scan3A_14 = arith.constant 5 : i32
    %scan3A_15 = arith.constant 0 : i32
    %scan3A_16 = arith.constant 0 : i32
    %scan3A_17 = arith.constant 152 : i32
    %scan3A_18 = arith.addi %scan3A_16, %scan3A_17 : i32
    %scan3A_19 = arith.constant 1 : i32
    scf.for %scan3A_22 = %scan3A_16 to %scan3A_18 step %scan3A_19  : i32 {
      %get3A = arith.index_cast %scan3A_22 : i32 to index
      %get3A_23 = arith.constant 0 : index
      %get3A_24 = tpu.vector_load %arg8[%get3A, %get3A_23] {strides = array<i32>} : memref<152x128xi32, #tpu.memory_space<vmem>>, vector<16xi32>,
      tpu.vector_store_idx %arg6[%get3A_24], %broadcast_in_dim3A_3 {add = true} : memref<10112xf32, #tpu.memory_space<vmem>>[vector<16xi32>], vector<16xf32>,
      %get3A_25 = arith.index_cast %scan3A_22 : i32 to index
      %get3A_26 = arith.constant 16 : index
      %get3A_27 = tpu.vector_load %arg8[%get3A_25, %get3A_26] {strides = array<i32>} : memref<152x128xi32, #tpu.memory_space<vmem>>, vector<16xi32>,
      tpu.vector_store_idx %arg6[%get3A_27], %broadcast_in_dim3A_3 {add = true} : memref<10112xf32, #tpu.memory_space<vmem>>[vector<16xi32>], vector<16xf32>,
      %get3A_28 = arith.index_cast %scan3A_22 : i32 to index
      %get3A_29 = arith.constant 32 : index
      %get3A_30 = tpu.vector_load %arg8[%get3A_28, %get3A_29] {strides = array<i32>} : memref<152x128xi32, #tpu.memory_space<vmem>>, vector<16xi32>,
      tpu.vector_store_idx %arg6[%get3A_30], %broadcast_in_dim3A_3 {add = true} : memref<10112xf32, #tpu.memory_space<vmem>>[vector<16xi32>], vector<16xf32>,
      %get3A_31 = arith.index_cast %scan3A_22 : i32 to index
      %get3A_32 = arith.constant 48 : index
      %get3A_33 = tpu.vector_load %arg8[%get3A_31, %get3A_32] {strides = array<i32>} : memref<152x128xi32, #tpu.memory_space<vmem>>, vector<16xi32>,
      tpu.vector_store_idx %arg6[%get3A_33], %broadcast_in_dim3A_3 {add = true} : memref<10112xf32, #tpu.memory_space<vmem>>[vector<16xi32>], vector<16xf32>,
      %get3A_34 = arith.index_cast %scan3A_22 : i32 to index
      %get3A_35 = arith.constant 64 : index
      %get3A_36 = tpu.vector_load %arg8[%get3A_34, %get3A_35] {strides = array<i32>} : memref<152x128xi32, #tpu.memory_space<vmem>>, vector<16xi32>,
      tpu.vector_store_idx %arg6[%get3A_36], %broadcast_in_dim3A_3 {add = true} : memref<10112xf32, #tpu.memory_space<vmem>>[vector<16xi32>], vector<16xf32>,
      %get3A_37 = arith.index_cast %scan3A_22 : i32 to index
      %get3A_38 = arith.constant 80 : index
      %get3A_39 = tpu.vector_load %arg8[%get3A_37, %get3A_38] {strides = array<i32>} : memref<152x128xi32, #tpu.memory_space<vmem>>, vector<16xi32>,
      tpu.vector_store_idx %arg6[%get3A_39], %broadcast_in_dim3A_3 {add = true} : memref<10112xf32, #tpu.memory_space<vmem>>[vector<16xi32>], vector<16xf32>,
      %get3A_40 = arith.index_cast %scan3A_22 : i32 to index
      %get3A_41 = arith.constant 96 : index
      %get3A_42 = tpu.vector_load %arg8[%get3A_40, %get3A_41] {strides = array<i32>} : memref<152x128xi32, #tpu.memory_space<vmem>>, vector<16xi32>,
      tpu.vector_store_idx %arg6[%get3A_42], %broadcast_in_dim3A_3 {add = true} : memref<10112xf32, #tpu.memory_space<vmem>>[vector<16xi32>], vector<16xf32>,
      %get3A_43 = arith.index_cast %scan3A_22 : i32 to index
      %get3A_44 = arith.constant 112 : index
      %get3A_45 = tpu.vector_load %arg8[%get3A_43, %get3A_44] {strides = array<i32>} : memref<152x128xi32, #tpu.memory_space<vmem>>, vector<16xi32>,
      tpu.vector_store_idx %arg6[%get3A_45], %broadcast_in_dim3A_3 {add = true} : memref<10112xf32, #tpu.memory_space<vmem>>[vector<16xi32>], vector<16xf32>,
    }
    %scan3A_20 = arith.constant 152 : i32
    %run_scoped3A = arith.constant 0 : i32
    "tpu.region"() ({
      %run_scoped3A_22 = tpu.sem_alloc : memref<!tpu.dma_semaphore, #tpu.memory_space<semaphore_mem>>
      %dma_start3A = arith.constant 0 : i32
      %dma_start3A_23 = tpu.memref_slice %arg4[%add3A, %run_scoped3A, %dma_start3A] : memref<32x2x10112xf32, #tpu.memory_space<hbm>> -> memref<1x1x10112xf32, #tpu.memory_space<hbm>>
      %dma_start3A_24 = tpu.memref_squeeze %dma_start3A_23 : memref<1x1x10112xf32, #tpu.memory_space<hbm>> -> memref<10112xf32, #tpu.memory_space<hbm>>
      %dma_start3A_25 = arith.constant 0 : i32
      %dma_start3A_26 = tpu.memref_slice %arg4[%add3A, %run_scoped3A, %dma_start3A_25] : memref<32x2x10112xf32, #tpu.memory_space<hbm>> -> memref<1x1x10112xf32, #tpu.memory_space<hbm>>
      %dma_start3A_27 = tpu.memref_squeeze %dma_start3A_26 : memref<1x1x10112xf32, #tpu.memory_space<hbm>> -> memref<10112xf32, #tpu.memory_space<hbm>>
      tpu.enqueue_dma source(%arg5 : memref<10112xf32, #tpu.memory_space<vmem>>) target(%dma_start3A_27 : memref<10112xf32, #tpu.memory_space<hbm>>) target_semaphore(%run_scoped3A_22 : memref<!tpu.dma_semaphore, #tpu.memory_space<semaphore_mem>>)
      %dma_wait3A = arith.constant 0 : i32
      %dma_wait3A_28 = tpu.memref_slice %arg4[%add3A, %run_scoped3A, %dma_wait3A] : memref<32x2x10112xf32, #tpu.memory_space<hbm>> -> memref<1x1x10112xf32, #tpu.memory_space<hbm>>
      %dma_wait3A_29 = tpu.memref_squeeze %dma_wait3A_28 : memref<1x1x10112xf32, #tpu.memory_space<hbm>> -> memref<10112xf32, #tpu.memory_space<hbm>>
      %dma_wait3A_30 = arith.constant 0 : i32
      %dma_wait3A_31 = tpu.memref_slice %arg4[%add3A, %run_scoped3A, %dma_wait3A_30] : memref<32x2x10112xf32, #tpu.memory_space<hbm>> -> memref<1x1x10112xf32, #tpu.memory_space<hbm>>
      %dma_wait3A_32 = tpu.memref_squeeze %dma_wait3A_31 : memref<1x1x10112xf32, #tpu.memory_space<hbm>> -> memref<10112xf32, #tpu.memory_space<hbm>>
      tpu.wait_dma2 semaphore(%run_scoped3A_22 : memref<!tpu.dma_semaphore, #tpu.memory_space<semaphore_mem>>) src(%arg5 : memref<10112xf32, #tpu.memory_space<vmem>>) dst(%dma_wait3A_32 : memref<10112xf32, #tpu.memory_space<hbm>>)
      tpu.yield
    }) : () -> ()
    %run_scoped3A_21 = arith.constant 1 : i32
    "tpu.region"() ({
      %run_scoped3A_22 = tpu.sem_alloc : memref<!tpu.dma_semaphore, #tpu.memory_space<semaphore_mem>>
      %dma_start3A = arith.constant 0 : i32
      %dma_start3A_23 = tpu.memref_slice %arg4[%add3A, %run_scoped3A_21, %dma_start3A] : memref<32x2x10112xf32, #tpu.memory_space<hbm>> -> memref<1x1x10112xf32, #tpu.memory_space<hbm>>
      %dma_start3A_24 = tpu.memref_squeeze %dma_start3A_23 : memref<1x1x10112xf32, #tpu.memory_space<hbm>> -> memref<10112xf32, #tpu.memory_space<hbm>>
      %dma_start3A_25 = arith.constant 0 : i32
      %dma_start3A_26 = tpu.memref_slice %arg4[%add3A, %run_scoped3A_21, %dma_start3A_25] : memref<32x2x10112xf32, #tpu.memory_space<hbm>> -> memref<1x1x10112xf32, #tpu.memory_space<hbm>>
      %dma_start3A_27 = tpu.memref_squeeze %dma_start3A_26 : memref<1x1x10112xf32, #tpu.memory_space<hbm>> -> memref<10112xf32, #tpu.memory_space<hbm>>
      tpu.enqueue_dma source(%arg6 : memref<10112xf32, #tpu.memory_space<vmem>>) target(%dma_start3A_27 : memref<10112xf32, #tpu.memory_space<hbm>>) target_semaphore(%run_scoped3A_22 : memref<!tpu.dma_semaphore, #tpu.memory_space<semaphore_mem>>)
      %dma_wait3A = arith.constant 0 : i32
      %dma_wait3A_28 = tpu.memref_slice %arg4[%add3A, %run_scoped3A_21, %dma_wait3A] : memref<32x2x10112xf32, #tpu.memory_space<hbm>> -> memref<1x1x10112xf32, #tpu.memory_space<hbm>>
      %dma_wait3A_29 = tpu.memref_squeeze %dma_wait3A_28 : memref<1x1x10112xf32, #tpu.memory_space<hbm>> -> memref<10112xf32, #tpu.memory_space<hbm>>
      %dma_wait3A_30 = arith.constant 0 : i32
      %dma_wait3A_31 = tpu.memref_slice %arg4[%add3A, %run_scoped3A_21, %dma_wait3A_30] : memref<32x2x10112xf32, #tpu.memory_space<hbm>> -> memref<1x1x10112xf32, #tpu.memory_space<hbm>>
      %dma_wait3A_32 = tpu.memref_squeeze %dma_wait3A_31 : memref<1x1x10112xf32, #tpu.memory_space<hbm>> -> memref<10112xf32, #tpu.memory_space<hbm>>
      tpu.wait_dma2 semaphore(%run_scoped3A_22 : memref<!tpu.dma_semaphore, #tpu.memory_space<semaphore_mem>>) src(%arg6 : memref<10112xf32, #tpu.memory_space<vmem>>) dst(%dma_wait3A_32 : memref<10112xf32, #tpu.memory_space<hbm>>)
      tpu.yield
    }) : () -> ()
    return
  }
}

#map = affine_map<(d0, d1) -> (0, 0, 0)>
module attributes {stable_mosaic.version = 14 : i64} {
  func.func @prop(%arg0: i32, %arg1: i32, %arg2: memref<2x10112x64xf32, #tpu.memory_space<hbm>>, %arg3: memref<16x1212x32xi32, #tpu.memory_space<hbm>>, %arg4: memref<16x1212x32xi32, #tpu.memory_space<hbm>>, %arg5: memref<2x10112x64xf32, #tpu.memory_space<hbm>>, %arg6: memref<1212x32xi32, #tpu.memory_space<vmem>>, %arg7: memref<1212x32xi32, #tpu.memory_space<vmem>>, %arg8: memref<192x64xf32, #tpu.memory_space<vmem>>, %arg9: memref<10112x64xf32, #tpu.memory_space<vmem_shared>>, %arg10: memref<!tpu.dma_semaphore, #tpu.memory_space<semaphore_mem>>, %arg11: memref<!tpu.dma_semaphore, #tpu.memory_space<semaphore_mem>>, %arg12: memref<!tpu.dma_semaphore, #tpu.memory_space<semaphore_mem>>, %arg13: memref<!tpu.dma_semaphore, #tpu.memory_space<semaphore_mem>>, %arg14: memref<!tpu.dma_semaphore, #tpu.memory_space<semaphore_mem>>, %arg15: memref<!tpu.dma_semaphore, #tpu.memory_space<semaphore_mem>>) attributes {dimension_semantics = [#tpu.dimension_semantics<core_parallel>, #tpu.dimension_semantics<subcore_parallel>], iteration_bounds = array<i64: 2, 16>, scalar_prefetch = 0 : i64, scratch_operands = 10 : i64, tpu.core_type = #tpu.core_type<sc_vector_subcore>, window_params = [{transform_indices = #map}, {transform_indices = #map}, {transform_indices = #map}, {transform_indices = #map}]} {
    %mul3A = arith.constant 632 : i32
    %mul3A_0 = arith.muli %arg1, %mul3A : i32
    "tpu.region"() ({
      %run_scoped3A = tpu.sem_alloc : memref<!tpu.dma_semaphore, #tpu.memory_space<semaphore_mem>>
      %dma_start3A_90 = arith.constant 0 : i32
      %dma_start3A_91 = tpu.memref_slice %arg9[%mul3A_0, %dma_start3A_90] : memref<10112x64xf32, #tpu.memory_space<vmem_shared>> -> memref<632x64xf32, #tpu.memory_space<vmem_shared>>
      %dma_start3A_92 = arith.constant 0 : i32
      %dma_start3A_93 = arith.constant 0 : i32
      %dma_start3A_94 = tpu.memref_slice %arg2[%arg0, %dma_start3A_92, %dma_start3A_93] : memref<2x10112x64xf32, #tpu.memory_space<hbm>> -> memref<1x10112x64xf32, #tpu.memory_space<hbm>>
      %dma_start3A_95 = tpu.memref_squeeze %dma_start3A_94 : memref<1x10112x64xf32, #tpu.memory_space<hbm>> -> memref<10112x64xf32, #tpu.memory_space<hbm>>
      %dma_start3A_96 = arith.constant 0 : i32
      %dma_start3A_97 = tpu.memref_slice %dma_start3A_95[%mul3A_0, %dma_start3A_96] : memref<10112x64xf32, #tpu.memory_space<hbm>> -> memref<632x64xf32, #tpu.memory_space<hbm>>
      tpu.enqueue_dma source(%dma_start3A_97 : memref<632x64xf32, #tpu.memory_space<hbm>>) target(%dma_start3A_91 : memref<632x64xf32, #tpu.memory_space<vmem_shared>>) target_semaphore(%run_scoped3A : memref<!tpu.dma_semaphore, #tpu.memory_space<semaphore_mem>>)
      %dma_wait3A = arith.constant 0 : i32
      %dma_wait3A_98 = tpu.memref_slice %arg9[%mul3A_0, %dma_wait3A] : memref<10112x64xf32, #tpu.memory_space<vmem_shared>> -> memref<632x64xf32, #tpu.memory_space<vmem_shared>>
      %dma_wait3A_99 = arith.constant 0 : i32
      %dma_wait3A_100 = arith.constant 0 : i32
      %dma_wait3A_101 = tpu.memref_slice %arg2[%arg0, %dma_wait3A_99, %dma_wait3A_100] : memref<2x10112x64xf32, #tpu.memory_space<hbm>> -> memref<1x10112x64xf32, #tpu.memory_space<hbm>>
      %dma_wait3A_102 = tpu.memref_squeeze %dma_wait3A_101 : memref<1x10112x64xf32, #tpu.memory_space<hbm>> -> memref<10112x64xf32, #tpu.memory_space<hbm>>
      %dma_wait3A_103 = arith.constant 0 : i32
      %dma_wait3A_104 = tpu.memref_slice %dma_wait3A_102[%mul3A_0, %dma_wait3A_103] : memref<10112x64xf32, #tpu.memory_space<hbm>> -> memref<632x64xf32, #tpu.memory_space<hbm>>
      tpu.wait_dma2 semaphore(%run_scoped3A : memref<!tpu.dma_semaphore, #tpu.memory_space<semaphore_mem>>) src(%dma_wait3A_104 : memref<632x64xf32, #tpu.memory_space<hbm>>) dst(%dma_wait3A_98 : memref<632x64xf32, #tpu.memory_space<vmem_shared>>)
      tpu.yield
    }) : () -> ()
    "tpu.region"() ({
      %run_scoped3A = tpu.sem_alloc : memref<!tpu.dma_semaphore, #tpu.memory_space<semaphore_mem>>
      %dma_start3A_90 = arith.constant 0 : i32
      %dma_start3A_91 = arith.constant 0 : i32
      %dma_start3A_92 = tpu.memref_slice %arg3[%arg1, %dma_start3A_90, %dma_start3A_91] : memref<16x1212x32xi32, #tpu.memory_space<hbm>> -> memref<1x1212x32xi32, #tpu.memory_space<hbm>>
      %dma_start3A_93 = tpu.memref_squeeze %dma_start3A_92 : memref<1x1212x32xi32, #tpu.memory_space<hbm>> -> memref<1212x32xi32, #tpu.memory_space<hbm>>
      %dma_start3A_94 = arith.constant 0 : i32
      %dma_start3A_95 = arith.constant 0 : i32
      %dma_start3A_96 = tpu.memref_slice %arg3[%arg1, %dma_start3A_94, %dma_start3A_95] : memref<16x1212x32xi32, #tpu.memory_space<hbm>> -> memref<1x1212x32xi32, #tpu.memory_space<hbm>>
      %dma_start3A_97 = tpu.memref_squeeze %dma_start3A_96 : memref<1x1212x32xi32, #tpu.memory_space<hbm>> -> memref<1212x32xi32, #tpu.memory_space<hbm>>
      tpu.enqueue_dma source(%dma_start3A_97 : memref<1212x32xi32, #tpu.memory_space<hbm>>) target(%arg6 : memref<1212x32xi32, #tpu.memory_space<vmem>>) target_semaphore(%run_scoped3A : memref<!tpu.dma_semaphore, #tpu.memory_space<semaphore_mem>>)
      %dma_wait3A = arith.constant 0 : i32
      %dma_wait3A_98 = arith.constant 0 : i32
      %dma_wait3A_99 = tpu.memref_slice %arg3[%arg1, %dma_wait3A, %dma_wait3A_98] : memref<16x1212x32xi32, #tpu.memory_space<hbm>> -> memref<1x1212x32xi32, #tpu.memory_space<hbm>>
      %dma_wait3A_100 = tpu.memref_squeeze %dma_wait3A_99 : memref<1x1212x32xi32, #tpu.memory_space<hbm>> -> memref<1212x32xi32, #tpu.memory_space<hbm>>
      %dma_wait3A_101 = arith.constant 0 : i32
      %dma_wait3A_102 = arith.constant 0 : i32
      %dma_wait3A_103 = tpu.memref_slice %arg3[%arg1, %dma_wait3A_101, %dma_wait3A_102] : memref<16x1212x32xi32, #tpu.memory_space<hbm>> -> memref<1x1212x32xi32, #tpu.memory_space<hbm>>
      %dma_wait3A_104 = tpu.memref_squeeze %dma_wait3A_103 : memref<1x1212x32xi32, #tpu.memory_space<hbm>> -> memref<1212x32xi32, #tpu.memory_space<hbm>>
      tpu.wait_dma2 semaphore(%run_scoped3A : memref<!tpu.dma_semaphore, #tpu.memory_space<semaphore_mem>>) src(%dma_wait3A_104 : memref<1212x32xi32, #tpu.memory_space<hbm>>) dst(%arg6 : memref<1212x32xi32, #tpu.memory_space<vmem>>)
      tpu.yield
    }) : () -> ()
    "tpu.region"() ({
      %run_scoped3A = tpu.sem_alloc : memref<!tpu.dma_semaphore, #tpu.memory_space<semaphore_mem>>
      %dma_start3A_90 = arith.constant 0 : i32
      %dma_start3A_91 = arith.constant 0 : i32
      %dma_start3A_92 = tpu.memref_slice %arg4[%arg1, %dma_start3A_90, %dma_start3A_91] : memref<16x1212x32xi32, #tpu.memory_space<hbm>> -> memref<1x1212x32xi32, #tpu.memory_space<hbm>>
      %dma_start3A_93 = tpu.memref_squeeze %dma_start3A_92 : memref<1x1212x32xi32, #tpu.memory_space<hbm>> -> memref<1212x32xi32, #tpu.memory_space<hbm>>
      %dma_start3A_94 = arith.constant 0 : i32
      %dma_start3A_95 = arith.constant 0 : i32
      %dma_start3A_96 = tpu.memref_slice %arg4[%arg1, %dma_start3A_94, %dma_start3A_95] : memref<16x1212x32xi32, #tpu.memory_space<hbm>> -> memref<1x1212x32xi32, #tpu.memory_space<hbm>>
      %dma_start3A_97 = tpu.memref_squeeze %dma_start3A_96 : memref<1x1212x32xi32, #tpu.memory_space<hbm>> -> memref<1212x32xi32, #tpu.memory_space<hbm>>
      tpu.enqueue_dma source(%dma_start3A_97 : memref<1212x32xi32, #tpu.memory_space<hbm>>) target(%arg7 : memref<1212x32xi32, #tpu.memory_space<vmem>>) target_semaphore(%run_scoped3A : memref<!tpu.dma_semaphore, #tpu.memory_space<semaphore_mem>>)
      %dma_wait3A = arith.constant 0 : i32
      %dma_wait3A_98 = arith.constant 0 : i32
      %dma_wait3A_99 = tpu.memref_slice %arg4[%arg1, %dma_wait3A, %dma_wait3A_98] : memref<16x1212x32xi32, #tpu.memory_space<hbm>> -> memref<1x1212x32xi32, #tpu.memory_space<hbm>>
      %dma_wait3A_100 = tpu.memref_squeeze %dma_wait3A_99 : memref<1x1212x32xi32, #tpu.memory_space<hbm>> -> memref<1212x32xi32, #tpu.memory_space<hbm>>
      %dma_wait3A_101 = arith.constant 0 : i32
      %dma_wait3A_102 = arith.constant 0 : i32
      %dma_wait3A_103 = tpu.memref_slice %arg4[%arg1, %dma_wait3A_101, %dma_wait3A_102] : memref<16x1212x32xi32, #tpu.memory_space<hbm>> -> memref<1x1212x32xi32, #tpu.memory_space<hbm>>
      %dma_wait3A_104 = tpu.memref_squeeze %dma_wait3A_103 : memref<1x1212x32xi32, #tpu.memory_space<hbm>> -> memref<1212x32xi32, #tpu.memory_space<hbm>>
      tpu.wait_dma2 semaphore(%run_scoped3A : memref<!tpu.dma_semaphore, #tpu.memory_space<semaphore_mem>>) src(%dma_wait3A_104 : memref<1212x32xi32, #tpu.memory_space<hbm>>) dst(%arg7 : memref<1212x32xi32, #tpu.memory_space<vmem>>)
      tpu.yield
    }) : () -> ()
    %barrier3A = arith.constant 0 : index
    tpu.barrier barrier_id(%barrier3A)
    %dma_start3A = arith.constant 0 : i32
    %dma_start3A_1 = arith.constant 0 : i32
    %dma_start3A_2 = arith.constant 0 : i32
    %dma_start3A_3 = tpu.memref_slice %arg8[%dma_start3A_1, %dma_start3A_2] : memref<192x64xf32, #tpu.memory_space<vmem>> -> memref<32x64xf32, #tpu.memory_space<vmem>>
    %dma_start3A_4 = arith.constant 0 : i32
    %dma_start3A_5 = tpu.memref_slice %arg6[%dma_start3A, %dma_start3A_4] : memref<1212x32xi32, #tpu.memory_space<vmem>> -> memref<1x32xi32, #tpu.memory_space<vmem>>
    %dma_start3A_6 = tpu.memref_squeeze %dma_start3A_5 : memref<1x32xi32, #tpu.memory_space<vmem>> -> memref<32xi32, #tpu.memory_space<vmem>>
    %dma_start3A_7 = arith.constant 0 : i32
    %dma_start3A_8 = arith.constant 0 : i32
    %dma_start3A_9 = tpu.memref_slice %arg2[%arg0, %dma_start3A_7, %dma_start3A_8] : memref<2x10112x64xf32, #tpu.memory_space<hbm>> -> memref<1x10112x64xf32, #tpu.memory_space<hbm>>
    %dma_start3A_10 = tpu.memref_squeeze %dma_start3A_9 : memref<1x10112x64xf32, #tpu.memory_space<hbm>> -> memref<10112x64xf32, #tpu.memory_space<hbm>>
    %dma_start3A_11 = arith.constant 0 : i32
    %dma_start3A_12 = arith.constant 0 : i32
    %dma_start3A_13 = tpu.memref_slice %dma_start3A_10[%dma_start3A_11, %dma_start3A_12] : memref<10112x64xf32, #tpu.memory_space<hbm>> -> memref<10112x64xf32, #tpu.memory_space<hbm>>
    tpu.enqueue_indirect_dma source(%dma_start3A_13 : memref<10112x64xf32, #tpu.memory_space<hbm>>) target(%dma_start3A_3 : memref<32x64xf32, #tpu.memory_space<vmem>>) offsets(%dma_start3A_6 : memref<32xi32, #tpu.memory_space<vmem>>) semaphore(%arg10 : memref<!tpu.dma_semaphore, #tpu.memory_space<semaphore_mem>>)
    %dma_start3A_14 = arith.constant 1 : i32
    %dma_start3A_15 = arith.constant 32 : i32
    %dma_start3A_16 = arith.constant 0 : i32
    %dma_start3A_17 = tpu.memref_slice %arg8[%dma_start3A_15, %dma_start3A_16] : memref<192x64xf32, #tpu.memory_space<vmem>> -> memref<32x64xf32, #tpu.memory_space<vmem>>
    %dma_start3A_18 = arith.constant 0 : i32
    %dma_start3A_19 = tpu.memref_slice %arg6[%dma_start3A_14, %dma_start3A_18] : memref<1212x32xi32, #tpu.memory_space<vmem>> -> memref<1x32xi32, #tpu.memory_space<vmem>>
    %dma_start3A_20 = tpu.memref_squeeze %dma_start3A_19 : memref<1x32xi32, #tpu.memory_space<vmem>> -> memref<32xi32, #tpu.memory_space<vmem>>
    %dma_start3A_21 = arith.constant 0 : i32
    %dma_start3A_22 = arith.constant 0 : i32
    %dma_start3A_23 = tpu.memref_slice %arg2[%arg0, %dma_start3A_21, %dma_start3A_22] : memref<2x10112x64xf32, #tpu.memory_space<hbm>> -> memref<1x10112x64xf32, #tpu.memory_space<hbm>>
    %dma_start3A_24 = tpu.memref_squeeze %dma_start3A_23 : memref<1x10112x64xf32, #tpu.memory_space<hbm>> -> memref<10112x64xf32, #tpu.memory_space<hbm>>
    %dma_start3A_25 = arith.constant 0 : i32
    %dma_start3A_26 = arith.constant 0 : i32
    %dma_start3A_27 = tpu.memref_slice %dma_start3A_24[%dma_start3A_25, %dma_start3A_26] : memref<10112x64xf32, #tpu.memory_space<hbm>> -> memref<10112x64xf32, #tpu.memory_space<hbm>>
    tpu.enqueue_indirect_dma source(%dma_start3A_27 : memref<10112x64xf32, #tpu.memory_space<hbm>>) target(%dma_start3A_17 : memref<32x64xf32, #tpu.memory_space<vmem>>) offsets(%dma_start3A_20 : memref<32xi32, #tpu.memory_space<vmem>>) semaphore(%arg11 : memref<!tpu.dma_semaphore, #tpu.memory_space<semaphore_mem>>)
    %dma_start3A_28 = arith.constant 2 : i32
    %dma_start3A_29 = arith.constant 64 : i32
    %dma_start3A_30 = arith.constant 0 : i32
    %dma_start3A_31 = tpu.memref_slice %arg8[%dma_start3A_29, %dma_start3A_30] : memref<192x64xf32, #tpu.memory_space<vmem>> -> memref<32x64xf32, #tpu.memory_space<vmem>>
    %dma_start3A_32 = arith.constant 0 : i32
    %dma_start3A_33 = tpu.memref_slice %arg6[%dma_start3A_28, %dma_start3A_32] : memref<1212x32xi32, #tpu.memory_space<vmem>> -> memref<1x32xi32, #tpu.memory_space<vmem>>
    %dma_start3A_34 = tpu.memref_squeeze %dma_start3A_33 : memref<1x32xi32, #tpu.memory_space<vmem>> -> memref<32xi32, #tpu.memory_space<vmem>>
    %dma_start3A_35 = arith.constant 0 : i32
    %dma_start3A_36 = arith.constant 0 : i32
    %dma_start3A_37 = tpu.memref_slice %arg2[%arg0, %dma_start3A_35, %dma_start3A_36] : memref<2x10112x64xf32, #tpu.memory_space<hbm>> -> memref<1x10112x64xf32, #tpu.memory_space<hbm>>
    %dma_start3A_38 = tpu.memref_squeeze %dma_start3A_37 : memref<1x10112x64xf32, #tpu.memory_space<hbm>> -> memref<10112x64xf32, #tpu.memory_space<hbm>>
    %dma_start3A_39 = arith.constant 0 : i32
    %dma_start3A_40 = arith.constant 0 : i32
    %dma_start3A_41 = tpu.memref_slice %dma_start3A_38[%dma_start3A_39, %dma_start3A_40] : memref<10112x64xf32, #tpu.memory_space<hbm>> -> memref<10112x64xf32, #tpu.memory_space<hbm>>
    tpu.enqueue_indirect_dma source(%dma_start3A_41 : memref<10112x64xf32, #tpu.memory_space<hbm>>) target(%dma_start3A_31 : memref<32x64xf32, #tpu.memory_space<vmem>>) offsets(%dma_start3A_34 : memref<32xi32, #tpu.memory_space<vmem>>) semaphore(%arg12 : memref<!tpu.dma_semaphore, #tpu.memory_space<semaphore_mem>>)
    %dma_start3A_42 = arith.constant 3 : i32
    %dma_start3A_43 = arith.constant 96 : i32
    %dma_start3A_44 = arith.constant 0 : i32
    %dma_start3A_45 = tpu.memref_slice %arg8[%dma_start3A_43, %dma_start3A_44] : memref<192x64xf32, #tpu.memory_space<vmem>> -> memref<32x64xf32, #tpu.memory_space<vmem>>
    %dma_start3A_46 = arith.constant 0 : i32
    %dma_start3A_47 = tpu.memref_slice %arg6[%dma_start3A_42, %dma_start3A_46] : memref<1212x32xi32, #tpu.memory_space<vmem>> -> memref<1x32xi32, #tpu.memory_space<vmem>>
    %dma_start3A_48 = tpu.memref_squeeze %dma_start3A_47 : memref<1x32xi32, #tpu.memory_space<vmem>> -> memref<32xi32, #tpu.memory_space<vmem>>
    %dma_start3A_49 = arith.constant 0 : i32
    %dma_start3A_50 = arith.constant 0 : i32
    %dma_start3A_51 = tpu.memref_slice %arg2[%arg0, %dma_start3A_49, %dma_start3A_50] : memref<2x10112x64xf32, #tpu.memory_space<hbm>> -> memref<1x10112x64xf32, #tpu.memory_space<hbm>>
    %dma_start3A_52 = tpu.memref_squeeze %dma_start3A_51 : memref<1x10112x64xf32, #tpu.memory_space<hbm>> -> memref<10112x64xf32, #tpu.memory_space<hbm>>
    %dma_start3A_53 = arith.constant 0 : i32
    %dma_start3A_54 = arith.constant 0 : i32
    %dma_start3A_55 = tpu.memref_slice %dma_start3A_52[%dma_start3A_53, %dma_start3A_54] : memref<10112x64xf32, #tpu.memory_space<hbm>> -> memref<10112x64xf32, #tpu.memory_space<hbm>>
    tpu.enqueue_indirect_dma source(%dma_start3A_55 : memref<10112x64xf32, #tpu.memory_space<hbm>>) target(%dma_start3A_45 : memref<32x64xf32, #tpu.memory_space<vmem>>) offsets(%dma_start3A_48 : memref<32xi32, #tpu.memory_space<vmem>>) semaphore(%arg13 : memref<!tpu.dma_semaphore, #tpu.memory_space<semaphore_mem>>)
    %dma_start3A_56 = arith.constant 4 : i32
    %dma_start3A_57 = arith.constant 128 : i32
    %dma_start3A_58 = arith.constant 0 : i32
    %dma_start3A_59 = tpu.memref_slice %arg8[%dma_start3A_57, %dma_start3A_58] : memref<192x64xf32, #tpu.memory_space<vmem>> -> memref<32x64xf32, #tpu.memory_space<vmem>>
    %dma_start3A_60 = arith.constant 0 : i32
    %dma_start3A_61 = tpu.memref_slice %arg6[%dma_start3A_56, %dma_start3A_60] : memref<1212x32xi32, #tpu.memory_space<vmem>> -> memref<1x32xi32, #tpu.memory_space<vmem>>
    %dma_start3A_62 = tpu.memref_squeeze %dma_start3A_61 : memref<1x32xi32, #tpu.memory_space<vmem>> -> memref<32xi32, #tpu.memory_space<vmem>>
    %dma_start3A_63 = arith.constant 0 : i32
    %dma_start3A_64 = arith.constant 0 : i32
    %dma_start3A_65 = tpu.memref_slice %arg2[%arg0, %dma_start3A_63, %dma_start3A_64] : memref<2x10112x64xf32, #tpu.memory_space<hbm>> -> memref<1x10112x64xf32, #tpu.memory_space<hbm>>
    %dma_start3A_66 = tpu.memref_squeeze %dma_start3A_65 : memref<1x10112x64xf32, #tpu.memory_space<hbm>> -> memref<10112x64xf32, #tpu.memory_space<hbm>>
    %dma_start3A_67 = arith.constant 0 : i32
    %dma_start3A_68 = arith.constant 0 : i32
    %dma_start3A_69 = tpu.memref_slice %dma_start3A_66[%dma_start3A_67, %dma_start3A_68] : memref<10112x64xf32, #tpu.memory_space<hbm>> -> memref<10112x64xf32, #tpu.memory_space<hbm>>
    tpu.enqueue_indirect_dma source(%dma_start3A_69 : memref<10112x64xf32, #tpu.memory_space<hbm>>) target(%dma_start3A_59 : memref<32x64xf32, #tpu.memory_space<vmem>>) offsets(%dma_start3A_62 : memref<32xi32, #tpu.memory_space<vmem>>) semaphore(%arg14 : memref<!tpu.dma_semaphore, #tpu.memory_space<semaphore_mem>>)
    %dma_start3A_70 = arith.constant 5 : i32
    %dma_start3A_71 = arith.constant 160 : i32
    %dma_start3A_72 = arith.constant 0 : i32
    %dma_start3A_73 = tpu.memref_slice %arg8[%dma_start3A_71, %dma_start3A_72] : memref<192x64xf32, #tpu.memory_space<vmem>> -> memref<32x64xf32, #tpu.memory_space<vmem>>
    %dma_start3A_74 = arith.constant 0 : i32
    %dma_start3A_75 = tpu.memref_slice %arg6[%dma_start3A_70, %dma_start3A_74] : memref<1212x32xi32, #tpu.memory_space<vmem>> -> memref<1x32xi32, #tpu.memory_space<vmem>>
    %dma_start3A_76 = tpu.memref_squeeze %dma_start3A_75 : memref<1x32xi32, #tpu.memory_space<vmem>> -> memref<32xi32, #tpu.memory_space<vmem>>
    %dma_start3A_77 = arith.constant 0 : i32
    %dma_start3A_78 = arith.constant 0 : i32
    %dma_start3A_79 = tpu.memref_slice %arg2[%arg0, %dma_start3A_77, %dma_start3A_78] : memref<2x10112x64xf32, #tpu.memory_space<hbm>> -> memref<1x10112x64xf32, #tpu.memory_space<hbm>>
    %dma_start3A_80 = tpu.memref_squeeze %dma_start3A_79 : memref<1x10112x64xf32, #tpu.memory_space<hbm>> -> memref<10112x64xf32, #tpu.memory_space<hbm>>
    %dma_start3A_81 = arith.constant 0 : i32
    %dma_start3A_82 = arith.constant 0 : i32
    %dma_start3A_83 = tpu.memref_slice %dma_start3A_80[%dma_start3A_81, %dma_start3A_82] : memref<10112x64xf32, #tpu.memory_space<hbm>> -> memref<10112x64xf32, #tpu.memory_space<hbm>>
    tpu.enqueue_indirect_dma source(%dma_start3A_83 : memref<10112x64xf32, #tpu.memory_space<hbm>>) target(%dma_start3A_73 : memref<32x64xf32, #tpu.memory_space<vmem>>) offsets(%dma_start3A_76 : memref<32xi32, #tpu.memory_space<vmem>>) semaphore(%arg15 : memref<!tpu.dma_semaphore, #tpu.memory_space<semaphore_mem>>)
    %scan3A = arith.constant 0 : i32
    %scan3A_84 = arith.constant 0 : i32
    %scan3A_85 = arith.constant 202 : i32
    %scan3A_86 = arith.addi %scan3A_84, %scan3A_85 : i32
    %scan3A_87 = arith.constant 1 : i32
    scf.for %scan3A_90 = %scan3A_84 to %scan3A_86 step %scan3A_87  : i32 {
      %mul3A_91 = arith.constant 6 : i32
      %mul3A_92 = arith.muli %mul3A_91, %scan3A_90 : i32
      %dma_wait3A = arith.constant 0 : i32
      %dma_wait3A_93 = arith.constant 0 : i32
      %dma_wait3A_94 = tpu.memref_slice %arg8[%dma_wait3A, %dma_wait3A_93] : memref<192x64xf32, #tpu.memory_space<vmem>> -> memref<32x64xf32, #tpu.memory_space<vmem>>
      %dma_wait3A_95 = arith.constant 0 : i32
      %dma_wait3A_96 = arith.constant 0 : i32
      %dma_wait3A_97 = tpu.memref_slice %arg2[%arg0, %dma_wait3A_95, %dma_wait3A_96] : memref<2x10112x64xf32, #tpu.memory_space<hbm>> -> memref<1x10112x64xf32, #tpu.memory_space<hbm>>
      %dma_wait3A_98 = tpu.memref_squeeze %dma_wait3A_97 : memref<1x10112x64xf32, #tpu.memory_space<hbm>> -> memref<10112x64xf32, #tpu.memory_space<hbm>>
      %dma_wait3A_99 = arith.constant 0 : i32
      %dma_wait3A_100 = arith.constant 0 : i32
      %dma_wait3A_101 = tpu.memref_slice %dma_wait3A_98[%dma_wait3A_99, %dma_wait3A_100] : memref<10112x64xf32, #tpu.memory_space<hbm>> -> memref<32x64xf32, #tpu.memory_space<hbm>>
      %dma_wait3A_102 = arith.constant 0 : i32
      %dma_wait3A_103 = arith.constant 0 : i32
      %dma_wait3A_104 = tpu.memref_slice %arg8[%dma_wait3A_102, %dma_wait3A_103] : memref<192x64xf32, #tpu.memory_space<vmem>> -> memref<32x64xf32, #tpu.memory_space<vmem>>
      %dma_wait3A_105 = arith.constant 0 : i32
      %dma_wait3A_106 = arith.constant 0 : i32
      %dma_wait3A_107 = tpu.memref_slice %arg2[%arg0, %dma_wait3A_105, %dma_wait3A_106] : memref<2x10112x64xf32, #tpu.memory_space<hbm>> -> memref<1x10112x64xf32, #tpu.memory_space<hbm>>
      %dma_wait3A_108 = tpu.memref_squeeze %dma_wait3A_107 : memref<1x10112x64xf32, #tpu.memory_space<hbm>> -> memref<10112x64xf32, #tpu.memory_space<hbm>>
      %dma_wait3A_109 = arith.constant 0 : i32
      %dma_wait3A_110 = arith.constant 0 : i32
      %dma_wait3A_111 = tpu.memref_slice %dma_wait3A_108[%dma_wait3A_109, %dma_wait3A_110] : memref<10112x64xf32, #tpu.memory_space<hbm>> -> memref<32x64xf32, #tpu.memory_space<hbm>>
      tpu.wait_dma2 semaphore(%arg10 : memref<!tpu.dma_semaphore, #tpu.memory_space<semaphore_mem>>) src(%dma_wait3A_111 : memref<32x64xf32, #tpu.memory_space<hbm>>) dst(%dma_wait3A_104 : memref<32x64xf32, #tpu.memory_space<vmem>>)
      %add3A = arith.constant 0 : i32
      %add3A_112 = arith.addi %mul3A_92, %add3A : i32
      "tpu.region"() ({
        %run_scoped3A = tpu.sem_alloc : memref<!tpu.dma_semaphore, #tpu.memory_space<semaphore_mem>>
        %dma_start3A_274 = arith.constant 0 : i32
        %dma_start3A_275 = arith.constant 0 : i32
        %dma_start3A_276 = tpu.memref_slice %arg8[%dma_start3A_274, %dma_start3A_275] : memref<192x64xf32, #tpu.memory_space<vmem>> -> memref<32x64xf32, #tpu.memory_space<vmem>>
        %dma_start3A_277 = arith.constant 0 : i32
        %dma_start3A_278 = tpu.memref_slice %arg7[%add3A_112, %dma_start3A_277] : memref<1212x32xi32, #tpu.memory_space<vmem>> -> memref<1x32xi32, #tpu.memory_space<vmem>>
        %dma_start3A_279 = tpu.memref_squeeze %dma_start3A_278 : memref<1x32xi32, #tpu.memory_space<vmem>> -> memref<32xi32, #tpu.memory_space<vmem>>
        %dma_start3A_280 = arith.constant 0 : i32
        %dma_start3A_281 = arith.constant 0 : i32
        %dma_start3A_282 = tpu.memref_slice %arg9[%dma_start3A_280, %dma_start3A_281] : memref<10112x64xf32, #tpu.memory_space<vmem_shared>> -> memref<10112x64xf32, #tpu.memory_space<vmem_shared>>
        tpu.enqueue_indirect_dma source(%dma_start3A_276 : memref<32x64xf32, #tpu.memory_space<vmem>>) target(%dma_start3A_282 : memref<10112x64xf32, #tpu.memory_space<vmem_shared>>) offsets(%dma_start3A_279 : memref<32xi32, #tpu.memory_space<vmem>>) semaphore(%run_scoped3A : memref<!tpu.dma_semaphore, #tpu.memory_space<semaphore_mem>>) {add = true}
        %dma_wait3A_283 = arith.constant 0 : i32
        %dma_wait3A_284 = arith.constant 0 : i32
        %dma_wait3A_285 = tpu.memref_slice %arg8[%dma_wait3A_283, %dma_wait3A_284] : memref<192x64xf32, #tpu.memory_space<vmem>> -> memref<32x64xf32, #tpu.memory_space<vmem>>
        %dma_wait3A_286 = arith.constant 0 : i32
        %dma_wait3A_287 = tpu.memref_slice %arg7[%add3A_112, %dma_wait3A_286] : memref<1212x32xi32, #tpu.memory_space<vmem>> -> memref<1x32xi32, #tpu.memory_space<vmem>>
        %dma_wait3A_288 = tpu.memref_squeeze %dma_wait3A_287 : memref<1x32xi32, #tpu.memory_space<vmem>> -> memref<32xi32, #tpu.memory_space<vmem>>
        %dma_wait3A_289 = arith.constant 0 : i32
        %dma_wait3A_290 = arith.constant 0 : i32
        %dma_wait3A_291 = tpu.memref_slice %arg9[%dma_wait3A_289, %dma_wait3A_290] : memref<10112x64xf32, #tpu.memory_space<vmem_shared>> -> memref<10112x64xf32, #tpu.memory_space<vmem_shared>>
        tpu.wait_indirect_dma semaphore(%run_scoped3A : memref<!tpu.dma_semaphore, #tpu.memory_space<semaphore_mem>>) src(%dma_wait3A_285 : memref<32x64xf32, #tpu.memory_space<vmem>>) dst(%dma_wait3A_291 : memref<10112x64xf32, #tpu.memory_space<vmem_shared>>)
        tpu.yield
      }) : () -> ()
      %add3A_113 = arith.constant 0 : i32
      %add3A_114 = arith.addi %mul3A_92, %add3A_113 : i32
      %add3A_115 = arith.constant 6 : i32
      %add3A_116 = arith.addi %add3A_114, %add3A_115 : i32
      %lt3A = arith.constant 1212 : i32
      %lt3A_117 = arith.cmpi slt, %add3A_116, %lt3A : i32
      %convert_element_type3A = arith.extui %lt3A_117 : i1 to i32
      %cond3A = arith.constant 0 : i32
      %cond3A_118 = arith.cmpi ne, %convert_element_type3A, %cond3A : i32
      scf.if %cond3A_118 {
        %add3A_274 = arith.constant 0 : i32
        %add3A_275 = arith.addi %mul3A_92, %add3A_274 : i32
        %add3A_276 = arith.constant 6 : i32
        %add3A_277 = arith.addi %add3A_275, %add3A_276 : i32
        %dma_start3A_278 = arith.constant 0 : i32
        %dma_start3A_279 = arith.constant 0 : i32
        %dma_start3A_280 = tpu.memref_slice %arg8[%dma_start3A_278, %dma_start3A_279] : memref<192x64xf32, #tpu.memory_space<vmem>> -> memref<32x64xf32, #tpu.memory_space<vmem>>
        %dma_start3A_281 = arith.constant 0 : i32
        %dma_start3A_282 = tpu.memref_slice %arg6[%add3A_277, %dma_start3A_281] : memref<1212x32xi32, #tpu.memory_space<vmem>> -> memref<1x32xi32, #tpu.memory_space<vmem>>
        %dma_start3A_283 = tpu.memref_squeeze %dma_start3A_282 : memref<1x32xi32, #tpu.memory_space<vmem>> -> memref<32xi32, #tpu.memory_space<vmem>>
        %dma_start3A_284 = arith.constant 0 : i32
        %dma_start3A_285 = arith.constant 0 : i32
        %dma_start3A_286 = tpu.memref_slice %arg2[%arg0, %dma_start3A_284, %dma_start3A_285] : memref<2x10112x64xf32, #tpu.memory_space<hbm>> -> memref<1x10112x64xf32, #tpu.memory_space<hbm>>
        %dma_start3A_287 = tpu.memref_squeeze %dma_start3A_286 : memref<1x10112x64xf32, #tpu.memory_space<hbm>> -> memref<10112x64xf32, #tpu.memory_space<hbm>>
        %dma_start3A_288 = arith.constant 0 : i32
        %dma_start3A_289 = arith.constant 0 : i32
        %dma_start3A_290 = tpu.memref_slice %dma_start3A_287[%dma_start3A_288, %dma_start3A_289] : memref<10112x64xf32, #tpu.memory_space<hbm>> -> memref<10112x64xf32, #tpu.memory_space<hbm>>
        tpu.enqueue_indirect_dma source(%dma_start3A_290 : memref<10112x64xf32, #tpu.memory_space<hbm>>) target(%dma_start3A_280 : memref<32x64xf32, #tpu.memory_space<vmem>>) offsets(%dma_start3A_283 : memref<32xi32, #tpu.memory_space<vmem>>) semaphore(%arg10 : memref<!tpu.dma_semaphore, #tpu.memory_space<semaphore_mem>>)
      } else {
      }
      %dma_wait3A_119 = arith.constant 32 : i32
      %dma_wait3A_120 = arith.constant 0 : i32
      %dma_wait3A_121 = tpu.memref_slice %arg8[%dma_wait3A_119, %dma_wait3A_120] : memref<192x64xf32, #tpu.memory_space<vmem>> -> memref<32x64xf32, #tpu.memory_space<vmem>>
      %dma_wait3A_122 = arith.constant 0 : i32
      %dma_wait3A_123 = arith.constant 0 : i32
      %dma_wait3A_124 = tpu.memref_slice %arg2[%arg0, %dma_wait3A_122, %dma_wait3A_123] : memref<2x10112x64xf32, #tpu.memory_space<hbm>> -> memref<1x10112x64xf32, #tpu.memory_space<hbm>>
      %dma_wait3A_125 = tpu.memref_squeeze %dma_wait3A_124 : memref<1x10112x64xf32, #tpu.memory_space<hbm>> -> memref<10112x64xf32, #tpu.memory_space<hbm>>
      %dma_wait3A_126 = arith.constant 0 : i32
      %dma_wait3A_127 = arith.constant 0 : i32
      %dma_wait3A_128 = tpu.memref_slice %dma_wait3A_125[%dma_wait3A_126, %dma_wait3A_127] : memref<10112x64xf32, #tpu.memory_space<hbm>> -> memref<32x64xf32, #tpu.memory_space<hbm>>
      %dma_wait3A_129 = arith.constant 32 : i32
      %dma_wait3A_130 = arith.constant 0 : i32
      %dma_wait3A_131 = tpu.memref_slice %arg8[%dma_wait3A_129, %dma_wait3A_130] : memref<192x64xf32, #tpu.memory_space<vmem>> -> memref<32x64xf32, #tpu.memory_space<vmem>>
      %dma_wait3A_132 = arith.constant 0 : i32
      %dma_wait3A_133 = arith.constant 0 : i32
      %dma_wait3A_134 = tpu.memref_slice %arg2[%arg0, %dma_wait3A_132, %dma_wait3A_133] : memref<2x10112x64xf32, #tpu.memory_space<hbm>> -> memref<1x10112x64xf32, #tpu.memory_space<hbm>>
      %dma_wait3A_135 = tpu.memref_squeeze %dma_wait3A_134 : memref<1x10112x64xf32, #tpu.memory_space<hbm>> -> memref<10112x64xf32, #tpu.memory_space<hbm>>
      %dma_wait3A_136 = arith.constant 0 : i32
      %dma_wait3A_137 = arith.constant 0 : i32
      %dma_wait3A_138 = tpu.memref_slice %dma_wait3A_135[%dma_wait3A_136, %dma_wait3A_137] : memref<10112x64xf32, #tpu.memory_space<hbm>> -> memref<32x64xf32, #tpu.memory_space<hbm>>
      tpu.wait_dma2 semaphore(%arg11 : memref<!tpu.dma_semaphore, #tpu.memory_space<semaphore_mem>>) src(%dma_wait3A_138 : memref<32x64xf32, #tpu.memory_space<hbm>>) dst(%dma_wait3A_131 : memref<32x64xf32, #tpu.memory_space<vmem>>)
      %add3A_139 = arith.constant 1 : i32
      %add3A_140 = arith.addi %mul3A_92, %add3A_139 : i32
      "tpu.region"() ({
        %run_scoped3A = tpu.sem_alloc : memref<!tpu.dma_semaphore, #tpu.memory_space<semaphore_mem>>
        %dma_start3A_274 = arith.constant 32 : i32
        %dma_start3A_275 = arith.constant 0 : i32
        %dma_start3A_276 = tpu.memref_slice %arg8[%dma_start3A_274, %dma_start3A_275] : memref<192x64xf32, #tpu.memory_space<vmem>> -> memref<32x64xf32, #tpu.memory_space<vmem>>
        %dma_start3A_277 = arith.constant 0 : i32
        %dma_start3A_278 = tpu.memref_slice %arg7[%add3A_140, %dma_start3A_277] : memref<1212x32xi32, #tpu.memory_space<vmem>> -> memref<1x32xi32, #tpu.memory_space<vmem>>
        %dma_start3A_279 = tpu.memref_squeeze %dma_start3A_278 : memref<1x32xi32, #tpu.memory_space<vmem>> -> memref<32xi32, #tpu.memory_space<vmem>>
        %dma_start3A_280 = arith.constant 0 : i32
        %dma_start3A_281 = arith.constant 0 : i32
        %dma_start3A_282 = tpu.memref_slice %arg9[%dma_start3A_280, %dma_start3A_281] : memref<10112x64xf32, #tpu.memory_space<vmem_shared>> -> memref<10112x64xf32, #tpu.memory_space<vmem_shared>>
        tpu.enqueue_indirect_dma source(%dma_start3A_276 : memref<32x64xf32, #tpu.memory_space<vmem>>) target(%dma_start3A_282 : memref<10112x64xf32, #tpu.memory_space<vmem_shared>>) offsets(%dma_start3A_279 : memref<32xi32, #tpu.memory_space<vmem>>) semaphore(%run_scoped3A : memref<!tpu.dma_semaphore, #tpu.memory_space<semaphore_mem>>) {add = true}
        %dma_wait3A_283 = arith.constant 32 : i32
        %dma_wait3A_284 = arith.constant 0 : i32
        %dma_wait3A_285 = tpu.memref_slice %arg8[%dma_wait3A_283, %dma_wait3A_284] : memref<192x64xf32, #tpu.memory_space<vmem>> -> memref<32x64xf32, #tpu.memory_space<vmem>>
        %dma_wait3A_286 = arith.constant 0 : i32
        %dma_wait3A_287 = tpu.memref_slice %arg7[%add3A_140, %dma_wait3A_286] : memref<1212x32xi32, #tpu.memory_space<vmem>> -> memref<1x32xi32, #tpu.memory_space<vmem>>
        %dma_wait3A_288 = tpu.memref_squeeze %dma_wait3A_287 : memref<1x32xi32, #tpu.memory_space<vmem>> -> memref<32xi32, #tpu.memory_space<vmem>>
        %dma_wait3A_289 = arith.constant 0 : i32
        %dma_wait3A_290 = arith.constant 0 : i32
        %dma_wait3A_291 = tpu.memref_slice %arg9[%dma_wait3A_289, %dma_wait3A_290] : memref<10112x64xf32, #tpu.memory_space<vmem_shared>> -> memref<10112x64xf32, #tpu.memory_space<vmem_shared>>
        tpu.wait_indirect_dma semaphore(%run_scoped3A : memref<!tpu.dma_semaphore, #tpu.memory_space<semaphore_mem>>) src(%dma_wait3A_285 : memref<32x64xf32, #tpu.memory_space<vmem>>) dst(%dma_wait3A_291 : memref<10112x64xf32, #tpu.memory_space<vmem_shared>>)
        tpu.yield
      }) : () -> ()
      %add3A_141 = arith.constant 1 : i32
      %add3A_142 = arith.addi %mul3A_92, %add3A_141 : i32
      %add3A_143 = arith.constant 6 : i32
      %add3A_144 = arith.addi %add3A_142, %add3A_143 : i32
      %lt3A_145 = arith.constant 1212 : i32
      %lt3A_146 = arith.cmpi slt, %add3A_144, %lt3A_145 : i32
      %convert_element_type3A_147 = arith.extui %lt3A_146 : i1 to i32
      %cond3A_148 = arith.constant 0 : i32
      %cond3A_149 = arith.cmpi ne, %convert_element_type3A_147, %cond3A_148 : i32
      scf.if %cond3A_149 {
        %add3A_274 = arith.constant 1 : i32
        %add3A_275 = arith.addi %mul3A_92, %add3A_274 : i32
        %add3A_276 = arith.constant 6 : i32
        %add3A_277 = arith.addi %add3A_275, %add3A_276 : i32
        %dma_start3A_278 = arith.constant 32 : i32
        %dma_start3A_279 = arith.constant 0 : i32
        %dma_start3A_280 = tpu.memref_slice %arg8[%dma_start3A_278, %dma_start3A_279] : memref<192x64xf32, #tpu.memory_space<vmem>> -> memref<32x64xf32, #tpu.memory_space<vmem>>
        %dma_start3A_281 = arith.constant 0 : i32
        %dma_start3A_282 = tpu.memref_slice %arg6[%add3A_277, %dma_start3A_281] : memref<1212x32xi32, #tpu.memory_space<vmem>> -> memref<1x32xi32, #tpu.memory_space<vmem>>
        %dma_start3A_283 = tpu.memref_squeeze %dma_start3A_282 : memref<1x32xi32, #tpu.memory_space<vmem>> -> memref<32xi32, #tpu.memory_space<vmem>>
        %dma_start3A_284 = arith.constant 0 : i32
        %dma_start3A_285 = arith.constant 0 : i32
        %dma_start3A_286 = tpu.memref_slice %arg2[%arg0, %dma_start3A_284, %dma_start3A_285] : memref<2x10112x64xf32, #tpu.memory_space<hbm>> -> memref<1x10112x64xf32, #tpu.memory_space<hbm>>
        %dma_start3A_287 = tpu.memref_squeeze %dma_start3A_286 : memref<1x10112x64xf32, #tpu.memory_space<hbm>> -> memref<10112x64xf32, #tpu.memory_space<hbm>>
        %dma_start3A_288 = arith.constant 0 : i32
        %dma_start3A_289 = arith.constant 0 : i32
        %dma_start3A_290 = tpu.memref_slice %dma_start3A_287[%dma_start3A_288, %dma_start3A_289] : memref<10112x64xf32, #tpu.memory_space<hbm>> -> memref<10112x64xf32, #tpu.memory_space<hbm>>
        tpu.enqueue_indirect_dma source(%dma_start3A_290 : memref<10112x64xf32, #tpu.memory_space<hbm>>) target(%dma_start3A_280 : memref<32x64xf32, #tpu.memory_space<vmem>>) offsets(%dma_start3A_283 : memref<32xi32, #tpu.memory_space<vmem>>) semaphore(%arg11 : memref<!tpu.dma_semaphore, #tpu.memory_space<semaphore_mem>>)
      } else {
      }
      %dma_wait3A_150 = arith.constant 64 : i32
      %dma_wait3A_151 = arith.constant 0 : i32
      %dma_wait3A_152 = tpu.memref_slice %arg8[%dma_wait3A_150, %dma_wait3A_151] : memref<192x64xf32, #tpu.memory_space<vmem>> -> memref<32x64xf32, #tpu.memory_space<vmem>>
      %dma_wait3A_153 = arith.constant 0 : i32
      %dma_wait3A_154 = arith.constant 0 : i32
      %dma_wait3A_155 = tpu.memref_slice %arg2[%arg0, %dma_wait3A_153, %dma_wait3A_154] : memref<2x10112x64xf32, #tpu.memory_space<hbm>> -> memref<1x10112x64xf32, #tpu.memory_space<hbm>>
      %dma_wait3A_156 = tpu.memref_squeeze %dma_wait3A_155 : memref<1x10112x64xf32, #tpu.memory_space<hbm>> -> memref<10112x64xf32, #tpu.memory_space<hbm>>
      %dma_wait3A_157 = arith.constant 0 : i32
      %dma_wait3A_158 = arith.constant 0 : i32
      %dma_wait3A_159 = tpu.memref_slice %dma_wait3A_156[%dma_wait3A_157, %dma_wait3A_158] : memref<10112x64xf32, #tpu.memory_space<hbm>> -> memref<32x64xf32, #tpu.memory_space<hbm>>
      %dma_wait3A_160 = arith.constant 64 : i32
      %dma_wait3A_161 = arith.constant 0 : i32
      %dma_wait3A_162 = tpu.memref_slice %arg8[%dma_wait3A_160, %dma_wait3A_161] : memref<192x64xf32, #tpu.memory_space<vmem>> -> memref<32x64xf32, #tpu.memory_space<vmem>>
      %dma_wait3A_163 = arith.constant 0 : i32
      %dma_wait3A_164 = arith.constant 0 : i32
      %dma_wait3A_165 = tpu.memref_slice %arg2[%arg0, %dma_wait3A_163, %dma_wait3A_164] : memref<2x10112x64xf32, #tpu.memory_space<hbm>> -> memref<1x10112x64xf32, #tpu.memory_space<hbm>>
      %dma_wait3A_166 = tpu.memref_squeeze %dma_wait3A_165 : memref<1x10112x64xf32, #tpu.memory_space<hbm>> -> memref<10112x64xf32, #tpu.memory_space<hbm>>
      %dma_wait3A_167 = arith.constant 0 : i32
      %dma_wait3A_168 = arith.constant 0 : i32
      %dma_wait3A_169 = tpu.memref_slice %dma_wait3A_166[%dma_wait3A_167, %dma_wait3A_168] : memref<10112x64xf32, #tpu.memory_space<hbm>> -> memref<32x64xf32, #tpu.memory_space<hbm>>
      tpu.wait_dma2 semaphore(%arg12 : memref<!tpu.dma_semaphore, #tpu.memory_space<semaphore_mem>>) src(%dma_wait3A_169 : memref<32x64xf32, #tpu.memory_space<hbm>>) dst(%dma_wait3A_162 : memref<32x64xf32, #tpu.memory_space<vmem>>)
      %add3A_170 = arith.constant 2 : i32
      %add3A_171 = arith.addi %mul3A_92, %add3A_170 : i32
      "tpu.region"() ({
        %run_scoped3A = tpu.sem_alloc : memref<!tpu.dma_semaphore, #tpu.memory_space<semaphore_mem>>
        %dma_start3A_274 = arith.constant 64 : i32
        %dma_start3A_275 = arith.constant 0 : i32
        %dma_start3A_276 = tpu.memref_slice %arg8[%dma_start3A_274, %dma_start3A_275] : memref<192x64xf32, #tpu.memory_space<vmem>> -> memref<32x64xf32, #tpu.memory_space<vmem>>
        %dma_start3A_277 = arith.constant 0 : i32
        %dma_start3A_278 = tpu.memref_slice %arg7[%add3A_171, %dma_start3A_277] : memref<1212x32xi32, #tpu.memory_space<vmem>> -> memref<1x32xi32, #tpu.memory_space<vmem>>
        %dma_start3A_279 = tpu.memref_squeeze %dma_start3A_278 : memref<1x32xi32, #tpu.memory_space<vmem>> -> memref<32xi32, #tpu.memory_space<vmem>>
        %dma_start3A_280 = arith.constant 0 : i32
        %dma_start3A_281 = arith.constant 0 : i32
        %dma_start3A_282 = tpu.memref_slice %arg9[%dma_start3A_280, %dma_start3A_281] : memref<10112x64xf32, #tpu.memory_space<vmem_shared>> -> memref<10112x64xf32, #tpu.memory_space<vmem_shared>>
        tpu.enqueue_indirect_dma source(%dma_start3A_276 : memref<32x64xf32, #tpu.memory_space<vmem>>) target(%dma_start3A_282 : memref<10112x64xf32, #tpu.memory_space<vmem_shared>>) offsets(%dma_start3A_279 : memref<32xi32, #tpu.memory_space<vmem>>) semaphore(%run_scoped3A : memref<!tpu.dma_semaphore, #tpu.memory_space<semaphore_mem>>) {add = true}
        %dma_wait3A_283 = arith.constant 64 : i32
        %dma_wait3A_284 = arith.constant 0 : i32
        %dma_wait3A_285 = tpu.memref_slice %arg8[%dma_wait3A_283, %dma_wait3A_284] : memref<192x64xf32, #tpu.memory_space<vmem>> -> memref<32x64xf32, #tpu.memory_space<vmem>>
        %dma_wait3A_286 = arith.constant 0 : i32
        %dma_wait3A_287 = tpu.memref_slice %arg7[%add3A_171, %dma_wait3A_286] : memref<1212x32xi32, #tpu.memory_space<vmem>> -> memref<1x32xi32, #tpu.memory_space<vmem>>
        %dma_wait3A_288 = tpu.memref_squeeze %dma_wait3A_287 : memref<1x32xi32, #tpu.memory_space<vmem>> -> memref<32xi32, #tpu.memory_space<vmem>>
        %dma_wait3A_289 = arith.constant 0 : i32
        %dma_wait3A_290 = arith.constant 0 : i32
        %dma_wait3A_291 = tpu.memref_slice %arg9[%dma_wait3A_289, %dma_wait3A_290] : memref<10112x64xf32, #tpu.memory_space<vmem_shared>> -> memref<10112x64xf32, #tpu.memory_space<vmem_shared>>
        tpu.wait_indirect_dma semaphore(%run_scoped3A : memref<!tpu.dma_semaphore, #tpu.memory_space<semaphore_mem>>) src(%dma_wait3A_285 : memref<32x64xf32, #tpu.memory_space<vmem>>) dst(%dma_wait3A_291 : memref<10112x64xf32, #tpu.memory_space<vmem_shared>>)
        tpu.yield
      }) : () -> ()
      %add3A_172 = arith.constant 2 : i32
      %add3A_173 = arith.addi %mul3A_92, %add3A_172 : i32
      %add3A_174 = arith.constant 6 : i32
      %add3A_175 = arith.addi %add3A_173, %add3A_174 : i32
      %lt3A_176 = arith.constant 1212 : i32
      %lt3A_177 = arith.cmpi slt, %add3A_175, %lt3A_176 : i32
      %convert_element_type3A_178 = arith.extui %lt3A_177 : i1 to i32
      %cond3A_179 = arith.constant 0 : i32
      %cond3A_180 = arith.cmpi ne, %convert_element_type3A_178, %cond3A_179 : i32
      scf.if %cond3A_180 {
        %add3A_274 = arith.constant 2 : i32
        %add3A_275 = arith.addi %mul3A_92, %add3A_274 : i32
        %add3A_276 = arith.constant 6 : i32
        %add3A_277 = arith.addi %add3A_275, %add3A_276 : i32
        %dma_start3A_278 = arith.constant 64 : i32
        %dma_start3A_279 = arith.constant 0 : i32
        %dma_start3A_280 = tpu.memref_slice %arg8[%dma_start3A_278, %dma_start3A_279] : memref<192x64xf32, #tpu.memory_space<vmem>> -> memref<32x64xf32, #tpu.memory_space<vmem>>
        %dma_start3A_281 = arith.constant 0 : i32
        %dma_start3A_282 = tpu.memref_slice %arg6[%add3A_277, %dma_start3A_281] : memref<1212x32xi32, #tpu.memory_space<vmem>> -> memref<1x32xi32, #tpu.memory_space<vmem>>
        %dma_start3A_283 = tpu.memref_squeeze %dma_start3A_282 : memref<1x32xi32, #tpu.memory_space<vmem>> -> memref<32xi32, #tpu.memory_space<vmem>>
        %dma_start3A_284 = arith.constant 0 : i32
        %dma_start3A_285 = arith.constant 0 : i32
        %dma_start3A_286 = tpu.memref_slice %arg2[%arg0, %dma_start3A_284, %dma_start3A_285] : memref<2x10112x64xf32, #tpu.memory_space<hbm>> -> memref<1x10112x64xf32, #tpu.memory_space<hbm>>
        %dma_start3A_287 = tpu.memref_squeeze %dma_start3A_286 : memref<1x10112x64xf32, #tpu.memory_space<hbm>> -> memref<10112x64xf32, #tpu.memory_space<hbm>>
        %dma_start3A_288 = arith.constant 0 : i32
        %dma_start3A_289 = arith.constant 0 : i32
        %dma_start3A_290 = tpu.memref_slice %dma_start3A_287[%dma_start3A_288, %dma_start3A_289] : memref<10112x64xf32, #tpu.memory_space<hbm>> -> memref<10112x64xf32, #tpu.memory_space<hbm>>
        tpu.enqueue_indirect_dma source(%dma_start3A_290 : memref<10112x64xf32, #tpu.memory_space<hbm>>) target(%dma_start3A_280 : memref<32x64xf32, #tpu.memory_space<vmem>>) offsets(%dma_start3A_283 : memref<32xi32, #tpu.memory_space<vmem>>) semaphore(%arg12 : memref<!tpu.dma_semaphore, #tpu.memory_space<semaphore_mem>>)
      } else {
      }
      %dma_wait3A_181 = arith.constant 96 : i32
      %dma_wait3A_182 = arith.constant 0 : i32
      %dma_wait3A_183 = tpu.memref_slice %arg8[%dma_wait3A_181, %dma_wait3A_182] : memref<192x64xf32, #tpu.memory_space<vmem>> -> memref<32x64xf32, #tpu.memory_space<vmem>>
      %dma_wait3A_184 = arith.constant 0 : i32
      %dma_wait3A_185 = arith.constant 0 : i32
      %dma_wait3A_186 = tpu.memref_slice %arg2[%arg0, %dma_wait3A_184, %dma_wait3A_185] : memref<2x10112x64xf32, #tpu.memory_space<hbm>> -> memref<1x10112x64xf32, #tpu.memory_space<hbm>>
      %dma_wait3A_187 = tpu.memref_squeeze %dma_wait3A_186 : memref<1x10112x64xf32, #tpu.memory_space<hbm>> -> memref<10112x64xf32, #tpu.memory_space<hbm>>
      %dma_wait3A_188 = arith.constant 0 : i32
      %dma_wait3A_189 = arith.constant 0 : i32
      %dma_wait3A_190 = tpu.memref_slice %dma_wait3A_187[%dma_wait3A_188, %dma_wait3A_189] : memref<10112x64xf32, #tpu.memory_space<hbm>> -> memref<32x64xf32, #tpu.memory_space<hbm>>
      %dma_wait3A_191 = arith.constant 96 : i32
      %dma_wait3A_192 = arith.constant 0 : i32
      %dma_wait3A_193 = tpu.memref_slice %arg8[%dma_wait3A_191, %dma_wait3A_192] : memref<192x64xf32, #tpu.memory_space<vmem>> -> memref<32x64xf32, #tpu.memory_space<vmem>>
      %dma_wait3A_194 = arith.constant 0 : i32
      %dma_wait3A_195 = arith.constant 0 : i32
      %dma_wait3A_196 = tpu.memref_slice %arg2[%arg0, %dma_wait3A_194, %dma_wait3A_195] : memref<2x10112x64xf32, #tpu.memory_space<hbm>> -> memref<1x10112x64xf32, #tpu.memory_space<hbm>>
      %dma_wait3A_197 = tpu.memref_squeeze %dma_wait3A_196 : memref<1x10112x64xf32, #tpu.memory_space<hbm>> -> memref<10112x64xf32, #tpu.memory_space<hbm>>
      %dma_wait3A_198 = arith.constant 0 : i32
      %dma_wait3A_199 = arith.constant 0 : i32
      %dma_wait3A_200 = tpu.memref_slice %dma_wait3A_197[%dma_wait3A_198, %dma_wait3A_199] : memref<10112x64xf32, #tpu.memory_space<hbm>> -> memref<32x64xf32, #tpu.memory_space<hbm>>
      tpu.wait_dma2 semaphore(%arg13 : memref<!tpu.dma_semaphore, #tpu.memory_space<semaphore_mem>>) src(%dma_wait3A_200 : memref<32x64xf32, #tpu.memory_space<hbm>>) dst(%dma_wait3A_193 : memref<32x64xf32, #tpu.memory_space<vmem>>)
      %add3A_201 = arith.constant 3 : i32
      %add3A_202 = arith.addi %mul3A_92, %add3A_201 : i32
      "tpu.region"() ({
        %run_scoped3A = tpu.sem_alloc : memref<!tpu.dma_semaphore, #tpu.memory_space<semaphore_mem>>
        %dma_start3A_274 = arith.constant 96 : i32
        %dma_start3A_275 = arith.constant 0 : i32
        %dma_start3A_276 = tpu.memref_slice %arg8[%dma_start3A_274, %dma_start3A_275] : memref<192x64xf32, #tpu.memory_space<vmem>> -> memref<32x64xf32, #tpu.memory_space<vmem>>
        %dma_start3A_277 = arith.constant 0 : i32
        %dma_start3A_278 = tpu.memref_slice %arg7[%add3A_202, %dma_start3A_277] : memref<1212x32xi32, #tpu.memory_space<vmem>> -> memref<1x32xi32, #tpu.memory_space<vmem>>
        %dma_start3A_279 = tpu.memref_squeeze %dma_start3A_278 : memref<1x32xi32, #tpu.memory_space<vmem>> -> memref<32xi32, #tpu.memory_space<vmem>>
        %dma_start3A_280 = arith.constant 0 : i32
        %dma_start3A_281 = arith.constant 0 : i32
        %dma_start3A_282 = tpu.memref_slice %arg9[%dma_start3A_280, %dma_start3A_281] : memref<10112x64xf32, #tpu.memory_space<vmem_shared>> -> memref<10112x64xf32, #tpu.memory_space<vmem_shared>>
        tpu.enqueue_indirect_dma source(%dma_start3A_276 : memref<32x64xf32, #tpu.memory_space<vmem>>) target(%dma_start3A_282 : memref<10112x64xf32, #tpu.memory_space<vmem_shared>>) offsets(%dma_start3A_279 : memref<32xi32, #tpu.memory_space<vmem>>) semaphore(%run_scoped3A : memref<!tpu.dma_semaphore, #tpu.memory_space<semaphore_mem>>) {add = true}
        %dma_wait3A_283 = arith.constant 96 : i32
        %dma_wait3A_284 = arith.constant 0 : i32
        %dma_wait3A_285 = tpu.memref_slice %arg8[%dma_wait3A_283, %dma_wait3A_284] : memref<192x64xf32, #tpu.memory_space<vmem>> -> memref<32x64xf32, #tpu.memory_space<vmem>>
        %dma_wait3A_286 = arith.constant 0 : i32
        %dma_wait3A_287 = tpu.memref_slice %arg7[%add3A_202, %dma_wait3A_286] : memref<1212x32xi32, #tpu.memory_space<vmem>> -> memref<1x32xi32, #tpu.memory_space<vmem>>
        %dma_wait3A_288 = tpu.memref_squeeze %dma_wait3A_287 : memref<1x32xi32, #tpu.memory_space<vmem>> -> memref<32xi32, #tpu.memory_space<vmem>>
        %dma_wait3A_289 = arith.constant 0 : i32
        %dma_wait3A_290 = arith.constant 0 : i32
        %dma_wait3A_291 = tpu.memref_slice %arg9[%dma_wait3A_289, %dma_wait3A_290] : memref<10112x64xf32, #tpu.memory_space<vmem_shared>> -> memref<10112x64xf32, #tpu.memory_space<vmem_shared>>
        tpu.wait_indirect_dma semaphore(%run_scoped3A : memref<!tpu.dma_semaphore, #tpu.memory_space<semaphore_mem>>) src(%dma_wait3A_285 : memref<32x64xf32, #tpu.memory_space<vmem>>) dst(%dma_wait3A_291 : memref<10112x64xf32, #tpu.memory_space<vmem_shared>>)
        tpu.yield
      }) : () -> ()
      %add3A_203 = arith.constant 3 : i32
      %add3A_204 = arith.addi %mul3A_92, %add3A_203 : i32
      %add3A_205 = arith.constant 6 : i32
      %add3A_206 = arith.addi %add3A_204, %add3A_205 : i32
      %lt3A_207 = arith.constant 1212 : i32
      %lt3A_208 = arith.cmpi slt, %add3A_206, %lt3A_207 : i32
      %convert_element_type3A_209 = arith.extui %lt3A_208 : i1 to i32
      %cond3A_210 = arith.constant 0 : i32
      %cond3A_211 = arith.cmpi ne, %convert_element_type3A_209, %cond3A_210 : i32
      scf.if %cond3A_211 {
        %add3A_274 = arith.constant 3 : i32
        %add3A_275 = arith.addi %mul3A_92, %add3A_274 : i32
        %add3A_276 = arith.constant 6 : i32
        %add3A_277 = arith.addi %add3A_275, %add3A_276 : i32
        %dma_start3A_278 = arith.constant 96 : i32
        %dma_start3A_279 = arith.constant 0 : i32
        %dma_start3A_280 = tpu.memref_slice %arg8[%dma_start3A_278, %dma_start3A_279] : memref<192x64xf32, #tpu.memory_space<vmem>> -> memref<32x64xf32, #tpu.memory_space<vmem>>
        %dma_start3A_281 = arith.constant 0 : i32
        %dma_start3A_282 = tpu.memref_slice %arg6[%add3A_277, %dma_start3A_281] : memref<1212x32xi32, #tpu.memory_space<vmem>> -> memref<1x32xi32, #tpu.memory_space<vmem>>
        %dma_start3A_283 = tpu.memref_squeeze %dma_start3A_282 : memref<1x32xi32, #tpu.memory_space<vmem>> -> memref<32xi32, #tpu.memory_space<vmem>>
        %dma_start3A_284 = arith.constant 0 : i32
        %dma_start3A_285 = arith.constant 0 : i32
        %dma_start3A_286 = tpu.memref_slice %arg2[%arg0, %dma_start3A_284, %dma_start3A_285] : memref<2x10112x64xf32, #tpu.memory_space<hbm>> -> memref<1x10112x64xf32, #tpu.memory_space<hbm>>
        %dma_start3A_287 = tpu.memref_squeeze %dma_start3A_286 : memref<1x10112x64xf32, #tpu.memory_space<hbm>> -> memref<10112x64xf32, #tpu.memory_space<hbm>>
        %dma_start3A_288 = arith.constant 0 : i32
        %dma_start3A_289 = arith.constant 0 : i32
        %dma_start3A_290 = tpu.memref_slice %dma_start3A_287[%dma_start3A_288, %dma_start3A_289] : memref<10112x64xf32, #tpu.memory_space<hbm>> -> memref<10112x64xf32, #tpu.memory_space<hbm>>
        tpu.enqueue_indirect_dma source(%dma_start3A_290 : memref<10112x64xf32, #tpu.memory_space<hbm>>) target(%dma_start3A_280 : memref<32x64xf32, #tpu.memory_space<vmem>>) offsets(%dma_start3A_283 : memref<32xi32, #tpu.memory_space<vmem>>) semaphore(%arg13 : memref<!tpu.dma_semaphore, #tpu.memory_space<semaphore_mem>>)
      } else {
      }
      %dma_wait3A_212 = arith.constant 128 : i32
      %dma_wait3A_213 = arith.constant 0 : i32
      %dma_wait3A_214 = tpu.memref_slice %arg8[%dma_wait3A_212, %dma_wait3A_213] : memref<192x64xf32, #tpu.memory_space<vmem>> -> memref<32x64xf32, #tpu.memory_space<vmem>>
      %dma_wait3A_215 = arith.constant 0 : i32
      %dma_wait3A_216 = arith.constant 0 : i32
      %dma_wait3A_217 = tpu.memref_slice %arg2[%arg0, %dma_wait3A_215, %dma_wait3A_216] : memref<2x10112x64xf32, #tpu.memory_space<hbm>> -> memref<1x10112x64xf32, #tpu.memory_space<hbm>>
      %dma_wait3A_218 = tpu.memref_squeeze %dma_wait3A_217 : memref<1x10112x64xf32, #tpu.memory_space<hbm>> -> memref<10112x64xf32, #tpu.memory_space<hbm>>
      %dma_wait3A_219 = arith.constant 0 : i32
      %dma_wait3A_220 = arith.constant 0 : i32
      %dma_wait3A_221 = tpu.memref_slice %dma_wait3A_218[%dma_wait3A_219, %dma_wait3A_220] : memref<10112x64xf32, #tpu.memory_space<hbm>> -> memref<32x64xf32, #tpu.memory_space<hbm>>
      %dma_wait3A_222 = arith.constant 128 : i32
      %dma_wait3A_223 = arith.constant 0 : i32
      %dma_wait3A_224 = tpu.memref_slice %arg8[%dma_wait3A_222, %dma_wait3A_223] : memref<192x64xf32, #tpu.memory_space<vmem>> -> memref<32x64xf32, #tpu.memory_space<vmem>>
      %dma_wait3A_225 = arith.constant 0 : i32
      %dma_wait3A_226 = arith.constant 0 : i32
      %dma_wait3A_227 = tpu.memref_slice %arg2[%arg0, %dma_wait3A_225, %dma_wait3A_226] : memref<2x10112x64xf32, #tpu.memory_space<hbm>> -> memref<1x10112x64xf32, #tpu.memory_space<hbm>>
      %dma_wait3A_228 = tpu.memref_squeeze %dma_wait3A_227 : memref<1x10112x64xf32, #tpu.memory_space<hbm>> -> memref<10112x64xf32, #tpu.memory_space<hbm>>
      %dma_wait3A_229 = arith.constant 0 : i32
      %dma_wait3A_230 = arith.constant 0 : i32
      %dma_wait3A_231 = tpu.memref_slice %dma_wait3A_228[%dma_wait3A_229, %dma_wait3A_230] : memref<10112x64xf32, #tpu.memory_space<hbm>> -> memref<32x64xf32, #tpu.memory_space<hbm>>
      tpu.wait_dma2 semaphore(%arg14 : memref<!tpu.dma_semaphore, #tpu.memory_space<semaphore_mem>>) src(%dma_wait3A_231 : memref<32x64xf32, #tpu.memory_space<hbm>>) dst(%dma_wait3A_224 : memref<32x64xf32, #tpu.memory_space<vmem>>)
      %add3A_232 = arith.constant 4 : i32
      %add3A_233 = arith.addi %mul3A_92, %add3A_232 : i32
      "tpu.region"() ({
        %run_scoped3A = tpu.sem_alloc : memref<!tpu.dma_semaphore, #tpu.memory_space<semaphore_mem>>
        %dma_start3A_274 = arith.constant 128 : i32
        %dma_start3A_275 = arith.constant 0 : i32
        %dma_start3A_276 = tpu.memref_slice %arg8[%dma_start3A_274, %dma_start3A_275] : memref<192x64xf32, #tpu.memory_space<vmem>> -> memref<32x64xf32, #tpu.memory_space<vmem>>
        %dma_start3A_277 = arith.constant 0 : i32
        %dma_start3A_278 = tpu.memref_slice %arg7[%add3A_233, %dma_start3A_277] : memref<1212x32xi32, #tpu.memory_space<vmem>> -> memref<1x32xi32, #tpu.memory_space<vmem>>
        %dma_start3A_279 = tpu.memref_squeeze %dma_start3A_278 : memref<1x32xi32, #tpu.memory_space<vmem>> -> memref<32xi32, #tpu.memory_space<vmem>>
        %dma_start3A_280 = arith.constant 0 : i32
        %dma_start3A_281 = arith.constant 0 : i32
        %dma_start3A_282 = tpu.memref_slice %arg9[%dma_start3A_280, %dma_start3A_281] : memref<10112x64xf32, #tpu.memory_space<vmem_shared>> -> memref<10112x64xf32, #tpu.memory_space<vmem_shared>>
        tpu.enqueue_indirect_dma source(%dma_start3A_276 : memref<32x64xf32, #tpu.memory_space<vmem>>) target(%dma_start3A_282 : memref<10112x64xf32, #tpu.memory_space<vmem_shared>>) offsets(%dma_start3A_279 : memref<32xi32, #tpu.memory_space<vmem>>) semaphore(%run_scoped3A : memref<!tpu.dma_semaphore, #tpu.memory_space<semaphore_mem>>) {add = true}
        %dma_wait3A_283 = arith.constant 128 : i32
        %dma_wait3A_284 = arith.constant 0 : i32
        %dma_wait3A_285 = tpu.memref_slice %arg8[%dma_wait3A_283, %dma_wait3A_284] : memref<192x64xf32, #tpu.memory_space<vmem>> -> memref<32x64xf32, #tpu.memory_space<vmem>>
        %dma_wait3A_286 = arith.constant 0 : i32
        %dma_wait3A_287 = tpu.memref_slice %arg7[%add3A_233, %dma_wait3A_286] : memref<1212x32xi32, #tpu.memory_space<vmem>> -> memref<1x32xi32, #tpu.memory_space<vmem>>
        %dma_wait3A_288 = tpu.memref_squeeze %dma_wait3A_287 : memref<1x32xi32, #tpu.memory_space<vmem>> -> memref<32xi32, #tpu.memory_space<vmem>>
        %dma_wait3A_289 = arith.constant 0 : i32
        %dma_wait3A_290 = arith.constant 0 : i32
        %dma_wait3A_291 = tpu.memref_slice %arg9[%dma_wait3A_289, %dma_wait3A_290] : memref<10112x64xf32, #tpu.memory_space<vmem_shared>> -> memref<10112x64xf32, #tpu.memory_space<vmem_shared>>
        tpu.wait_indirect_dma semaphore(%run_scoped3A : memref<!tpu.dma_semaphore, #tpu.memory_space<semaphore_mem>>) src(%dma_wait3A_285 : memref<32x64xf32, #tpu.memory_space<vmem>>) dst(%dma_wait3A_291 : memref<10112x64xf32, #tpu.memory_space<vmem_shared>>)
        tpu.yield
      }) : () -> ()
      %add3A_234 = arith.constant 4 : i32
      %add3A_235 = arith.addi %mul3A_92, %add3A_234 : i32
      %add3A_236 = arith.constant 6 : i32
      %add3A_237 = arith.addi %add3A_235, %add3A_236 : i32
      %lt3A_238 = arith.constant 1212 : i32
      %lt3A_239 = arith.cmpi slt, %add3A_237, %lt3A_238 : i32
      %convert_element_type3A_240 = arith.extui %lt3A_239 : i1 to i32
      %cond3A_241 = arith.constant 0 : i32
      %cond3A_242 = arith.cmpi ne, %convert_element_type3A_240, %cond3A_241 : i32
      scf.if %cond3A_242 {
        %add3A_274 = arith.constant 4 : i32
        %add3A_275 = arith.addi %mul3A_92, %add3A_274 : i32
        %add3A_276 = arith.constant 6 : i32
        %add3A_277 = arith.addi %add3A_275, %add3A_276 : i32
        %dma_start3A_278 = arith.constant 128 : i32
        %dma_start3A_279 = arith.constant 0 : i32
        %dma_start3A_280 = tpu.memref_slice %arg8[%dma_start3A_278, %dma_start3A_279] : memref<192x64xf32, #tpu.memory_space<vmem>> -> memref<32x64xf32, #tpu.memory_space<vmem>>
        %dma_start3A_281 = arith.constant 0 : i32
        %dma_start3A_282 = tpu.memref_slice %arg6[%add3A_277, %dma_start3A_281] : memref<1212x32xi32, #tpu.memory_space<vmem>> -> memref<1x32xi32, #tpu.memory_space<vmem>>
        %dma_start3A_283 = tpu.memref_squeeze %dma_start3A_282 : memref<1x32xi32, #tpu.memory_space<vmem>> -> memref<32xi32, #tpu.memory_space<vmem>>
        %dma_start3A_284 = arith.constant 0 : i32
        %dma_start3A_285 = arith.constant 0 : i32
        %dma_start3A_286 = tpu.memref_slice %arg2[%arg0, %dma_start3A_284, %dma_start3A_285] : memref<2x10112x64xf32, #tpu.memory_space<hbm>> -> memref<1x10112x64xf32, #tpu.memory_space<hbm>>
        %dma_start3A_287 = tpu.memref_squeeze %dma_start3A_286 : memref<1x10112x64xf32, #tpu.memory_space<hbm>> -> memref<10112x64xf32, #tpu.memory_space<hbm>>
        %dma_start3A_288 = arith.constant 0 : i32
        %dma_start3A_289 = arith.constant 0 : i32
        %dma_start3A_290 = tpu.memref_slice %dma_start3A_287[%dma_start3A_288, %dma_start3A_289] : memref<10112x64xf32, #tpu.memory_space<hbm>> -> memref<10112x64xf32, #tpu.memory_space<hbm>>
        tpu.enqueue_indirect_dma source(%dma_start3A_290 : memref<10112x64xf32, #tpu.memory_space<hbm>>) target(%dma_start3A_280 : memref<32x64xf32, #tpu.memory_space<vmem>>) offsets(%dma_start3A_283 : memref<32xi32, #tpu.memory_space<vmem>>) semaphore(%arg14 : memref<!tpu.dma_semaphore, #tpu.memory_space<semaphore_mem>>)
      } else {
      }
      %dma_wait3A_243 = arith.constant 160 : i32
      %dma_wait3A_244 = arith.constant 0 : i32
      %dma_wait3A_245 = tpu.memref_slice %arg8[%dma_wait3A_243, %dma_wait3A_244] : memref<192x64xf32, #tpu.memory_space<vmem>> -> memref<32x64xf32, #tpu.memory_space<vmem>>
      %dma_wait3A_246 = arith.constant 0 : i32
      %dma_wait3A_247 = arith.constant 0 : i32
      %dma_wait3A_248 = tpu.memref_slice %arg2[%arg0, %dma_wait3A_246, %dma_wait3A_247] : memref<2x10112x64xf32, #tpu.memory_space<hbm>> -> memref<1x10112x64xf32, #tpu.memory_space<hbm>>
      %dma_wait3A_249 = tpu.memref_squeeze %dma_wait3A_248 : memref<1x10112x64xf32, #tpu.memory_space<hbm>> -> memref<10112x64xf32, #tpu.memory_space<hbm>>
      %dma_wait3A_250 = arith.constant 0 : i32
      %dma_wait3A_251 = arith.constant 0 : i32
      %dma_wait3A_252 = tpu.memref_slice %dma_wait3A_249[%dma_wait3A_250, %dma_wait3A_251] : memref<10112x64xf32, #tpu.memory_space<hbm>> -> memref<32x64xf32, #tpu.memory_space<hbm>>
      %dma_wait3A_253 = arith.constant 160 : i32
      %dma_wait3A_254 = arith.constant 0 : i32
      %dma_wait3A_255 = tpu.memref_slice %arg8[%dma_wait3A_253, %dma_wait3A_254] : memref<192x64xf32, #tpu.memory_space<vmem>> -> memref<32x64xf32, #tpu.memory_space<vmem>>
      %dma_wait3A_256 = arith.constant 0 : i32
      %dma_wait3A_257 = arith.constant 0 : i32
      %dma_wait3A_258 = tpu.memref_slice %arg2[%arg0, %dma_wait3A_256, %dma_wait3A_257] : memref<2x10112x64xf32, #tpu.memory_space<hbm>> -> memref<1x10112x64xf32, #tpu.memory_space<hbm>>
      %dma_wait3A_259 = tpu.memref_squeeze %dma_wait3A_258 : memref<1x10112x64xf32, #tpu.memory_space<hbm>> -> memref<10112x64xf32, #tpu.memory_space<hbm>>
      %dma_wait3A_260 = arith.constant 0 : i32
      %dma_wait3A_261 = arith.constant 0 : i32
      %dma_wait3A_262 = tpu.memref_slice %dma_wait3A_259[%dma_wait3A_260, %dma_wait3A_261] : memref<10112x64xf32, #tpu.memory_space<hbm>> -> memref<32x64xf32, #tpu.memory_space<hbm>>
      tpu.wait_dma2 semaphore(%arg15 : memref<!tpu.dma_semaphore, #tpu.memory_space<semaphore_mem>>) src(%dma_wait3A_262 : memref<32x64xf32, #tpu.memory_space<hbm>>) dst(%dma_wait3A_255 : memref<32x64xf32, #tpu.memory_space<vmem>>)
      %add3A_263 = arith.constant 5 : i32
      %add3A_264 = arith.addi %mul3A_92, %add3A_263 : i32
      "tpu.region"() ({
        %run_scoped3A = tpu.sem_alloc : memref<!tpu.dma_semaphore, #tpu.memory_space<semaphore_mem>>
        %dma_start3A_274 = arith.constant 160 : i32
        %dma_start3A_275 = arith.constant 0 : i32
        %dma_start3A_276 = tpu.memref_slice %arg8[%dma_start3A_274, %dma_start3A_275] : memref<192x64xf32, #tpu.memory_space<vmem>> -> memref<32x64xf32, #tpu.memory_space<vmem>>
        %dma_start3A_277 = arith.constant 0 : i32
        %dma_start3A_278 = tpu.memref_slice %arg7[%add3A_264, %dma_start3A_277] : memref<1212x32xi32, #tpu.memory_space<vmem>> -> memref<1x32xi32, #tpu.memory_space<vmem>>
        %dma_start3A_279 = tpu.memref_squeeze %dma_start3A_278 : memref<1x32xi32, #tpu.memory_space<vmem>> -> memref<32xi32, #tpu.memory_space<vmem>>
        %dma_start3A_280 = arith.constant 0 : i32
        %dma_start3A_281 = arith.constant 0 : i32
        %dma_start3A_282 = tpu.memref_slice %arg9[%dma_start3A_280, %dma_start3A_281] : memref<10112x64xf32, #tpu.memory_space<vmem_shared>> -> memref<10112x64xf32, #tpu.memory_space<vmem_shared>>
        tpu.enqueue_indirect_dma source(%dma_start3A_276 : memref<32x64xf32, #tpu.memory_space<vmem>>) target(%dma_start3A_282 : memref<10112x64xf32, #tpu.memory_space<vmem_shared>>) offsets(%dma_start3A_279 : memref<32xi32, #tpu.memory_space<vmem>>) semaphore(%run_scoped3A : memref<!tpu.dma_semaphore, #tpu.memory_space<semaphore_mem>>) {add = true}
        %dma_wait3A_283 = arith.constant 160 : i32
        %dma_wait3A_284 = arith.constant 0 : i32
        %dma_wait3A_285 = tpu.memref_slice %arg8[%dma_wait3A_283, %dma_wait3A_284] : memref<192x64xf32, #tpu.memory_space<vmem>> -> memref<32x64xf32, #tpu.memory_space<vmem>>
        %dma_wait3A_286 = arith.constant 0 : i32
        %dma_wait3A_287 = tpu.memref_slice %arg7[%add3A_264, %dma_wait3A_286] : memref<1212x32xi32, #tpu.memory_space<vmem>> -> memref<1x32xi32, #tpu.memory_space<vmem>>
        %dma_wait3A_288 = tpu.memref_squeeze %dma_wait3A_287 : memref<1x32xi32, #tpu.memory_space<vmem>> -> memref<32xi32, #tpu.memory_space<vmem>>
        %dma_wait3A_289 = arith.constant 0 : i32
        %dma_wait3A_290 = arith.constant 0 : i32
        %dma_wait3A_291 = tpu.memref_slice %arg9[%dma_wait3A_289, %dma_wait3A_290] : memref<10112x64xf32, #tpu.memory_space<vmem_shared>> -> memref<10112x64xf32, #tpu.memory_space<vmem_shared>>
        tpu.wait_indirect_dma semaphore(%run_scoped3A : memref<!tpu.dma_semaphore, #tpu.memory_space<semaphore_mem>>) src(%dma_wait3A_285 : memref<32x64xf32, #tpu.memory_space<vmem>>) dst(%dma_wait3A_291 : memref<10112x64xf32, #tpu.memory_space<vmem_shared>>)
        tpu.yield
      }) : () -> ()
      %add3A_265 = arith.constant 5 : i32
      %add3A_266 = arith.addi %mul3A_92, %add3A_265 : i32
      %add3A_267 = arith.constant 6 : i32
      %add3A_268 = arith.addi %add3A_266, %add3A_267 : i32
      %lt3A_269 = arith.constant 1212 : i32
      %lt3A_270 = arith.cmpi slt, %add3A_268, %lt3A_269 : i32
      %convert_element_type3A_271 = arith.extui %lt3A_270 : i1 to i32
      %cond3A_272 = arith.constant 0 : i32
      %cond3A_273 = arith.cmpi ne, %convert_element_type3A_271, %cond3A_272 : i32
      scf.if %cond3A_273 {
        %add3A_274 = arith.constant 5 : i32
        %add3A_275 = arith.addi %mul3A_92, %add3A_274 : i32
        %add3A_276 = arith.constant 6 : i32
        %add3A_277 = arith.addi %add3A_275, %add3A_276 : i32
        %dma_start3A_278 = arith.constant 160 : i32
        %dma_start3A_279 = arith.constant 0 : i32
        %dma_start3A_280 = tpu.memref_slice %arg8[%dma_start3A_278, %dma_start3A_279] : memref<192x64xf32, #tpu.memory_space<vmem>> -> memref<32x64xf32, #tpu.memory_space<vmem>>
        %dma_start3A_281 = arith.constant 0 : i32
        %dma_start3A_282 = tpu.memref_slice %arg6[%add3A_277, %dma_start3A_281] : memref<1212x32xi32, #tpu.memory_space<vmem>> -> memref<1x32xi32, #tpu.memory_space<vmem>>
        %dma_start3A_283 = tpu.memref_squeeze %dma_start3A_282 : memref<1x32xi32, #tpu.memory_space<vmem>> -> memref<32xi32, #tpu.memory_space<vmem>>
        %dma_start3A_284 = arith.constant 0 : i32
        %dma_start3A_285 = arith.constant 0 : i32
        %dma_start3A_286 = tpu.memref_slice %arg2[%arg0, %dma_start3A_284, %dma_start3A_285] : memref<2x10112x64xf32, #tpu.memory_space<hbm>> -> memref<1x10112x64xf32, #tpu.memory_space<hbm>>
        %dma_start3A_287 = tpu.memref_squeeze %dma_start3A_286 : memref<1x10112x64xf32, #tpu.memory_space<hbm>> -> memref<10112x64xf32, #tpu.memory_space<hbm>>
        %dma_start3A_288 = arith.constant 0 : i32
        %dma_start3A_289 = arith.constant 0 : i32
        %dma_start3A_290 = tpu.memref_slice %dma_start3A_287[%dma_start3A_288, %dma_start3A_289] : memref<10112x64xf32, #tpu.memory_space<hbm>> -> memref<10112x64xf32, #tpu.memory_space<hbm>>
        tpu.enqueue_indirect_dma source(%dma_start3A_290 : memref<10112x64xf32, #tpu.memory_space<hbm>>) target(%dma_start3A_280 : memref<32x64xf32, #tpu.memory_space<vmem>>) offsets(%dma_start3A_283 : memref<32xi32, #tpu.memory_space<vmem>>) semaphore(%arg15 : memref<!tpu.dma_semaphore, #tpu.memory_space<semaphore_mem>>)
      } else {
      }
    }
    %scan3A_88 = arith.constant 202 : i32
    %barrier3A_89 = arith.constant 0 : index
    tpu.barrier barrier_id(%barrier3A_89)
    "tpu.region"() ({
      %run_scoped3A = tpu.sem_alloc : memref<!tpu.dma_semaphore, #tpu.memory_space<semaphore_mem>>
      %dma_start3A_90 = arith.constant 0 : i32
      %dma_start3A_91 = tpu.memref_slice %arg5[%arg0, %mul3A_0, %dma_start3A_90] : memref<2x10112x64xf32, #tpu.memory_space<hbm>> -> memref<1x632x64xf32, #tpu.memory_space<hbm>>
      %dma_start3A_92 = tpu.memref_squeeze %dma_start3A_91 : memref<1x632x64xf32, #tpu.memory_space<hbm>> -> memref<632x64xf32, #tpu.memory_space<hbm>>
      %dma_start3A_93 = arith.constant 0 : i32
      %dma_start3A_94 = tpu.memref_slice %arg9[%mul3A_0, %dma_start3A_93] : memref<10112x64xf32, #tpu.memory_space<vmem_shared>> -> memref<632x64xf32, #tpu.memory_space<vmem_shared>>
      tpu.enqueue_dma source(%dma_start3A_94 : memref<632x64xf32, #tpu.memory_space<vmem_shared>>) target(%dma_start3A_92 : memref<632x64xf32, #tpu.memory_space<hbm>>) target_semaphore(%run_scoped3A : memref<!tpu.dma_semaphore, #tpu.memory_space<semaphore_mem>>)
      %dma_wait3A = arith.constant 0 : i32
      %dma_wait3A_95 = tpu.memref_slice %arg5[%arg0, %mul3A_0, %dma_wait3A] : memref<2x10112x64xf32, #tpu.memory_space<hbm>> -> memref<1x632x64xf32, #tpu.memory_space<hbm>>
      %dma_wait3A_96 = tpu.memref_squeeze %dma_wait3A_95 : memref<1x632x64xf32, #tpu.memory_space<hbm>> -> memref<632x64xf32, #tpu.memory_space<hbm>>
      %dma_wait3A_97 = arith.constant 0 : i32
      %dma_wait3A_98 = tpu.memref_slice %arg9[%mul3A_0, %dma_wait3A_97] : memref<10112x64xf32, #tpu.memory_space<vmem_shared>> -> memref<632x64xf32, #tpu.memory_space<vmem_shared>>
      tpu.wait_dma2 semaphore(%run_scoped3A : memref<!tpu.dma_semaphore, #tpu.memory_space<semaphore_mem>>) src(%dma_wait3A_98 : memref<632x64xf32, #tpu.memory_space<vmem_shared>>) dst(%dma_wait3A_96 : memref<632x64xf32, #tpu.memory_space<hbm>>)
      tpu.yield
    }) : () -> ()
    return
  }
}

#map = affine_map<(d0, d1) -> (0, 0, 0)>
module attributes {stable_mosaic.version = 14 : i64} {
  func.func @prop(%arg0: i32, %arg1: i32, %arg2: memref<2x10112x64xf32, #tpu.memory_space<hbm>>, %arg3: memref<16x40x32xi32, #tpu.memory_space<hbm>>, %arg4: memref<16x40x32xi32, #tpu.memory_space<hbm>>, %arg5: memref<2x10112x64xf32, #tpu.memory_space<hbm>>, %arg6: memref<40x32xi32, #tpu.memory_space<vmem>>, %arg7: memref<40x32xi32, #tpu.memory_space<vmem>>, %arg8: memref<128x64xf32, #tpu.memory_space<vmem>>, %arg9: memref<10112x64xf32, #tpu.memory_space<vmem_shared>>, %arg10: memref<!tpu.dma_semaphore, #tpu.memory_space<semaphore_mem>>, %arg11: memref<!tpu.dma_semaphore, #tpu.memory_space<semaphore_mem>>, %arg12: memref<!tpu.dma_semaphore, #tpu.memory_space<semaphore_mem>>, %arg13: memref<!tpu.dma_semaphore, #tpu.memory_space<semaphore_mem>>) attributes {dimension_semantics = [#tpu.dimension_semantics<core_parallel>, #tpu.dimension_semantics<subcore_parallel>], iteration_bounds = array<i64: 2, 16>, scalar_prefetch = 0 : i64, scratch_operands = 8 : i64, tpu.core_type = #tpu.core_type<sc_vector_subcore>, window_params = [{transform_indices = #map}, {transform_indices = #map}, {transform_indices = #map}, {transform_indices = #map}]} {
    %mul3A = arith.constant 632 : i32
    %mul3A_0 = arith.muli %arg1, %mul3A : i32
    "tpu.region"() ({
      %run_scoped3A = tpu.sem_alloc : memref<!tpu.dma_semaphore, #tpu.memory_space<semaphore_mem>>
      %dma_start3A_62 = arith.constant 0 : i32
      %dma_start3A_63 = tpu.memref_slice %arg9[%mul3A_0, %dma_start3A_62] : memref<10112x64xf32, #tpu.memory_space<vmem_shared>> -> memref<632x64xf32, #tpu.memory_space<vmem_shared>>
      %dma_start3A_64 = arith.constant 0 : i32
      %dma_start3A_65 = arith.constant 0 : i32
      %dma_start3A_66 = tpu.memref_slice %arg2[%arg0, %dma_start3A_64, %dma_start3A_65] : memref<2x10112x64xf32, #tpu.memory_space<hbm>> -> memref<1x10112x64xf32, #tpu.memory_space<hbm>>
      %dma_start3A_67 = tpu.memref_squeeze %dma_start3A_66 : memref<1x10112x64xf32, #tpu.memory_space<hbm>> -> memref<10112x64xf32, #tpu.memory_space<hbm>>
      %dma_start3A_68 = arith.constant 0 : i32
      %dma_start3A_69 = tpu.memref_slice %dma_start3A_67[%mul3A_0, %dma_start3A_68] : memref<10112x64xf32, #tpu.memory_space<hbm>> -> memref<632x64xf32, #tpu.memory_space<hbm>>
      tpu.enqueue_dma source(%dma_start3A_69 : memref<632x64xf32, #tpu.memory_space<hbm>>) target(%dma_start3A_63 : memref<632x64xf32, #tpu.memory_space<vmem_shared>>) target_semaphore(%run_scoped3A : memref<!tpu.dma_semaphore, #tpu.memory_space<semaphore_mem>>)
      %dma_wait3A = arith.constant 0 : i32
      %dma_wait3A_70 = tpu.memref_slice %arg9[%mul3A_0, %dma_wait3A] : memref<10112x64xf32, #tpu.memory_space<vmem_shared>> -> memref<632x64xf32, #tpu.memory_space<vmem_shared>>
      %dma_wait3A_71 = arith.constant 0 : i32
      %dma_wait3A_72 = arith.constant 0 : i32
      %dma_wait3A_73 = tpu.memref_slice %arg2[%arg0, %dma_wait3A_71, %dma_wait3A_72] : memref<2x10112x64xf32, #tpu.memory_space<hbm>> -> memref<1x10112x64xf32, #tpu.memory_space<hbm>>
      %dma_wait3A_74 = tpu.memref_squeeze %dma_wait3A_73 : memref<1x10112x64xf32, #tpu.memory_space<hbm>> -> memref<10112x64xf32, #tpu.memory_space<hbm>>
      %dma_wait3A_75 = arith.constant 0 : i32
      %dma_wait3A_76 = tpu.memref_slice %dma_wait3A_74[%mul3A_0, %dma_wait3A_75] : memref<10112x64xf32, #tpu.memory_space<hbm>> -> memref<632x64xf32, #tpu.memory_space<hbm>>
      tpu.wait_dma2 semaphore(%run_scoped3A : memref<!tpu.dma_semaphore, #tpu.memory_space<semaphore_mem>>) src(%dma_wait3A_76 : memref<632x64xf32, #tpu.memory_space<hbm>>) dst(%dma_wait3A_70 : memref<632x64xf32, #tpu.memory_space<vmem_shared>>)
      tpu.yield
    }) : () -> ()
    "tpu.region"() ({
      %run_scoped3A = tpu.sem_alloc : memref<!tpu.dma_semaphore, #tpu.memory_space<semaphore_mem>>
      %dma_start3A_62 = arith.constant 0 : i32
      %dma_start3A_63 = arith.constant 0 : i32
      %dma_start3A_64 = tpu.memref_slice %arg3[%arg1, %dma_start3A_62, %dma_start3A_63] : memref<16x40x32xi32, #tpu.memory_space<hbm>> -> memref<1x40x32xi32, #tpu.memory_space<hbm>>
      %dma_start3A_65 = tpu.memref_squeeze %dma_start3A_64 : memref<1x40x32xi32, #tpu.memory_space<hbm>> -> memref<40x32xi32, #tpu.memory_space<hbm>>
      %dma_start3A_66 = arith.constant 0 : i32
      %dma_start3A_67 = arith.constant 0 : i32
      %dma_start3A_68 = tpu.memref_slice %arg3[%arg1, %dma_start3A_66, %dma_start3A_67] : memref<16x40x32xi32, #tpu.memory_space<hbm>> -> memref<1x40x32xi32, #tpu.memory_space<hbm>>
      %dma_start3A_69 = tpu.memref_squeeze %dma_start3A_68 : memref<1x40x32xi32, #tpu.memory_space<hbm>> -> memref<40x32xi32, #tpu.memory_space<hbm>>
      tpu.enqueue_dma source(%dma_start3A_69 : memref<40x32xi32, #tpu.memory_space<hbm>>) target(%arg6 : memref<40x32xi32, #tpu.memory_space<vmem>>) target_semaphore(%run_scoped3A : memref<!tpu.dma_semaphore, #tpu.memory_space<semaphore_mem>>)
      %dma_wait3A = arith.constant 0 : i32
      %dma_wait3A_70 = arith.constant 0 : i32
      %dma_wait3A_71 = tpu.memref_slice %arg3[%arg1, %dma_wait3A, %dma_wait3A_70] : memref<16x40x32xi32, #tpu.memory_space<hbm>> -> memref<1x40x32xi32, #tpu.memory_space<hbm>>
      %dma_wait3A_72 = tpu.memref_squeeze %dma_wait3A_71 : memref<1x40x32xi32, #tpu.memory_space<hbm>> -> memref<40x32xi32, #tpu.memory_space<hbm>>
      %dma_wait3A_73 = arith.constant 0 : i32
      %dma_wait3A_74 = arith.constant 0 : i32
      %dma_wait3A_75 = tpu.memref_slice %arg3[%arg1, %dma_wait3A_73, %dma_wait3A_74] : memref<16x40x32xi32, #tpu.memory_space<hbm>> -> memref<1x40x32xi32, #tpu.memory_space<hbm>>
      %dma_wait3A_76 = tpu.memref_squeeze %dma_wait3A_75 : memref<1x40x32xi32, #tpu.memory_space<hbm>> -> memref<40x32xi32, #tpu.memory_space<hbm>>
      tpu.wait_dma2 semaphore(%run_scoped3A : memref<!tpu.dma_semaphore, #tpu.memory_space<semaphore_mem>>) src(%dma_wait3A_76 : memref<40x32xi32, #tpu.memory_space<hbm>>) dst(%arg6 : memref<40x32xi32, #tpu.memory_space<vmem>>)
      tpu.yield
    }) : () -> ()
    "tpu.region"() ({
      %run_scoped3A = tpu.sem_alloc : memref<!tpu.dma_semaphore, #tpu.memory_space<semaphore_mem>>
      %dma_start3A_62 = arith.constant 0 : i32
      %dma_start3A_63 = arith.constant 0 : i32
      %dma_start3A_64 = tpu.memref_slice %arg4[%arg1, %dma_start3A_62, %dma_start3A_63] : memref<16x40x32xi32, #tpu.memory_space<hbm>> -> memref<1x40x32xi32, #tpu.memory_space<hbm>>
      %dma_start3A_65 = tpu.memref_squeeze %dma_start3A_64 : memref<1x40x32xi32, #tpu.memory_space<hbm>> -> memref<40x32xi32, #tpu.memory_space<hbm>>
      %dma_start3A_66 = arith.constant 0 : i32
      %dma_start3A_67 = arith.constant 0 : i32
      %dma_start3A_68 = tpu.memref_slice %arg4[%arg1, %dma_start3A_66, %dma_start3A_67] : memref<16x40x32xi32, #tpu.memory_space<hbm>> -> memref<1x40x32xi32, #tpu.memory_space<hbm>>
      %dma_start3A_69 = tpu.memref_squeeze %dma_start3A_68 : memref<1x40x32xi32, #tpu.memory_space<hbm>> -> memref<40x32xi32, #tpu.memory_space<hbm>>
      tpu.enqueue_dma source(%dma_start3A_69 : memref<40x32xi32, #tpu.memory_space<hbm>>) target(%arg7 : memref<40x32xi32, #tpu.memory_space<vmem>>) target_semaphore(%run_scoped3A : memref<!tpu.dma_semaphore, #tpu.memory_space<semaphore_mem>>)
      %dma_wait3A = arith.constant 0 : i32
      %dma_wait3A_70 = arith.constant 0 : i32
      %dma_wait3A_71 = tpu.memref_slice %arg4[%arg1, %dma_wait3A, %dma_wait3A_70] : memref<16x40x32xi32, #tpu.memory_space<hbm>> -> memref<1x40x32xi32, #tpu.memory_space<hbm>>
      %dma_wait3A_72 = tpu.memref_squeeze %dma_wait3A_71 : memref<1x40x32xi32, #tpu.memory_space<hbm>> -> memref<40x32xi32, #tpu.memory_space<hbm>>
      %dma_wait3A_73 = arith.constant 0 : i32
      %dma_wait3A_74 = arith.constant 0 : i32
      %dma_wait3A_75 = tpu.memref_slice %arg4[%arg1, %dma_wait3A_73, %dma_wait3A_74] : memref<16x40x32xi32, #tpu.memory_space<hbm>> -> memref<1x40x32xi32, #tpu.memory_space<hbm>>
      %dma_wait3A_76 = tpu.memref_squeeze %dma_wait3A_75 : memref<1x40x32xi32, #tpu.memory_space<hbm>> -> memref<40x32xi32, #tpu.memory_space<hbm>>
      tpu.wait_dma2 semaphore(%run_scoped3A : memref<!tpu.dma_semaphore, #tpu.memory_space<semaphore_mem>>) src(%dma_wait3A_76 : memref<40x32xi32, #tpu.memory_space<hbm>>) dst(%arg7 : memref<40x32xi32, #tpu.memory_space<vmem>>)
      tpu.yield
    }) : () -> ()
    %barrier3A = arith.constant 0 : index
    tpu.barrier barrier_id(%barrier3A)
    %dma_start3A = arith.constant 0 : i32
    %dma_start3A_1 = arith.constant 0 : i32
    %dma_start3A_2 = arith.constant 0 : i32
    %dma_start3A_3 = tpu.memref_slice %arg8[%dma_start3A_1, %dma_start3A_2] : memref<128x64xf32, #tpu.memory_space<vmem>> -> memref<32x64xf32, #tpu.memory_space<vmem>>
    %dma_start3A_4 = arith.constant 0 : i32
    %dma_start3A_5 = tpu.memref_slice %arg6[%dma_start3A, %dma_start3A_4] : memref<40x32xi32, #tpu.memory_space<vmem>> -> memref<1x32xi32, #tpu.memory_space<vmem>>
    %dma_start3A_6 = tpu.memref_squeeze %dma_start3A_5 : memref<1x32xi32, #tpu.memory_space<vmem>> -> memref<32xi32, #tpu.memory_space<vmem>>
    %dma_start3A_7 = arith.constant 0 : i32
    %dma_start3A_8 = arith.constant 0 : i32
    %dma_start3A_9 = tpu.memref_slice %arg2[%arg0, %dma_start3A_7, %dma_start3A_8] : memref<2x10112x64xf32, #tpu.memory_space<hbm>> -> memref<1x10112x64xf32, #tpu.memory_space<hbm>>
    %dma_start3A_10 = tpu.memref_squeeze %dma_start3A_9 : memref<1x10112x64xf32, #tpu.memory_space<hbm>> -> memref<10112x64xf32, #tpu.memory_space<hbm>>
    %dma_start3A_11 = arith.constant 0 : i32
    %dma_start3A_12 = arith.constant 0 : i32
    %dma_start3A_13 = tpu.memref_slice %dma_start3A_10[%dma_start3A_11, %dma_start3A_12] : memref<10112x64xf32, #tpu.memory_space<hbm>> -> memref<10112x64xf32, #tpu.memory_space<hbm>>
    tpu.enqueue_indirect_dma source(%dma_start3A_13 : memref<10112x64xf32, #tpu.memory_space<hbm>>) target(%dma_start3A_3 : memref<32x64xf32, #tpu.memory_space<vmem>>) offsets(%dma_start3A_6 : memref<32xi32, #tpu.memory_space<vmem>>) semaphore(%arg10 : memref<!tpu.dma_semaphore, #tpu.memory_space<semaphore_mem>>)
    %dma_start3A_14 = arith.constant 1 : i32
    %dma_start3A_15 = arith.constant 32 : i32
    %dma_start3A_16 = arith.constant 0 : i32
    %dma_start3A_17 = tpu.memref_slice %arg8[%dma_start3A_15, %dma_start3A_16] : memref<128x64xf32, #tpu.memory_space<vmem>> -> memref<32x64xf32, #tpu.memory_space<vmem>>
    %dma_start3A_18 = arith.constant 0 : i32
    %dma_start3A_19 = tpu.memref_slice %arg6[%dma_start3A_14, %dma_start3A_18] : memref<40x32xi32, #tpu.memory_space<vmem>> -> memref<1x32xi32, #tpu.memory_space<vmem>>
    %dma_start3A_20 = tpu.memref_squeeze %dma_start3A_19 : memref<1x32xi32, #tpu.memory_space<vmem>> -> memref<32xi32, #tpu.memory_space<vmem>>
    %dma_start3A_21 = arith.constant 0 : i32
    %dma_start3A_22 = arith.constant 0 : i32
    %dma_start3A_23 = tpu.memref_slice %arg2[%arg0, %dma_start3A_21, %dma_start3A_22] : memref<2x10112x64xf32, #tpu.memory_space<hbm>> -> memref<1x10112x64xf32, #tpu.memory_space<hbm>>
    %dma_start3A_24 = tpu.memref_squeeze %dma_start3A_23 : memref<1x10112x64xf32, #tpu.memory_space<hbm>> -> memref<10112x64xf32, #tpu.memory_space<hbm>>
    %dma_start3A_25 = arith.constant 0 : i32
    %dma_start3A_26 = arith.constant 0 : i32
    %dma_start3A_27 = tpu.memref_slice %dma_start3A_24[%dma_start3A_25, %dma_start3A_26] : memref<10112x64xf32, #tpu.memory_space<hbm>> -> memref<10112x64xf32, #tpu.memory_space<hbm>>
    tpu.enqueue_indirect_dma source(%dma_start3A_27 : memref<10112x64xf32, #tpu.memory_space<hbm>>) target(%dma_start3A_17 : memref<32x64xf32, #tpu.memory_space<vmem>>) offsets(%dma_start3A_20 : memref<32xi32, #tpu.memory_space<vmem>>) semaphore(%arg11 : memref<!tpu.dma_semaphore, #tpu.memory_space<semaphore_mem>>)
    %dma_start3A_28 = arith.constant 2 : i32
    %dma_start3A_29 = arith.constant 64 : i32
    %dma_start3A_30 = arith.constant 0 : i32
    %dma_start3A_31 = tpu.memref_slice %arg8[%dma_start3A_29, %dma_start3A_30] : memref<128x64xf32, #tpu.memory_space<vmem>> -> memref<32x64xf32, #tpu.memory_space<vmem>>
    %dma_start3A_32 = arith.constant 0 : i32
    %dma_start3A_33 = tpu.memref_slice %arg6[%dma_start3A_28, %dma_start3A_32] : memref<40x32xi32, #tpu.memory_space<vmem>> -> memref<1x32xi32, #tpu.memory_space<vmem>>
    %dma_start3A_34 = tpu.memref_squeeze %dma_start3A_33 : memref<1x32xi32, #tpu.memory_space<vmem>> -> memref<32xi32, #tpu.memory_space<vmem>>
    %dma_start3A_35 = arith.constant 0 : i32
    %dma_start3A_36 = arith.constant 0 : i32
    %dma_start3A_37 = tpu.memref_slice %arg2[%arg0, %dma_start3A_35, %dma_start3A_36] : memref<2x10112x64xf32, #tpu.memory_space<hbm>> -> memref<1x10112x64xf32, #tpu.memory_space<hbm>>
    %dma_start3A_38 = tpu.memref_squeeze %dma_start3A_37 : memref<1x10112x64xf32, #tpu.memory_space<hbm>> -> memref<10112x64xf32, #tpu.memory_space<hbm>>
    %dma_start3A_39 = arith.constant 0 : i32
    %dma_start3A_40 = arith.constant 0 : i32
    %dma_start3A_41 = tpu.memref_slice %dma_start3A_38[%dma_start3A_39, %dma_start3A_40] : memref<10112x64xf32, #tpu.memory_space<hbm>> -> memref<10112x64xf32, #tpu.memory_space<hbm>>
    tpu.enqueue_indirect_dma source(%dma_start3A_41 : memref<10112x64xf32, #tpu.memory_space<hbm>>) target(%dma_start3A_31 : memref<32x64xf32, #tpu.memory_space<vmem>>) offsets(%dma_start3A_34 : memref<32xi32, #tpu.memory_space<vmem>>) semaphore(%arg12 : memref<!tpu.dma_semaphore, #tpu.memory_space<semaphore_mem>>)
    %dma_start3A_42 = arith.constant 3 : i32
    %dma_start3A_43 = arith.constant 96 : i32
    %dma_start3A_44 = arith.constant 0 : i32
    %dma_start3A_45 = tpu.memref_slice %arg8[%dma_start3A_43, %dma_start3A_44] : memref<128x64xf32, #tpu.memory_space<vmem>> -> memref<32x64xf32, #tpu.memory_space<vmem>>
    %dma_start3A_46 = arith.constant 0 : i32
    %dma_start3A_47 = tpu.memref_slice %arg6[%dma_start3A_42, %dma_start3A_46] : memref<40x32xi32, #tpu.memory_space<vmem>> -> memref<1x32xi32, #tpu.memory_space<vmem>>
    %dma_start3A_48 = tpu.memref_squeeze %dma_start3A_47 : memref<1x32xi32, #tpu.memory_space<vmem>> -> memref<32xi32, #tpu.memory_space<vmem>>
    %dma_start3A_49 = arith.constant 0 : i32
    %dma_start3A_50 = arith.constant 0 : i32
    %dma_start3A_51 = tpu.memref_slice %arg2[%arg0, %dma_start3A_49, %dma_start3A_50] : memref<2x10112x64xf32, #tpu.memory_space<hbm>> -> memref<1x10112x64xf32, #tpu.memory_space<hbm>>
    %dma_start3A_52 = tpu.memref_squeeze %dma_start3A_51 : memref<1x10112x64xf32, #tpu.memory_space<hbm>> -> memref<10112x64xf32, #tpu.memory_space<hbm>>
    %dma_start3A_53 = arith.constant 0 : i32
    %dma_start3A_54 = arith.constant 0 : i32
    %dma_start3A_55 = tpu.memref_slice %dma_start3A_52[%dma_start3A_53, %dma_start3A_54] : memref<10112x64xf32, #tpu.memory_space<hbm>> -> memref<10112x64xf32, #tpu.memory_space<hbm>>
    tpu.enqueue_indirect_dma source(%dma_start3A_55 : memref<10112x64xf32, #tpu.memory_space<hbm>>) target(%dma_start3A_45 : memref<32x64xf32, #tpu.memory_space<vmem>>) offsets(%dma_start3A_48 : memref<32xi32, #tpu.memory_space<vmem>>) semaphore(%arg13 : memref<!tpu.dma_semaphore, #tpu.memory_space<semaphore_mem>>)
    %scan3A = arith.constant 0 : i32
    %scan3A_56 = arith.constant 0 : i32
    %scan3A_57 = arith.constant 10 : i32
    %scan3A_58 = arith.addi %scan3A_56, %scan3A_57 : i32
    %scan3A_59 = arith.constant 1 : i32
    scf.for %scan3A_62 = %scan3A_56 to %scan3A_58 step %scan3A_59  : i32 {
      %mul3A_63 = arith.constant 4 : i32
      %mul3A_64 = arith.muli %mul3A_63, %scan3A_62 : i32
      %dma_wait3A = arith.constant 0 : i32
      %dma_wait3A_65 = arith.constant 0 : i32
      %dma_wait3A_66 = tpu.memref_slice %arg8[%dma_wait3A, %dma_wait3A_65] : memref<128x64xf32, #tpu.memory_space<vmem>> -> memref<32x64xf32, #tpu.memory_space<vmem>>
      %dma_wait3A_67 = arith.constant 0 : i32
      %dma_wait3A_68 = arith.constant 0 : i32
      %dma_wait3A_69 = tpu.memref_slice %arg2[%arg0, %dma_wait3A_67, %dma_wait3A_68] : memref<2x10112x64xf32, #tpu.memory_space<hbm>> -> memref<1x10112x64xf32, #tpu.memory_space<hbm>>
      %dma_wait3A_70 = tpu.memref_squeeze %dma_wait3A_69 : memref<1x10112x64xf32, #tpu.memory_space<hbm>> -> memref<10112x64xf32, #tpu.memory_space<hbm>>
      %dma_wait3A_71 = arith.constant 0 : i32
      %dma_wait3A_72 = arith.constant 0 : i32
      %dma_wait3A_73 = tpu.memref_slice %dma_wait3A_70[%dma_wait3A_71, %dma_wait3A_72] : memref<10112x64xf32, #tpu.memory_space<hbm>> -> memref<32x64xf32, #tpu.memory_space<hbm>>
      %dma_wait3A_74 = arith.constant 0 : i32
      %dma_wait3A_75 = arith.constant 0 : i32
      %dma_wait3A_76 = tpu.memref_slice %arg8[%dma_wait3A_74, %dma_wait3A_75] : memref<128x64xf32, #tpu.memory_space<vmem>> -> memref<32x64xf32, #tpu.memory_space<vmem>>
      %dma_wait3A_77 = arith.constant 0 : i32
      %dma_wait3A_78 = arith.constant 0 : i32
      %dma_wait3A_79 = tpu.memref_slice %arg2[%arg0, %dma_wait3A_77, %dma_wait3A_78] : memref<2x10112x64xf32, #tpu.memory_space<hbm>> -> memref<1x10112x64xf32, #tpu.memory_space<hbm>>
      %dma_wait3A_80 = tpu.memref_squeeze %dma_wait3A_79 : memref<1x10112x64xf32, #tpu.memory_space<hbm>> -> memref<10112x64xf32, #tpu.memory_space<hbm>>
      %dma_wait3A_81 = arith.constant 0 : i32
      %dma_wait3A_82 = arith.constant 0 : i32
      %dma_wait3A_83 = tpu.memref_slice %dma_wait3A_80[%dma_wait3A_81, %dma_wait3A_82] : memref<10112x64xf32, #tpu.memory_space<hbm>> -> memref<32x64xf32, #tpu.memory_space<hbm>>
      tpu.wait_dma2 semaphore(%arg10 : memref<!tpu.dma_semaphore, #tpu.memory_space<semaphore_mem>>) src(%dma_wait3A_83 : memref<32x64xf32, #tpu.memory_space<hbm>>) dst(%dma_wait3A_76 : memref<32x64xf32, #tpu.memory_space<vmem>>)
      %add3A = arith.constant 0 : i32
      %add3A_84 = arith.addi %mul3A_64, %add3A : i32
      "tpu.region"() ({
        %run_scoped3A = tpu.sem_alloc : memref<!tpu.dma_semaphore, #tpu.memory_space<semaphore_mem>>
        %dma_start3A_184 = arith.constant 0 : i32
        %dma_start3A_185 = arith.constant 0 : i32
        %dma_start3A_186 = tpu.memref_slice %arg8[%dma_start3A_184, %dma_start3A_185] : memref<128x64xf32, #tpu.memory_space<vmem>> -> memref<32x64xf32, #tpu.memory_space<vmem>>
        %dma_start3A_187 = arith.constant 0 : i32
        %dma_start3A_188 = tpu.memref_slice %arg7[%add3A_84, %dma_start3A_187] : memref<40x32xi32, #tpu.memory_space<vmem>> -> memref<1x32xi32, #tpu.memory_space<vmem>>
        %dma_start3A_189 = tpu.memref_squeeze %dma_start3A_188 : memref<1x32xi32, #tpu.memory_space<vmem>> -> memref<32xi32, #tpu.memory_space<vmem>>
        %dma_start3A_190 = arith.constant 0 : i32
        %dma_start3A_191 = arith.constant 0 : i32
        %dma_start3A_192 = tpu.memref_slice %arg9[%dma_start3A_190, %dma_start3A_191] : memref<10112x64xf32, #tpu.memory_space<vmem_shared>> -> memref<10112x64xf32, #tpu.memory_space<vmem_shared>>
        tpu.enqueue_indirect_dma source(%dma_start3A_186 : memref<32x64xf32, #tpu.memory_space<vmem>>) target(%dma_start3A_192 : memref<10112x64xf32, #tpu.memory_space<vmem_shared>>) offsets(%dma_start3A_189 : memref<32xi32, #tpu.memory_space<vmem>>) semaphore(%run_scoped3A : memref<!tpu.dma_semaphore, #tpu.memory_space<semaphore_mem>>) {add = true}
        %dma_wait3A_193 = arith.constant 0 : i32
        %dma_wait3A_194 = arith.constant 0 : i32
        %dma_wait3A_195 = tpu.memref_slice %arg8[%dma_wait3A_193, %dma_wait3A_194] : memref<128x64xf32, #tpu.memory_space<vmem>> -> memref<32x64xf32, #tpu.memory_space<vmem>>
        %dma_wait3A_196 = arith.constant 0 : i32
        %dma_wait3A_197 = tpu.memref_slice %arg7[%add3A_84, %dma_wait3A_196] : memref<40x32xi32, #tpu.memory_space<vmem>> -> memref<1x32xi32, #tpu.memory_space<vmem>>
        %dma_wait3A_198 = tpu.memref_squeeze %dma_wait3A_197 : memref<1x32xi32, #tpu.memory_space<vmem>> -> memref<32xi32, #tpu.memory_space<vmem>>
        %dma_wait3A_199 = arith.constant 0 : i32
        %dma_wait3A_200 = arith.constant 0 : i32
        %dma_wait3A_201 = tpu.memref_slice %arg9[%dma_wait3A_199, %dma_wait3A_200] : memref<10112x64xf32, #tpu.memory_space<vmem_shared>> -> memref<10112x64xf32, #tpu.memory_space<vmem_shared>>
        tpu.wait_indirect_dma semaphore(%run_scoped3A : memref<!tpu.dma_semaphore, #tpu.memory_space<semaphore_mem>>) src(%dma_wait3A_195 : memref<32x64xf32, #tpu.memory_space<vmem>>) dst(%dma_wait3A_201 : memref<10112x64xf32, #tpu.memory_space<vmem_shared>>)
        tpu.yield
      }) : () -> ()
      %add3A_85 = arith.constant 0 : i32
      %add3A_86 = arith.addi %mul3A_64, %add3A_85 : i32
      %add3A_87 = arith.constant 4 : i32
      %add3A_88 = arith.addi %add3A_86, %add3A_87 : i32
      %lt3A = arith.constant 40 : i32
      %lt3A_89 = arith.cmpi slt, %add3A_88, %lt3A : i32
      %convert_element_type3A = arith.extui %lt3A_89 : i1 to i32
      %cond3A = arith.constant 0 : i32
      %cond3A_90 = arith.cmpi ne, %convert_element_type3A, %cond3A : i32
      scf.if %cond3A_90 {
        %add3A_184 = arith.constant 0 : i32
        %add3A_185 = arith.addi %mul3A_64, %add3A_184 : i32
        %add3A_186 = arith.constant 4 : i32
        %add3A_187 = arith.addi %add3A_185, %add3A_186 : i32
        %dma_start3A_188 = arith.constant 0 : i32
        %dma_start3A_189 = arith.constant 0 : i32
        %dma_start3A_190 = tpu.memref_slice %arg8[%dma_start3A_188, %dma_start3A_189] : memref<128x64xf32, #tpu.memory_space<vmem>> -> memref<32x64xf32, #tpu.memory_space<vmem>>
        %dma_start3A_191 = arith.constant 0 : i32
        %dma_start3A_192 = tpu.memref_slice %arg6[%add3A_187, %dma_start3A_191] : memref<40x32xi32, #tpu.memory_space<vmem>> -> memref<1x32xi32, #tpu.memory_space<vmem>>
        %dma_start3A_193 = tpu.memref_squeeze %dma_start3A_192 : memref<1x32xi32, #tpu.memory_space<vmem>> -> memref<32xi32, #tpu.memory_space<vmem>>
        %dma_start3A_194 = arith.constant 0 : i32
        %dma_start3A_195 = arith.constant 0 : i32
        %dma_start3A_196 = tpu.memref_slice %arg2[%arg0, %dma_start3A_194, %dma_start3A_195] : memref<2x10112x64xf32, #tpu.memory_space<hbm>> -> memref<1x10112x64xf32, #tpu.memory_space<hbm>>
        %dma_start3A_197 = tpu.memref_squeeze %dma_start3A_196 : memref<1x10112x64xf32, #tpu.memory_space<hbm>> -> memref<10112x64xf32, #tpu.memory_space<hbm>>
        %dma_start3A_198 = arith.constant 0 : i32
        %dma_start3A_199 = arith.constant 0 : i32
        %dma_start3A_200 = tpu.memref_slice %dma_start3A_197[%dma_start3A_198, %dma_start3A_199] : memref<10112x64xf32, #tpu.memory_space<hbm>> -> memref<10112x64xf32, #tpu.memory_space<hbm>>
        tpu.enqueue_indirect_dma source(%dma_start3A_200 : memref<10112x64xf32, #tpu.memory_space<hbm>>) target(%dma_start3A_190 : memref<32x64xf32, #tpu.memory_space<vmem>>) offsets(%dma_start3A_193 : memref<32xi32, #tpu.memory_space<vmem>>) semaphore(%arg10 : memref<!tpu.dma_semaphore, #tpu.memory_space<semaphore_mem>>)
      } else {
      }
      %dma_wait3A_91 = arith.constant 32 : i32
      %dma_wait3A_92 = arith.constant 0 : i32
      %dma_wait3A_93 = tpu.memref_slice %arg8[%dma_wait3A_91, %dma_wait3A_92] : memref<128x64xf32, #tpu.memory_space<vmem>> -> memref<32x64xf32, #tpu.memory_space<vmem>>
      %dma_wait3A_94 = arith.constant 0 : i32
      %dma_wait3A_95 = arith.constant 0 : i32
      %dma_wait3A_96 = tpu.memref_slice %arg2[%arg0, %dma_wait3A_94, %dma_wait3A_95] : memref<2x10112x64xf32, #tpu.memory_space<hbm>> -> memref<1x10112x64xf32, #tpu.memory_space<hbm>>
      %dma_wait3A_97 = tpu.memref_squeeze %dma_wait3A_96 : memref<1x10112x64xf32, #tpu.memory_space<hbm>> -> memref<10112x64xf32, #tpu.memory_space<hbm>>
      %dma_wait3A_98 = arith.constant 0 : i32
      %dma_wait3A_99 = arith.constant 0 : i32
      %dma_wait3A_100 = tpu.memref_slice %dma_wait3A_97[%dma_wait3A_98, %dma_wait3A_99] : memref<10112x64xf32, #tpu.memory_space<hbm>> -> memref<32x64xf32, #tpu.memory_space<hbm>>
      %dma_wait3A_101 = arith.constant 32 : i32
      %dma_wait3A_102 = arith.constant 0 : i32
      %dma_wait3A_103 = tpu.memref_slice %arg8[%dma_wait3A_101, %dma_wait3A_102] : memref<128x64xf32, #tpu.memory_space<vmem>> -> memref<32x64xf32, #tpu.memory_space<vmem>>
      %dma_wait3A_104 = arith.constant 0 : i32
      %dma_wait3A_105 = arith.constant 0 : i32
      %dma_wait3A_106 = tpu.memref_slice %arg2[%arg0, %dma_wait3A_104, %dma_wait3A_105] : memref<2x10112x64xf32, #tpu.memory_space<hbm>> -> memref<1x10112x64xf32, #tpu.memory_space<hbm>>
      %dma_wait3A_107 = tpu.memref_squeeze %dma_wait3A_106 : memref<1x10112x64xf32, #tpu.memory_space<hbm>> -> memref<10112x64xf32, #tpu.memory_space<hbm>>
      %dma_wait3A_108 = arith.constant 0 : i32
      %dma_wait3A_109 = arith.constant 0 : i32
      %dma_wait3A_110 = tpu.memref_slice %dma_wait3A_107[%dma_wait3A_108, %dma_wait3A_109] : memref<10112x64xf32, #tpu.memory_space<hbm>> -> memref<32x64xf32, #tpu.memory_space<hbm>>
      tpu.wait_dma2 semaphore(%arg11 : memref<!tpu.dma_semaphore, #tpu.memory_space<semaphore_mem>>) src(%dma_wait3A_110 : memref<32x64xf32, #tpu.memory_space<hbm>>) dst(%dma_wait3A_103 : memref<32x64xf32, #tpu.memory_space<vmem>>)
      %add3A_111 = arith.constant 1 : i32
      %add3A_112 = arith.addi %mul3A_64, %add3A_111 : i32
      "tpu.region"() ({
        %run_scoped3A = tpu.sem_alloc : memref<!tpu.dma_semaphore, #tpu.memory_space<semaphore_mem>>
        %dma_start3A_184 = arith.constant 32 : i32
        %dma_start3A_185 = arith.constant 0 : i32
        %dma_start3A_186 = tpu.memref_slice %arg8[%dma_start3A_184, %dma_start3A_185] : memref<128x64xf32, #tpu.memory_space<vmem>> -> memref<32x64xf32, #tpu.memory_space<vmem>>
        %dma_start3A_187 = arith.constant 0 : i32
        %dma_start3A_188 = tpu.memref_slice %arg7[%add3A_112, %dma_start3A_187] : memref<40x32xi32, #tpu.memory_space<vmem>> -> memref<1x32xi32, #tpu.memory_space<vmem>>
        %dma_start3A_189 = tpu.memref_squeeze %dma_start3A_188 : memref<1x32xi32, #tpu.memory_space<vmem>> -> memref<32xi32, #tpu.memory_space<vmem>>
        %dma_start3A_190 = arith.constant 0 : i32
        %dma_start3A_191 = arith.constant 0 : i32
        %dma_start3A_192 = tpu.memref_slice %arg9[%dma_start3A_190, %dma_start3A_191] : memref<10112x64xf32, #tpu.memory_space<vmem_shared>> -> memref<10112x64xf32, #tpu.memory_space<vmem_shared>>
        tpu.enqueue_indirect_dma source(%dma_start3A_186 : memref<32x64xf32, #tpu.memory_space<vmem>>) target(%dma_start3A_192 : memref<10112x64xf32, #tpu.memory_space<vmem_shared>>) offsets(%dma_start3A_189 : memref<32xi32, #tpu.memory_space<vmem>>) semaphore(%run_scoped3A : memref<!tpu.dma_semaphore, #tpu.memory_space<semaphore_mem>>) {add = true}
        %dma_wait3A_193 = arith.constant 32 : i32
        %dma_wait3A_194 = arith.constant 0 : i32
        %dma_wait3A_195 = tpu.memref_slice %arg8[%dma_wait3A_193, %dma_wait3A_194] : memref<128x64xf32, #tpu.memory_space<vmem>> -> memref<32x64xf32, #tpu.memory_space<vmem>>
        %dma_wait3A_196 = arith.constant 0 : i32
        %dma_wait3A_197 = tpu.memref_slice %arg7[%add3A_112, %dma_wait3A_196] : memref<40x32xi32, #tpu.memory_space<vmem>> -> memref<1x32xi32, #tpu.memory_space<vmem>>
        %dma_wait3A_198 = tpu.memref_squeeze %dma_wait3A_197 : memref<1x32xi32, #tpu.memory_space<vmem>> -> memref<32xi32, #tpu.memory_space<vmem>>
        %dma_wait3A_199 = arith.constant 0 : i32
        %dma_wait3A_200 = arith.constant 0 : i32
        %dma_wait3A_201 = tpu.memref_slice %arg9[%dma_wait3A_199, %dma_wait3A_200] : memref<10112x64xf32, #tpu.memory_space<vmem_shared>> -> memref<10112x64xf32, #tpu.memory_space<vmem_shared>>
        tpu.wait_indirect_dma semaphore(%run_scoped3A : memref<!tpu.dma_semaphore, #tpu.memory_space<semaphore_mem>>) src(%dma_wait3A_195 : memref<32x64xf32, #tpu.memory_space<vmem>>) dst(%dma_wait3A_201 : memref<10112x64xf32, #tpu.memory_space<vmem_shared>>)
        tpu.yield
      }) : () -> ()
      %add3A_113 = arith.constant 1 : i32
      %add3A_114 = arith.addi %mul3A_64, %add3A_113 : i32
      %add3A_115 = arith.constant 4 : i32
      %add3A_116 = arith.addi %add3A_114, %add3A_115 : i32
      %lt3A_117 = arith.constant 40 : i32
      %lt3A_118 = arith.cmpi slt, %add3A_116, %lt3A_117 : i32
      %convert_element_type3A_119 = arith.extui %lt3A_118 : i1 to i32
      %cond3A_120 = arith.constant 0 : i32
      %cond3A_121 = arith.cmpi ne, %convert_element_type3A_119, %cond3A_120 : i32
      scf.if %cond3A_121 {
        %add3A_184 = arith.constant 1 : i32
        %add3A_185 = arith.addi %mul3A_64, %add3A_184 : i32
        %add3A_186 = arith.constant 4 : i32
        %add3A_187 = arith.addi %add3A_185, %add3A_186 : i32
        %dma_start3A_188 = arith.constant 32 : i32
        %dma_start3A_189 = arith.constant 0 : i32
        %dma_start3A_190 = tpu.memref_slice %arg8[%dma_start3A_188, %dma_start3A_189] : memref<128x64xf32, #tpu.memory_space<vmem>> -> memref<32x64xf32, #tpu.memory_space<vmem>>
        %dma_start3A_191 = arith.constant 0 : i32
        %dma_start3A_192 = tpu.memref_slice %arg6[%add3A_187, %dma_start3A_191] : memref<40x32xi32, #tpu.memory_space<vmem>> -> memref<1x32xi32, #tpu.memory_space<vmem>>
        %dma_start3A_193 = tpu.memref_squeeze %dma_start3A_192 : memref<1x32xi32, #tpu.memory_space<vmem>> -> memref<32xi32, #tpu.memory_space<vmem>>
        %dma_start3A_194 = arith.constant 0 : i32
        %dma_start3A_195 = arith.constant 0 : i32
        %dma_start3A_196 = tpu.memref_slice %arg2[%arg0, %dma_start3A_194, %dma_start3A_195] : memref<2x10112x64xf32, #tpu.memory_space<hbm>> -> memref<1x10112x64xf32, #tpu.memory_space<hbm>>
        %dma_start3A_197 = tpu.memref_squeeze %dma_start3A_196 : memref<1x10112x64xf32, #tpu.memory_space<hbm>> -> memref<10112x64xf32, #tpu.memory_space<hbm>>
        %dma_start3A_198 = arith.constant 0 : i32
        %dma_start3A_199 = arith.constant 0 : i32
        %dma_start3A_200 = tpu.memref_slice %dma_start3A_197[%dma_start3A_198, %dma_start3A_199] : memref<10112x64xf32, #tpu.memory_space<hbm>> -> memref<10112x64xf32, #tpu.memory_space<hbm>>
        tpu.enqueue_indirect_dma source(%dma_start3A_200 : memref<10112x64xf32, #tpu.memory_space<hbm>>) target(%dma_start3A_190 : memref<32x64xf32, #tpu.memory_space<vmem>>) offsets(%dma_start3A_193 : memref<32xi32, #tpu.memory_space<vmem>>) semaphore(%arg11 : memref<!tpu.dma_semaphore, #tpu.memory_space<semaphore_mem>>)
      } else {
      }
      %dma_wait3A_122 = arith.constant 64 : i32
      %dma_wait3A_123 = arith.constant 0 : i32
      %dma_wait3A_124 = tpu.memref_slice %arg8[%dma_wait3A_122, %dma_wait3A_123] : memref<128x64xf32, #tpu.memory_space<vmem>> -> memref<32x64xf32, #tpu.memory_space<vmem>>
      %dma_wait3A_125 = arith.constant 0 : i32
      %dma_wait3A_126 = arith.constant 0 : i32
      %dma_wait3A_127 = tpu.memref_slice %arg2[%arg0, %dma_wait3A_125, %dma_wait3A_126] : memref<2x10112x64xf32, #tpu.memory_space<hbm>> -> memref<1x10112x64xf32, #tpu.memory_space<hbm>>
      %dma_wait3A_128 = tpu.memref_squeeze %dma_wait3A_127 : memref<1x10112x64xf32, #tpu.memory_space<hbm>> -> memref<10112x64xf32, #tpu.memory_space<hbm>>
      %dma_wait3A_129 = arith.constant 0 : i32
      %dma_wait3A_130 = arith.constant 0 : i32
      %dma_wait3A_131 = tpu.memref_slice %dma_wait3A_128[%dma_wait3A_129, %dma_wait3A_130] : memref<10112x64xf32, #tpu.memory_space<hbm>> -> memref<32x64xf32, #tpu.memory_space<hbm>>
      %dma_wait3A_132 = arith.constant 64 : i32
      %dma_wait3A_133 = arith.constant 0 : i32
      %dma_wait3A_134 = tpu.memref_slice %arg8[%dma_wait3A_132, %dma_wait3A_133] : memref<128x64xf32, #tpu.memory_space<vmem>> -> memref<32x64xf32, #tpu.memory_space<vmem>>
      %dma_wait3A_135 = arith.constant 0 : i32
      %dma_wait3A_136 = arith.constant 0 : i32
      %dma_wait3A_137 = tpu.memref_slice %arg2[%arg0, %dma_wait3A_135, %dma_wait3A_136] : memref<2x10112x64xf32, #tpu.memory_space<hbm>> -> memref<1x10112x64xf32, #tpu.memory_space<hbm>>
      %dma_wait3A_138 = tpu.memref_squeeze %dma_wait3A_137 : memref<1x10112x64xf32, #tpu.memory_space<hbm>> -> memref<10112x64xf32, #tpu.memory_space<hbm>>
      %dma_wait3A_139 = arith.constant 0 : i32
      %dma_wait3A_140 = arith.constant 0 : i32
      %dma_wait3A_141 = tpu.memref_slice %dma_wait3A_138[%dma_wait3A_139, %dma_wait3A_140] : memref<10112x64xf32, #tpu.memory_space<hbm>> -> memref<32x64xf32, #tpu.memory_space<hbm>>
      tpu.wait_dma2 semaphore(%arg12 : memref<!tpu.dma_semaphore, #tpu.memory_space<semaphore_mem>>) src(%dma_wait3A_141 : memref<32x64xf32, #tpu.memory_space<hbm>>) dst(%dma_wait3A_134 : memref<32x64xf32, #tpu.memory_space<vmem>>)
      %add3A_142 = arith.constant 2 : i32
      %add3A_143 = arith.addi %mul3A_64, %add3A_142 : i32
      "tpu.region"() ({
        %run_scoped3A = tpu.sem_alloc : memref<!tpu.dma_semaphore, #tpu.memory_space<semaphore_mem>>
        %dma_start3A_184 = arith.constant 64 : i32
        %dma_start3A_185 = arith.constant 0 : i32
        %dma_start3A_186 = tpu.memref_slice %arg8[%dma_start3A_184, %dma_start3A_185] : memref<128x64xf32, #tpu.memory_space<vmem>> -> memref<32x64xf32, #tpu.memory_space<vmem>>
        %dma_start3A_187 = arith.constant 0 : i32
        %dma_start3A_188 = tpu.memref_slice %arg7[%add3A_143, %dma_start3A_187] : memref<40x32xi32, #tpu.memory_space<vmem>> -> memref<1x32xi32, #tpu.memory_space<vmem>>
        %dma_start3A_189 = tpu.memref_squeeze %dma_start3A_188 : memref<1x32xi32, #tpu.memory_space<vmem>> -> memref<32xi32, #tpu.memory_space<vmem>>
        %dma_start3A_190 = arith.constant 0 : i32
        %dma_start3A_191 = arith.constant 0 : i32
        %dma_start3A_192 = tpu.memref_slice %arg9[%dma_start3A_190, %dma_start3A_191] : memref<10112x64xf32, #tpu.memory_space<vmem_shared>> -> memref<10112x64xf32, #tpu.memory_space<vmem_shared>>
        tpu.enqueue_indirect_dma source(%dma_start3A_186 : memref<32x64xf32, #tpu.memory_space<vmem>>) target(%dma_start3A_192 : memref<10112x64xf32, #tpu.memory_space<vmem_shared>>) offsets(%dma_start3A_189 : memref<32xi32, #tpu.memory_space<vmem>>) semaphore(%run_scoped3A : memref<!tpu.dma_semaphore, #tpu.memory_space<semaphore_mem>>) {add = true}
        %dma_wait3A_193 = arith.constant 64 : i32
        %dma_wait3A_194 = arith.constant 0 : i32
        %dma_wait3A_195 = tpu.memref_slice %arg8[%dma_wait3A_193, %dma_wait3A_194] : memref<128x64xf32, #tpu.memory_space<vmem>> -> memref<32x64xf32, #tpu.memory_space<vmem>>
        %dma_wait3A_196 = arith.constant 0 : i32
        %dma_wait3A_197 = tpu.memref_slice %arg7[%add3A_143, %dma_wait3A_196] : memref<40x32xi32, #tpu.memory_space<vmem>> -> memref<1x32xi32, #tpu.memory_space<vmem>>
        %dma_wait3A_198 = tpu.memref_squeeze %dma_wait3A_197 : memref<1x32xi32, #tpu.memory_space<vmem>> -> memref<32xi32, #tpu.memory_space<vmem>>
        %dma_wait3A_199 = arith.constant 0 : i32
        %dma_wait3A_200 = arith.constant 0 : i32
        %dma_wait3A_201 = tpu.memref_slice %arg9[%dma_wait3A_199, %dma_wait3A_200] : memref<10112x64xf32, #tpu.memory_space<vmem_shared>> -> memref<10112x64xf32, #tpu.memory_space<vmem_shared>>
        tpu.wait_indirect_dma semaphore(%run_scoped3A : memref<!tpu.dma_semaphore, #tpu.memory_space<semaphore_mem>>) src(%dma_wait3A_195 : memref<32x64xf32, #tpu.memory_space<vmem>>) dst(%dma_wait3A_201 : memref<10112x64xf32, #tpu.memory_space<vmem_shared>>)
        tpu.yield
      }) : () -> ()
      %add3A_144 = arith.constant 2 : i32
      %add3A_145 = arith.addi %mul3A_64, %add3A_144 : i32
      %add3A_146 = arith.constant 4 : i32
      %add3A_147 = arith.addi %add3A_145, %add3A_146 : i32
      %lt3A_148 = arith.constant 40 : i32
      %lt3A_149 = arith.cmpi slt, %add3A_147, %lt3A_148 : i32
      %convert_element_type3A_150 = arith.extui %lt3A_149 : i1 to i32
      %cond3A_151 = arith.constant 0 : i32
      %cond3A_152 = arith.cmpi ne, %convert_element_type3A_150, %cond3A_151 : i32
      scf.if %cond3A_152 {
        %add3A_184 = arith.constant 2 : i32
        %add3A_185 = arith.addi %mul3A_64, %add3A_184 : i32
        %add3A_186 = arith.constant 4 : i32
        %add3A_187 = arith.addi %add3A_185, %add3A_186 : i32
        %dma_start3A_188 = arith.constant 64 : i32
        %dma_start3A_189 = arith.constant 0 : i32
        %dma_start3A_190 = tpu.memref_slice %arg8[%dma_start3A_188, %dma_start3A_189] : memref<128x64xf32, #tpu.memory_space<vmem>> -> memref<32x64xf32, #tpu.memory_space<vmem>>
        %dma_start3A_191 = arith.constant 0 : i32
        %dma_start3A_192 = tpu.memref_slice %arg6[%add3A_187, %dma_start3A_191] : memref<40x32xi32, #tpu.memory_space<vmem>> -> memref<1x32xi32, #tpu.memory_space<vmem>>
        %dma_start3A_193 = tpu.memref_squeeze %dma_start3A_192 : memref<1x32xi32, #tpu.memory_space<vmem>> -> memref<32xi32, #tpu.memory_space<vmem>>
        %dma_start3A_194 = arith.constant 0 : i32
        %dma_start3A_195 = arith.constant 0 : i32
        %dma_start3A_196 = tpu.memref_slice %arg2[%arg0, %dma_start3A_194, %dma_start3A_195] : memref<2x10112x64xf32, #tpu.memory_space<hbm>> -> memref<1x10112x64xf32, #tpu.memory_space<hbm>>
        %dma_start3A_197 = tpu.memref_squeeze %dma_start3A_196 : memref<1x10112x64xf32, #tpu.memory_space<hbm>> -> memref<10112x64xf32, #tpu.memory_space<hbm>>
        %dma_start3A_198 = arith.constant 0 : i32
        %dma_start3A_199 = arith.constant 0 : i32
        %dma_start3A_200 = tpu.memref_slice %dma_start3A_197[%dma_start3A_198, %dma_start3A_199] : memref<10112x64xf32, #tpu.memory_space<hbm>> -> memref<10112x64xf32, #tpu.memory_space<hbm>>
        tpu.enqueue_indirect_dma source(%dma_start3A_200 : memref<10112x64xf32, #tpu.memory_space<hbm>>) target(%dma_start3A_190 : memref<32x64xf32, #tpu.memory_space<vmem>>) offsets(%dma_start3A_193 : memref<32xi32, #tpu.memory_space<vmem>>) semaphore(%arg12 : memref<!tpu.dma_semaphore, #tpu.memory_space<semaphore_mem>>)
      } else {
      }
      %dma_wait3A_153 = arith.constant 96 : i32
      %dma_wait3A_154 = arith.constant 0 : i32
      %dma_wait3A_155 = tpu.memref_slice %arg8[%dma_wait3A_153, %dma_wait3A_154] : memref<128x64xf32, #tpu.memory_space<vmem>> -> memref<32x64xf32, #tpu.memory_space<vmem>>
      %dma_wait3A_156 = arith.constant 0 : i32
      %dma_wait3A_157 = arith.constant 0 : i32
      %dma_wait3A_158 = tpu.memref_slice %arg2[%arg0, %dma_wait3A_156, %dma_wait3A_157] : memref<2x10112x64xf32, #tpu.memory_space<hbm>> -> memref<1x10112x64xf32, #tpu.memory_space<hbm>>
      %dma_wait3A_159 = tpu.memref_squeeze %dma_wait3A_158 : memref<1x10112x64xf32, #tpu.memory_space<hbm>> -> memref<10112x64xf32, #tpu.memory_space<hbm>>
      %dma_wait3A_160 = arith.constant 0 : i32
      %dma_wait3A_161 = arith.constant 0 : i32
      %dma_wait3A_162 = tpu.memref_slice %dma_wait3A_159[%dma_wait3A_160, %dma_wait3A_161] : memref<10112x64xf32, #tpu.memory_space<hbm>> -> memref<32x64xf32, #tpu.memory_space<hbm>>
      %dma_wait3A_163 = arith.constant 96 : i32
      %dma_wait3A_164 = arith.constant 0 : i32
      %dma_wait3A_165 = tpu.memref_slice %arg8[%dma_wait3A_163, %dma_wait3A_164] : memref<128x64xf32, #tpu.memory_space<vmem>> -> memref<32x64xf32, #tpu.memory_space<vmem>>
      %dma_wait3A_166 = arith.constant 0 : i32
      %dma_wait3A_167 = arith.constant 0 : i32
      %dma_wait3A_168 = tpu.memref_slice %arg2[%arg0, %dma_wait3A_166, %dma_wait3A_167] : memref<2x10112x64xf32, #tpu.memory_space<hbm>> -> memref<1x10112x64xf32, #tpu.memory_space<hbm>>
      %dma_wait3A_169 = tpu.memref_squeeze %dma_wait3A_168 : memref<1x10112x64xf32, #tpu.memory_space<hbm>> -> memref<10112x64xf32, #tpu.memory_space<hbm>>
      %dma_wait3A_170 = arith.constant 0 : i32
      %dma_wait3A_171 = arith.constant 0 : i32
      %dma_wait3A_172 = tpu.memref_slice %dma_wait3A_169[%dma_wait3A_170, %dma_wait3A_171] : memref<10112x64xf32, #tpu.memory_space<hbm>> -> memref<32x64xf32, #tpu.memory_space<hbm>>
      tpu.wait_dma2 semaphore(%arg13 : memref<!tpu.dma_semaphore, #tpu.memory_space<semaphore_mem>>) src(%dma_wait3A_172 : memref<32x64xf32, #tpu.memory_space<hbm>>) dst(%dma_wait3A_165 : memref<32x64xf32, #tpu.memory_space<vmem>>)
      %add3A_173 = arith.constant 3 : i32
      %add3A_174 = arith.addi %mul3A_64, %add3A_173 : i32
      "tpu.region"() ({
        %run_scoped3A = tpu.sem_alloc : memref<!tpu.dma_semaphore, #tpu.memory_space<semaphore_mem>>
        %dma_start3A_184 = arith.constant 96 : i32
        %dma_start3A_185 = arith.constant 0 : i32
        %dma_start3A_186 = tpu.memref_slice %arg8[%dma_start3A_184, %dma_start3A_185] : memref<128x64xf32, #tpu.memory_space<vmem>> -> memref<32x64xf32, #tpu.memory_space<vmem>>
        %dma_start3A_187 = arith.constant 0 : i32
        %dma_start3A_188 = tpu.memref_slice %arg7[%add3A_174, %dma_start3A_187] : memref<40x32xi32, #tpu.memory_space<vmem>> -> memref<1x32xi32, #tpu.memory_space<vmem>>
        %dma_start3A_189 = tpu.memref_squeeze %dma_start3A_188 : memref<1x32xi32, #tpu.memory_space<vmem>> -> memref<32xi32, #tpu.memory_space<vmem>>
        %dma_start3A_190 = arith.constant 0 : i32
        %dma_start3A_191 = arith.constant 0 : i32
        %dma_start3A_192 = tpu.memref_slice %arg9[%dma_start3A_190, %dma_start3A_191] : memref<10112x64xf32, #tpu.memory_space<vmem_shared>> -> memref<10112x64xf32, #tpu.memory_space<vmem_shared>>
        tpu.enqueue_indirect_dma source(%dma_start3A_186 : memref<32x64xf32, #tpu.memory_space<vmem>>) target(%dma_start3A_192 : memref<10112x64xf32, #tpu.memory_space<vmem_shared>>) offsets(%dma_start3A_189 : memref<32xi32, #tpu.memory_space<vmem>>) semaphore(%run_scoped3A : memref<!tpu.dma_semaphore, #tpu.memory_space<semaphore_mem>>) {add = true}
        %dma_wait3A_193 = arith.constant 96 : i32
        %dma_wait3A_194 = arith.constant 0 : i32
        %dma_wait3A_195 = tpu.memref_slice %arg8[%dma_wait3A_193, %dma_wait3A_194] : memref<128x64xf32, #tpu.memory_space<vmem>> -> memref<32x64xf32, #tpu.memory_space<vmem>>
        %dma_wait3A_196 = arith.constant 0 : i32
        %dma_wait3A_197 = tpu.memref_slice %arg7[%add3A_174, %dma_wait3A_196] : memref<40x32xi32, #tpu.memory_space<vmem>> -> memref<1x32xi32, #tpu.memory_space<vmem>>
        %dma_wait3A_198 = tpu.memref_squeeze %dma_wait3A_197 : memref<1x32xi32, #tpu.memory_space<vmem>> -> memref<32xi32, #tpu.memory_space<vmem>>
        %dma_wait3A_199 = arith.constant 0 : i32
        %dma_wait3A_200 = arith.constant 0 : i32
        %dma_wait3A_201 = tpu.memref_slice %arg9[%dma_wait3A_199, %dma_wait3A_200] : memref<10112x64xf32, #tpu.memory_space<vmem_shared>> -> memref<10112x64xf32, #tpu.memory_space<vmem_shared>>
        tpu.wait_indirect_dma semaphore(%run_scoped3A : memref<!tpu.dma_semaphore, #tpu.memory_space<semaphore_mem>>) src(%dma_wait3A_195 : memref<32x64xf32, #tpu.memory_space<vmem>>) dst(%dma_wait3A_201 : memref<10112x64xf32, #tpu.memory_space<vmem_shared>>)
        tpu.yield
      }) : () -> ()
      %add3A_175 = arith.constant 3 : i32
      %add3A_176 = arith.addi %mul3A_64, %add3A_175 : i32
      %add3A_177 = arith.constant 4 : i32
      %add3A_178 = arith.addi %add3A_176, %add3A_177 : i32
      %lt3A_179 = arith.constant 40 : i32
      %lt3A_180 = arith.cmpi slt, %add3A_178, %lt3A_179 : i32
      %convert_element_type3A_181 = arith.extui %lt3A_180 : i1 to i32
      %cond3A_182 = arith.constant 0 : i32
      %cond3A_183 = arith.cmpi ne, %convert_element_type3A_181, %cond3A_182 : i32
      scf.if %cond3A_183 {
        %add3A_184 = arith.constant 3 : i32
        %add3A_185 = arith.addi %mul3A_64, %add3A_184 : i32
        %add3A_186 = arith.constant 4 : i32
        %add3A_187 = arith.addi %add3A_185, %add3A_186 : i32
        %dma_start3A_188 = arith.constant 96 : i32
        %dma_start3A_189 = arith.constant 0 : i32
        %dma_start3A_190 = tpu.memref_slice %arg8[%dma_start3A_188, %dma_start3A_189] : memref<128x64xf32, #tpu.memory_space<vmem>> -> memref<32x64xf32, #tpu.memory_space<vmem>>
        %dma_start3A_191 = arith.constant 0 : i32
        %dma_start3A_192 = tpu.memref_slice %arg6[%add3A_187, %dma_start3A_191] : memref<40x32xi32, #tpu.memory_space<vmem>> -> memref<1x32xi32, #tpu.memory_space<vmem>>
        %dma_start3A_193 = tpu.memref_squeeze %dma_start3A_192 : memref<1x32xi32, #tpu.memory_space<vmem>> -> memref<32xi32, #tpu.memory_space<vmem>>
        %dma_start3A_194 = arith.constant 0 : i32
        %dma_start3A_195 = arith.constant 0 : i32
        %dma_start3A_196 = tpu.memref_slice %arg2[%arg0, %dma_start3A_194, %dma_start3A_195] : memref<2x10112x64xf32, #tpu.memory_space<hbm>> -> memref<1x10112x64xf32, #tpu.memory_space<hbm>>
        %dma_start3A_197 = tpu.memref_squeeze %dma_start3A_196 : memref<1x10112x64xf32, #tpu.memory_space<hbm>> -> memref<10112x64xf32, #tpu.memory_space<hbm>>
        %dma_start3A_198 = arith.constant 0 : i32
        %dma_start3A_199 = arith.constant 0 : i32
        %dma_start3A_200 = tpu.memref_slice %dma_start3A_197[%dma_start3A_198, %dma_start3A_199] : memref<10112x64xf32, #tpu.memory_space<hbm>> -> memref<10112x64xf32, #tpu.memory_space<hbm>>
        tpu.enqueue_indirect_dma source(%dma_start3A_200 : memref<10112x64xf32, #tpu.memory_space<hbm>>) target(%dma_start3A_190 : memref<32x64xf32, #tpu.memory_space<vmem>>) offsets(%dma_start3A_193 : memref<32xi32, #tpu.memory_space<vmem>>) semaphore(%arg13 : memref<!tpu.dma_semaphore, #tpu.memory_space<semaphore_mem>>)
      } else {
      }
    }
    %scan3A_60 = arith.constant 10 : i32
    %barrier3A_61 = arith.constant 0 : index
    tpu.barrier barrier_id(%barrier3A_61)
    "tpu.region"() ({
      %run_scoped3A = tpu.sem_alloc : memref<!tpu.dma_semaphore, #tpu.memory_space<semaphore_mem>>
      %dma_start3A_62 = arith.constant 0 : i32
      %dma_start3A_63 = tpu.memref_slice %arg5[%arg0, %mul3A_0, %dma_start3A_62] : memref<2x10112x64xf32, #tpu.memory_space<hbm>> -> memref<1x632x64xf32, #tpu.memory_space<hbm>>
      %dma_start3A_64 = tpu.memref_squeeze %dma_start3A_63 : memref<1x632x64xf32, #tpu.memory_space<hbm>> -> memref<632x64xf32, #tpu.memory_space<hbm>>
      %dma_start3A_65 = arith.constant 0 : i32
      %dma_start3A_66 = tpu.memref_slice %arg9[%mul3A_0, %dma_start3A_65] : memref<10112x64xf32, #tpu.memory_space<vmem_shared>> -> memref<632x64xf32, #tpu.memory_space<vmem_shared>>
      tpu.enqueue_dma source(%dma_start3A_66 : memref<632x64xf32, #tpu.memory_space<vmem_shared>>) target(%dma_start3A_64 : memref<632x64xf32, #tpu.memory_space<hbm>>) target_semaphore(%run_scoped3A : memref<!tpu.dma_semaphore, #tpu.memory_space<semaphore_mem>>)
      %dma_wait3A = arith.constant 0 : i32
      %dma_wait3A_67 = tpu.memref_slice %arg5[%arg0, %mul3A_0, %dma_wait3A] : memref<2x10112x64xf32, #tpu.memory_space<hbm>> -> memref<1x632x64xf32, #tpu.memory_space<hbm>>
      %dma_wait3A_68 = tpu.memref_squeeze %dma_wait3A_67 : memref<1x632x64xf32, #tpu.memory_space<hbm>> -> memref<632x64xf32, #tpu.memory_space<hbm>>
      %dma_wait3A_69 = arith.constant 0 : i32
      %dma_wait3A_70 = tpu.memref_slice %arg9[%mul3A_0, %dma_wait3A_69] : memref<10112x64xf32, #tpu.memory_space<vmem_shared>> -> memref<632x64xf32, #tpu.memory_space<vmem_shared>>
      tpu.wait_dma2 semaphore(%run_scoped3A : memref<!tpu.dma_semaphore, #tpu.memory_space<semaphore_mem>>) src(%dma_wait3A_70 : memref<632x64xf32, #tpu.memory_space<vmem_shared>>) dst(%dma_wait3A_68 : memref<632x64xf32, #tpu.memory_space<hbm>>)
      tpu.yield
    }) : () -> ()
    return
  }
}

module attributes {stable_mosaic.version = 14 : i64} {
  func.func @_prep_kernel(%arg0: memref<10112x128xf32, #tpu.memory_space<vmem>>, %arg1: memref<128x128xf32, #tpu.memory_space<vmem>>, %arg2: memref<32x2x10112xf32, #tpu.memory_space<vmem>>, %arg3: memref<2x10112x64xf32, #tpu.memory_space<vmem>>, %arg4: memref<2x10112xf32, #tpu.memory_space<vmem>>) attributes {dimension_semantics = [], scalar_prefetch = 0 : i64, scratch_operands = 0 : i64, tpu.core_type = #tpu.core_type<tc>} {
    %get3A = arith.constant 0 : index
    %get3A_0 = arith.constant 0 : index
    %get3A_1 = arith.constant 0 : index
    %get3A_2 = vector.load %arg2[%get3A, %get3A_0, %get3A_1] : memref<32x2x10112xf32, #tpu.memory_space<vmem>>, vector<32x2x10112xf32>
    %reduce_sum3A = arith.constant dense<0.000000e+00> : vector<2x10112xf32>
    %reduce_sum3A_3 = vector.multi_reduction <add>, %get3A_2, %reduce_sum3A [0] : vector<32x2x10112xf32> to vector<2x10112xf32>
    %add3A = arith.constant 1.000000e+00 : f32
    %add3A_4 = vector.broadcast %add3A : f32 to vector<2x10112xf32>
    %add3A_5 = arith.addf %reduce_sum3A_3, %add3A_4 : vector<2x10112xf32>
    %rsqrt3A = math.rsqrt %add3A_5 : vector<2x10112xf32>
    %swap3A = arith.constant 0 : index
    %swap3A_6 = arith.constant 0 : index
    %swap3A_7 = vector.load %arg4[%swap3A, %swap3A_6] : memref<2x10112xf32, #tpu.memory_space<vmem>>, vector<2x10112xf32>
    tpu.vector_store %arg4[%swap3A, %swap3A_6], %rsqrt3A {strides = array<i32>} : memref<2x10112xf32, #tpu.memory_space<vmem>>, vector<2x10112xf32>,
    %get3A_8 = arith.constant 0 : index
    %get3A_9 = arith.constant 0 : index
    %get3A_10 = vector.load %arg0[%get3A_8, %get3A_9] : memref<10112x128xf32, #tpu.memory_space<vmem>>, vector<10112x128xf32>
    %get3A_11 = arith.constant 0 : index
    %get3A_12 = arith.constant 0 : index
    %get3A_13 = vector.load %arg1[%get3A_11, %get3A_12] : memref<128x128xf32, #tpu.memory_space<vmem>>, vector<128x128xf32>
    %dot_general3A = arith.constant dense<0.000000e+00> : vector<10112x128xf32>
    %dot_general3A_14 = tpu.matmul %get3A_10, %get3A_13, %dot_general3A {dimension_numbers = #tpu.dot_dimension_numbers<[1], [1], [0], [0], [0, 0, 1, 0], [], []>, transpose_lhs_hint = false} : vector<10112x128xf32>, vector<128x128xf32>, vector<10112x128xf32> -> vector<10112x128xf32>
    %max3A = arith.constant 0.000000e+00 : f32
    %max3A_15 = vector.broadcast %max3A : f32 to vector<10112x128xf32>
    %max3A_16 = arith.maximumf %dot_general3A_14, %max3A_15 : vector<10112x128xf32>
    %slice3A = vector.extract_strided_slice %rsqrt3A {offsets = [0, 0], sizes = [1, 10112], strides = [1, 1]} : vector<2x10112xf32> to vector<1x10112xf32>
    %squeeze3A = vector.shape_cast %slice3A : vector<1x10112xf32> to vector<10112xf32>
    %broadcast_in_dim3A = vector.shape_cast %squeeze3A : vector<10112xf32> to vector<10112x1xf32>
    %mul3A = vector.broadcast %broadcast_in_dim3A : vector<10112x1xf32> to vector<10112x128xf32>
    %mul3A_17 = arith.mulf %max3A_16, %mul3A : vector<10112x128xf32>
    %slice3A_18 = vector.extract_strided_slice %mul3A_17 {offsets = [0, 0], sizes = [10112, 64], strides = [1, 1]} : vector<10112x128xf32> to vector<10112x64xf32>
    %swap3A_19 = arith.constant 0 : index
    %swap3A_20 = arith.constant 0 : index
    %swap3A_21 = arith.constant 0 : index
    %swap3A_22 = vector.load %arg3[%swap3A_19, %swap3A_20, %swap3A_21] : memref<2x10112x64xf32, #tpu.memory_space<vmem>>, vector<1x10112x64xf32>
    %swap3A_23 = vector.shape_cast %swap3A_22 : vector<1x10112x64xf32> to vector<10112x64xf32>
    %swap3A_24 = vector.shape_cast %slice3A_18 : vector<10112x64xf32> to vector<1x10112x64xf32>
    tpu.vector_store %arg3[%swap3A_19, %swap3A_20, %swap3A_21], %swap3A_24 {strides = array<i32>} : memref<2x10112x64xf32, #tpu.memory_space<vmem>>, vector<1x10112x64xf32>,
    %slice3A_25 = vector.extract_strided_slice %mul3A_17 {offsets = [0, 64], sizes = [10112, 64], strides = [1, 1]} : vector<10112x128xf32> to vector<10112x64xf32>
    %swap3A_26 = arith.constant 1 : index
    %swap3A_27 = arith.constant 0 : index
    %swap3A_28 = arith.constant 0 : index
    %swap3A_29 = vector.load %arg3[%swap3A_26, %swap3A_27, %swap3A_28] : memref<2x10112x64xf32, #tpu.memory_space<vmem>>, vector<1x10112x64xf32>
    %swap3A_30 = vector.shape_cast %swap3A_29 : vector<1x10112x64xf32> to vector<10112x64xf32>
    %swap3A_31 = vector.shape_cast %slice3A_25 : vector<10112x64xf32> to vector<1x10112x64xf32>
    tpu.vector_store %arg3[%swap3A_26, %swap3A_27, %swap3A_28], %swap3A_31 {strides = array<i32>} : memref<2x10112x64xf32, #tpu.memory_space<vmem>>, vector<1x10112x64xf32>,
    return
  }
}

module attributes {stable_mosaic.version = 14 : i64} {
  func.func @_mid_kernel(%arg0: i32, %arg1: memref<2x2528x64xf32, #tpu.memory_space<vmem>>, %arg2: memref<2528x1xf32, #tpu.memory_space<vmem>>, %arg3: memref<2528x1xf32, #tpu.memory_space<vmem>>, %arg4: memref<1x128xf32, #tpu.memory_space<vmem>>, %arg5: memref<2x2528x64xf32, #tpu.memory_space<vmem>>) attributes {dimension_semantics = [#tpu.dimension_semantics<arbitrary>], iteration_bounds = array<i64: 4>, scalar_prefetch = 0 : i64, scratch_operands = 0 : i64, tpu.core_type = #tpu.core_type<tc>, window_params = [{transform_indices = @transform_0, window_bounds = array<i64: 2, 2528, 64>}, {transform_indices = @transform_1, window_bounds = array<i64: 2528, 1>}, {transform_indices = @transform_2, window_bounds = array<i64: 2528, 1>}, {pipeline_mode = #tpu.pipeline_mode<synchronous>, transform_indices = @transform_3, window_bounds = array<i64: 1, 128>}, {transform_indices = @transform_4, window_bounds = array<i64: 2, 2528, 64>}]} {
    %get3A = arith.constant 0 : index
    %get3A_0 = arith.constant 0 : index
    %get3A_1 = arith.constant 0 : index
    %get3A_2 = vector.load %arg1[%get3A, %get3A_0, %get3A_1] : memref<2x2528x64xf32, #tpu.memory_space<vmem>>, vector<1x2528x64xf32>
    %get3A_3 = vector.shape_cast %get3A_2 : vector<1x2528x64xf32> to vector<2528x64xf32>
    %get3A_4 = arith.constant 1 : index
    %get3A_5 = arith.constant 0 : index
    %get3A_6 = arith.constant 0 : index
    %get3A_7 = vector.load %arg1[%get3A_4, %get3A_5, %get3A_6] : memref<2x2528x64xf32, #tpu.memory_space<vmem>>, vector<1x2528x64xf32>
    %get3A_8 = vector.shape_cast %get3A_7 : vector<1x2528x64xf32> to vector<2528x64xf32>
    %concatenate3A = tpu.concatenate %get3A_3, %get3A_8 in 1 : vector<2528x64xf32>, vector<2528x64xf32> -> vector<2528x128xf32>
    %get3A_9 = arith.constant 0 : index
    %get3A_10 = arith.constant 0 : index
    %get3A_11 = vector.load %arg3[%get3A_9, %get3A_10] : memref<2528x1xf32, #tpu.memory_space<vmem>>, vector<2528x1xf32>
    %get3A_12 = arith.constant 0 : index
    %get3A_13 = arith.constant 0 : index
    %get3A_14 = vector.load %arg2[%get3A_12, %get3A_13] : memref<2528x1xf32, #tpu.memory_space<vmem>>, vector<2528x1xf32>
    %mul3A = vector.broadcast %get3A_14 : vector<2528x1xf32> to vector<2528x128xf32>
    %mul3A_15 = arith.mulf %mul3A, %concatenate3A : vector<2528x128xf32>
    %get3A_16 = arith.constant 0 : index
    %get3A_17 = arith.constant 0 : index
    %get3A_18 = vector.load %arg4[%get3A_16, %get3A_17] : memref<1x128xf32, #tpu.memory_space<vmem>>, vector<1x128xf32>
    %add3A = vector.broadcast %get3A_18 : vector<1x128xf32> to vector<2528x128xf32>
    %add3A_19 = arith.addf %mul3A_15, %add3A : vector<2528x128xf32>
    %max3A = arith.constant 0.000000e+00 : f32
    %max3A_20 = vector.broadcast %max3A : f32 to vector<2528x128xf32>
    %max3A_21 = arith.maximumf %add3A_19, %max3A_20 : vector<2528x128xf32>
    %mul3A_22 = vector.broadcast %get3A_11 : vector<2528x1xf32> to vector<2528x128xf32>
    %mul3A_23 = arith.mulf %mul3A_22, %max3A_21 : vector<2528x128xf32>
    %slice3A = vector.extract_strided_slice %mul3A_23 {offsets = [0, 0], sizes = [2528, 64], strides = [1, 1]} : vector<2528x128xf32> to vector<2528x64xf32>
    %swap3A = arith.constant 0 : index
    %swap3A_24 = arith.constant 0 : index
    %swap3A_25 = arith.constant 0 : index
    %swap3A_26 = vector.load %arg5[%swap3A, %swap3A_24, %swap3A_25] : memref<2x2528x64xf32, #tpu.memory_space<vmem>>, vector<1x2528x64xf32>
    %swap3A_27 = vector.shape_cast %swap3A_26 : vector<1x2528x64xf32> to vector<2528x64xf32>
    %swap3A_28 = vector.shape_cast %slice3A : vector<2528x64xf32> to vector<1x2528x64xf32>
    tpu.vector_store %arg5[%swap3A, %swap3A_24, %swap3A_25], %swap3A_28 {strides = array<i32>} : memref<2x2528x64xf32, #tpu.memory_space<vmem>>, vector<1x2528x64xf32>,
    %slice3A_29 = vector.extract_strided_slice %mul3A_23 {offsets = [0, 64], sizes = [2528, 64], strides = [1, 1]} : vector<2528x128xf32> to vector<2528x64xf32>
    %swap3A_30 = arith.constant 1 : index
    %swap3A_31 = arith.constant 0 : index
    %swap3A_32 = arith.constant 0 : index
    %swap3A_33 = vector.load %arg5[%swap3A_30, %swap3A_31, %swap3A_32] : memref<2x2528x64xf32, #tpu.memory_space<vmem>>, vector<1x2528x64xf32>
    %swap3A_34 = vector.shape_cast %swap3A_33 : vector<1x2528x64xf32> to vector<2528x64xf32>
    %swap3A_35 = vector.shape_cast %slice3A_29 : vector<2528x64xf32> to vector<1x2528x64xf32>
    tpu.vector_store %arg5[%swap3A_30, %swap3A_31, %swap3A_32], %swap3A_35 {strides = array<i32>} : memref<2x2528x64xf32, #tpu.memory_space<vmem>>, vector<1x2528x64xf32>,
    return
  }
  func.func @transform_0(%arg0: i32) -> (i32, i32, i32) {
    %c0_i32 = arith.constant 0 : i32
    %c0_i32_0 = arith.constant 0 : i32
    %c0_i32_1 = arith.constant 0 : i32
    return %c0_i32, %arg0, %c0_i32_0 : i32, i32, i32
  }
  func.func @transform_1(%arg0: i32) -> (i32, i32) {
    %c0_i32 = arith.constant 0 : i32
    %c0_i32_0 = arith.constant 0 : i32
    return %arg0, %c0_i32 : i32, i32
  }
  func.func @transform_2(%arg0: i32) -> (i32, i32) {
    %c0_i32 = arith.constant 0 : i32
    %c0_i32_0 = arith.constant 0 : i32
    return %arg0, %c0_i32 : i32, i32
  }
  func.func @transform_3(%arg0: i32) -> (i32, i32) {
    %c0_i32 = arith.constant 0 : i32
    %c0_i32_0 = arith.constant 0 : i32
    %c0_i32_1 = arith.constant 0 : i32
    return %c0_i32, %c0_i32_0 : i32, i32
  }
  func.func @transform_4(%arg0: i32) -> (i32, i32, i32) {
    %c0_i32 = arith.constant 0 : i32
    %c0_i32_0 = arith.constant 0 : i32
    %c0_i32_1 = arith.constant 0 : i32
    return %c0_i32, %arg0, %c0_i32_0 : i32, i32, i32
  }
}

module attributes {stable_mosaic.version = 14 : i64} {
  func.func @_final_kernel(%arg0: i32, %arg1: memref<2x2528x64xf32, #tpu.memory_space<vmem>>, %arg2: memref<2528x1xf32, #tpu.memory_space<vmem>>, %arg3: memref<1x128xf32, #tpu.memory_space<vmem>>, %arg4: memref<2528x128xf32, #tpu.memory_space<vmem>>) attributes {dimension_semantics = [#tpu.dimension_semantics<arbitrary>], iteration_bounds = array<i64: 4>, scalar_prefetch = 0 : i64, scratch_operands = 0 : i64, tpu.core_type = #tpu.core_type<tc>, window_params = [{transform_indices = @transform_0, window_bounds = array<i64: 2, 2528, 64>}, {transform_indices = @transform_1, window_bounds = array<i64: 2528, 1>}, {pipeline_mode = #tpu.pipeline_mode<synchronous>, transform_indices = @transform_2, window_bounds = array<i64: 1, 128>}, {transform_indices = @transform_3, window_bounds = array<i64: 2528, 128>}]} {
    %get3A = arith.constant 0 : index
    %get3A_0 = arith.constant 0 : index
    %get3A_1 = arith.constant 0 : index
    %get3A_2 = vector.load %arg1[%get3A, %get3A_0, %get3A_1] : memref<2x2528x64xf32, #tpu.memory_space<vmem>>, vector<1x2528x64xf32>
    %get3A_3 = vector.shape_cast %get3A_2 : vector<1x2528x64xf32> to vector<2528x64xf32>
    %get3A_4 = arith.constant 1 : index
    %get3A_5 = arith.constant 0 : index
    %get3A_6 = arith.constant 0 : index
    %get3A_7 = vector.load %arg1[%get3A_4, %get3A_5, %get3A_6] : memref<2x2528x64xf32, #tpu.memory_space<vmem>>, vector<1x2528x64xf32>
    %get3A_8 = vector.shape_cast %get3A_7 : vector<1x2528x64xf32> to vector<2528x64xf32>
    %concatenate3A = tpu.concatenate %get3A_3, %get3A_8 in 1 : vector<2528x64xf32>, vector<2528x64xf32> -> vector<2528x128xf32>
    %get3A_9 = arith.constant 0 : index
    %get3A_10 = arith.constant 0 : index
    %get3A_11 = vector.load %arg2[%get3A_9, %get3A_10] : memref<2528x1xf32, #tpu.memory_space<vmem>>, vector<2528x1xf32>
    %mul3A = vector.broadcast %get3A_11 : vector<2528x1xf32> to vector<2528x128xf32>
    %mul3A_12 = arith.mulf %mul3A, %concatenate3A : vector<2528x128xf32>
    %get3A_13 = arith.constant 0 : index
    %get3A_14 = arith.constant 0 : index
    %get3A_15 = vector.load %arg3[%get3A_13, %get3A_14] : memref<1x128xf32, #tpu.memory_space<vmem>>, vector<1x128xf32>
    %add3A = vector.broadcast %get3A_15 : vector<1x128xf32> to vector<2528x128xf32>
    %add3A_16 = arith.addf %mul3A_12, %add3A : vector<2528x128xf32>
    %swap3A = arith.constant 0 : index
    %swap3A_17 = arith.constant 0 : index
    %swap3A_18 = vector.load %arg4[%swap3A, %swap3A_17] : memref<2528x128xf32, #tpu.memory_space<vmem>>, vector<2528x128xf32>
    tpu.vector_store %arg4[%swap3A, %swap3A_17], %add3A_16 {strides = array<i32>} : memref<2528x128xf32, #tpu.memory_space<vmem>>, vector<2528x128xf32>,
    return
  }
  func.func @transform_0(%arg0: i32) -> (i32, i32, i32) {
    %c0_i32 = arith.constant 0 : i32
    %c0_i32_0 = arith.constant 0 : i32
    %c0_i32_1 = arith.constant 0 : i32
    return %c0_i32, %arg0, %c0_i32_0 : i32, i32, i32
  }
  func.func @transform_1(%arg0: i32) -> (i32, i32) {
    %c0_i32 = arith.constant 0 : i32
    %c0_i32_0 = arith.constant 0 : i32
    return %arg0, %c0_i32 : i32, i32
  }
  func.func @transform_2(%arg0: i32) -> (i32, i32) {
    %c0_i32 = arith.constant 0 : i32
    %c0_i32_0 = arith.constant 0 : i32
    %c0_i32_1 = arith.constant 0 : i32
    return %c0_i32, %c0_i32_0 : i32, i32
  }
  func.func @transform_3(%arg0: i32) -> (i32, i32) {
    %c0_i32 = arith.constant 0 : i32
    %c0_i32_0 = arith.constant 0 : i32
    return %arg0, %c0_i32 : i32, i32
  }
}

</mosaic_0001>

<sc_bundles>
// kernel: kernel.11.cloned.1.call-start
scs
__scs_entry_jumppad:
0x0: {  	(pc) =	sbr.rel $0x88, $3  }
0x1: {  	(tag) =	ssettag $0x0;
	lr =	simm.s32 $0x1  }
0x2: {  	[smem:$0x3F9C] =	sst lr;
	_ =	strace $0xD0000000  }
0x3: {  	_ = 	snop  }
0x4: {  	_ = 	snop  }
0x5: {  	_ = 	snop  }
0x6: {  	_ = 	snop  }
0x7: {  	_ = 	snop  }
__scs_overlays_trampoline_lowered:
0x8: {  	[smem:$0x3FAB] =	sst s0  }
0x9: {  	[smem:$0x3FAC] =	sst s1  }
0xa: {  	[smem:$0x3FAD] =	sst s2  }
0xb: {  	[smem:$0x3FAE] =	sst s3  }
0xc: {  	[smem:$0x3FAF] =	sst s4  }
0xd: {  	[smem:$0x3FB0] =	sst s5  }
0xe: {  	[smem:$0x3FB1] =	sst s6  }
0xf: {  	[smem:$0x3FB2] =	sst s7  }
0x10: {  	[smem:$0x3FB3] =	sst s8  }
0x11: {  	[smem:$0x3FB4] =	sst s9;
	s0 =	simm.s32 @!p0 $0x0  }
0x12: {  	s1 =	sld [smem:$0x3F9A];
	s0 =	simm.s32 @p0 $0x1  }
0x13: {  	[smem:$0x3FB5] =	sst s0;
	s0 =	simm.s32 @!p1 $0x0  }
0x14: {  	s2 =	sld [smem:$0x3F99];
	s0 =	simm.s32 @p1 $0x1  }
0x15: {  	[smem:$0x3FB6] =	sst s0;
	s0 =	simm.s32 @!p2 $0x0  }
0x16: {  	s3 =	sld [smem:$0x3FDB];
	s0 =	simm.s32 @p2 $0x1  }
0x17: {  	s4 =	simm.s32 $0x1BF5;
	[smem:$0x3FB8] =	sst s0  }
0x18: {  	s0 =	sld [smem:$0x3F9B];
	_ =	swait.ge [sflag:s4], $0x0  }
0x19: {  	s7 =	sld [smem:$0x3F9C]  }
0x1a: {  	s8 =	sadd.s32 $0xFFFFE003, lr  }
0x1b: {  	s9 =	sadd.s32 $0xFFFFFEF7, lr;
	s5 =	simm.s32 $0xFFFFFFFF;
	p2 =	slt.u32 s8, $0xFFFFF086  }
0x1c: {  	p1 =	slt.u32 s9, $0xF7A;
	s5 =	simm.s32 @!p2 $0x0  }
0x1d: {  	s5 =	simm.s32 @p1 $0x1;
	p0 =	seq.s32 s7, s2  }
0x1e: {  	s7 =	smul.u32 @!p0 $0xF7A, s2;
	p2 =	seq.s32 @!p0 s5, $0x0  }
0x1f: {  	s9 =	smul.u32 $0xF7A, s1;
	s8 =	simm.s32 @!p0 $0x1BF5;
	p2 =	por !p2, p0  }
0x20: {  	[sflag:s8] =	ssyncset.s32 @!p0 $0xFFFFF086;
	s6 =	sadd.s32 @!p0 s3, s7;
	s7 =	simm.s32 @!p0 $0x108  }
0x21: {  	s3 =	sadd.s32 s3, s9;
	s6 =	sadd.s32 @!p0 $0x88, s6;
	s7 =	simm.s32 @p2 $0x1082  }
0x22: {  	[simem:s7], [sflag:s8] =	dma.local @!p0 [hbm:s6], $0xF7A  }
0x23: {  	s9 =	sor.u32 $0xD0000000, s2;
	s6 =	simm.s32 $0x108;
	_ =	swait.ge @!p0 [sflag:s8], $0x0  }
0x24: {  	s3 =	sadd.s32 $0x88, s3;
	s6 =	simm.s32 @!p1 $0x1082;
	[sflag:s4] =	ssyncset.s32 $0xFFFFF086  }
0x25: {  	[simem:s6], [sflag:s4] =	dma.local [hbm:s3], $0xF7A  }
0x26: {  	[smem:$0x3F9C] =	sst s1;
	(tag) =	ssettag s2;
	_ =	strace s9  }
0x27: {  	s1 =	sld [smem:$0x3FAC]  }
0x28: {  	s2 =	sld [smem:$0x3FAD]  }
0x29: {  	s4 =	sld [smem:$0x3FAF]  }
0x2a: {  	p0 =	seq.s32 s5, $0x0;
	s5 =	sld [smem:$0x3FB0]  }
0x2b: {  	s6 =	sld [smem:$0x3FB1]  }
0x2c: {  	s7 =	sld [smem:$0x3FB2]  }
0x2d: {  	s3 =	simm.s32 $0x108;
	s8 =	sld [smem:$0x3FB3]  }
0x2e: {  	s3 =	simm.s32 @!p0 $0x1082;
	s9 =	sld [smem:$0x3FB4]  }
0x2f: {  	lr =	sadd.s32 s0, s3;
	s0 =	sld [smem:$0x3FAB]  }
0x30: {  	s3 =	sld [smem:$0x3FAE]  }
0x31: {  	[smem:$0x3FB7] =	sst s10  }
0x32: {  	s10 =	sld [smem:$0x3FB5];
	_ =	sdelay $0x3  }
0x33: {  	p0 =	seq.s32 s10, $0x1;
	s10 =	sld [smem:$0x3FB7];
	_ =	sdelay $0x3  }
0x34: {  	[smem:$0x3FB7] =	sst s10  }
0x35: {  	s10 =	sld [smem:$0x3FB6];
	_ =	sdelay $0x3  }
0x36: {  	p1 =	seq.s32 s10, $0x1;
	s10 =	sld [smem:$0x3FB7];
	_ =	sdelay $0x3  }
0x37: {  	[smem:$0x3FB7] =	sst s10  }
0x38: {  	s10 =	sld [smem:$0x3FB8]  }
0x39: {  	_ = 	snop;
	(pc) =	sbr.ind lr, $3  }
0x3a: {  	_ = 	snop  }
0x3b: {  	_ = 	snop  }
0x3c: {  	p2 =	seq.s32 s10, $0x1;
	s10 =	sld [smem:$0x3FB7]  }
0x3d: {  	_ =	shalt  }
0x3e: {  	_ =	shalt  }
0x3f: {  	_ =	shalt  }
0x40: {  	_ =	shalt  }
0x41: {  	_ =	shalt  }
0x42: {  	_ =	shalt  }
0x43: {  	_ =	shalt  }
0x44: {  	_ =	shalt  }
0x45: {  	_ =	shalt  }
0x46: {  	_ =	shalt  }
0x47: {  	_ =	shalt  }
0x48: {  	_ =	shalt  }
0x49: {  	_ =	shalt  }
0x4a: {  	_ =	shalt  }
0x4b: {  	_ =	shalt  }
0x4c: {  	_ =	shalt  }
0x4d: {  	_ =	shalt  }
0x4e: {  	_ =	shalt  }
0x4f: {  	_ =	shalt  }
0x50: {  	_ =	shalt  }
0x51: {  	_ =	shalt  }
0x52: {  	_ =	shalt  }
0x53: {  	_ =	shalt  }
0x54: {  	_ =	shalt  }
0x55: {  	_ =	shalt  }
0x56: {  	_ =	shalt  }
0x57: {  	_ =	shalt  }
0x58: {  	_ =	shalt  }
0x59: {  	_ =	shalt  }
0x5a: {  	_ =	shalt  }
0x5b: {  	_ =	shalt  }
0x5c: {  	_ =	shalt  }
0x5d: {  	_ =	shalt  }
0x5e: {  	_ =	shalt  }
0x5f: {  	_ =	shalt  }
0x60: {  	_ =	shalt  }
0x61: {  	_ =	shalt  }
0x62: {  	_ =	shalt  }
0x63: {  	_ =	shalt  }
0x64: {  	_ =	shalt  }
0x65: {  	_ =	shalt  }
0x66: {  	_ =	shalt  }
0x67: {  	_ =	shalt  }
0x68: {  	_ =	shalt  }
0x69: {  	_ =	shalt  }
0x6a: {  	_ =	shalt  }
0x6b: {  	_ =	shalt  }
0x6c: {  	_ =	shalt  }
0x6d: {  	_ =	shalt  }
0x6e: {  	_ =	shalt  }
0x6f: {  	_ =	shalt  }
0x70: {  	_ =	shalt  }
0x71: {  	_ =	shalt  }
0x72: {  	_ =	shalt  }
0x73: {  	_ =	shalt  }
0x74: {  	_ =	shalt  }
0x75: {  	_ =	shalt  }
0x76: {  	_ =	shalt  }
0x77: {  	_ =	shalt  }
0x78: {  	_ =	shalt  }
0x79: {  	_ =	shalt  }
0x7a: {  	_ =	shalt  }
0x7b: {  	_ =	shalt  }
0x7c: {  	_ =	shalt  }
0x7d: {  	_ =	shalt  }
0x7e: {  	_ =	shalt  }
0x7f: {  	_ =	shalt  }
0x80: {  	_ =	shalt  }
0x81: {  	_ =	shalt  }
0x82: {  	_ =	shalt  }
0x83: {  	_ =	shalt  }
0x84: {  	_ =	shalt  }
0x85: {  	_ =	shalt  }
0x86: {  	_ =	shalt  }
0x87: {  	_ =	shalt  }
.Lfunc_end0:
.L_simem_size_0:
called_computation.1_lowered:
.L_overlay_start_0:
0x88: {  	s2 =	sld [smem:$0x3FD9]  }
0x89: {  	s3 =	sld [smem:$0x3FFE];
	_ =	sdelay $0x1  }
0x8a: {  	s1 =	srdreg.scid  }
0x8b: {  	s0 =	sand.u32 $0x1, s1  }
0x8c: {  	s16 =	sshll.u32 s0, $0xA;
	s2 =	sadd.s32 s3, s2  }
0x8d: {  	s2 =	sadd.s32 s2, s16  }
0x8e: {  	[smem:$0x3FC3] =	sst s2  }
0x8f: {  	_ = 	snop  }
0x90: {  	(tm) =	ssettm $0x1  }
0x91: {  	s17 =	sld [smem:$0x3FFB];
	_ =	sdelay $0x3  }
0x92: {  	_ =	strace s17  }
0x93: {  	s2 =	sld [smem:$0x3FFC];
	_ =	sdelay $0x3  }
0x94: {  	_ =	strace s2  }
0x95: {  	s2 =	sld [smem:$0x3FFD];
	_ =	sdelay $0x3  }
0x96: {  	_ =	strace s2  }
0x97: {  	_ =	strace $0x8FFFFFFF  }
0x98: {  	s18 =	sld [smem:$0x3FDB];
	_ =	sdelay $0x1  }
0x99: {  	s19 =	simm.s32 $_scs_section_size  }
0x9a: {  	s4 =	simm.s32 $_size__tile_overlayer_lowered;
	s5 =	simm.s32 $_tile_overlayer_lowered  }
0x9b: {  	s22 =	simm.s32 $0x1BFF;
	s21 =	sshll.u32 s5, $0x1;
	s2 =	sadd.s32 s19, s18  }
0x9c: {  	s6 =	simm.s32 $0x0;
	s20 =	sshll.u32 s4, $0x1;
	s4 =	sadd.s32 s21, s2  }
0x9d: {  	[timem:s6], [sflag:s22] =	dma.local [hbm:s4], s20  }
0x9e: {  	_ =	swait.ge [sflag:s22], s20  }
0x9f: {  	s3 =	ssub.s32 $0x0, s20;
	[sflag:s22] =	ssyncset.done $0x0  }
0xa0: {  	[sflag:s22] =	ssyncadd.s32 s3;
	_ =	sdelay $0x1  }
0xa1: {  	s23 =	simm.s32 $0x1B8B  }
0xa2: {  	_ =	swait.ge [sflag:s23], $0x1  }
0xa3: {  	[sflag:s23] =	ssyncset.done $0x0  }
0xa4: {  	s25 =	simm.s32 $0x1B8E;
	s24 =	sld [smem:$0x3FFE];
	[sflag:s23] =	ssyncadd.s32 $0xFFFFFFFF  }
0xa5: {  	s26 =	simm.s32 $execute0_lowered;
	[smem:$0x3FD2] =	sst s25  }
0xa6: {  	s4 =	sshll.u32 s26, $0x1;
	_ =	strace $0x80000049;
	[dreg:$0x1] =	wrdreg $0xFFFFFFFF  }
0xa7: {  	s28 =	simm.s32 $_size_execute0_lowered;
	s2 =	sadd.s32 s2, s4;
	[dreg:$0x0] =	wrdreg $0x0  }
0xa8: {  	s4 =	sshll.u32 s28, $0x1;
	[dreg:$0x2] =	wrdreg s2  }
0xa9: {  	[dreg:$0x3] =	wrdreg s4  }
0xaa: {  	[dreg:$0x4] =	wrdreg $0xC0  }
0xab: {  	_ =	task [dreg:s6], $0x5FFFF  }
0xac: {  	[dreg:$0x1] =	wrdreg $0xFFFFFFFF  }
0xad: {  	[dreg:$0x0] =	wrdreg $0x60  }
0xae: {  	[dreg:$0x2] =	wrdreg s24  }
0xaf: {  	[dreg:$0x3] =	wrdreg $0x2A000  }
0xb0: {  	[dreg:$0x4] =	wrdreg $0x9  }
0xb1: {  	_ =	task.clear_ibuf [dreg:s6], $0x5FFFF;
	_ =	strace $0x90000049  }
0xb2: {  	s29 =	simm.s32 $0x9;
	_ =	strace $0x8000004B  }
0xb3: {  	_ =	swait.ge [sflag:s29], $0x1  }
0xb4: {  	[sflag:s29] =	ssyncadd.s32 $0xFFFFFFFF  }
0xb5: {  	_ =	strace $0x9000004B  }
0xb6: {  	_ =	sfence  }
0xb7: {  	s30 =	sld [smem:$0x0];
	_ =	sdelay $0x2  }
0xb8: {  	s31 =	sshll.u32 s1, $0xD;
	s1 =	sshrl.u32 s1, $0x2  }
0xb9: {  	s3 =	sand.u32 $0x4000, s31;
	s1 =	sadd.s32 s1, s30  }
0xba: {  	s0 =	sor.u32 s3, s0;
	s1 =	sshll.u32 s1, $0x11  }
0xbb: {  	s0 =	sor.u32 s1, s0  }
0xbc: {  	s0 =	sadd.s32 $0x8F2B, s0  }
0xbd: {  	[sflag:s0] =	ssyncadd.remote.s32 $0x1  }
0xbe: {  	_ =	sfence.sel $0xFFFF  }
0xbf: {  	[dreg:$0x0] =	wrdreg $0xFFFFFFFF;
	(pc) =	sbr.abs _section_cstart, $3  }
0xc0: {  	[dreg:$0x1] =	wrdreg $0xFFFFFFFF  }
0xc1: {  	_ =	task.clear_ibuf [dreg:s6], $0x2FFFF;
	_ =	strace $0x9FFFFFFF  }
0xc2: {  	(tm) =	ssettm $0x7FFFFFFF  }
0xc3: {  	_ =	shalt  }
tec
execute0_lowered:
.L_overlay_start_1:
0x0: {  	(tag) =	ssettag $0x1  }
0x1: {  	s0 =	rddreg [dreg:$0x0]  }
0x2: {  	s1 =	rddreg [dreg:$0x1];
	s2 =	srdreg.scid;
	s3 =	simm.s32 $0x0  }
0x3: {  	s24 =	stileid.u32;
	s12 =	simm.s32 $0x5;
	s13 =	simm.s32 $0x500  }
0x4: {  	s14 =	simm.s32 $0x20;
	s15 =	simm.s32 $0xA00;
	s16 =	simm.s32 $0x1200  }
0x5: {  	s17 =	simm.s32 $0x40;
	s18 =	simm.s32 $0x1A00;
	s19 =	simm.s32 $0x60  }
0x6: {  	s20 =	simm.s32 $0x2200;
	s21 =	simm.s32 $0x1;
	s22 =	simm.s32 $0x2  }
0x7: {  	s23 =	simm.s32 $0x3;
	s28 =	simm.s32 $0x9C0;
	s29 =	simm.s32 $0x9E0  }
0x8: {  	s30 =	simm.s32 $0x0;
	s4 =	sand.u32 $0x1, s2;
	s6 =	smul.u32 $0x9E00, s24  }
0x9: {  	[smem:$0x7FF] =	sst s3;
	s8 =	smul.u32 $0xA0, s24;
	s31 =	sshll.u32 s24, $0x6  }
0xa: {  	s24 =	simm.s32 $0x4;
	s5 =	smul.u32 $0x9E000, s4;
	s4 =	ssub.s32 $0x2, s4  }
0xb: {  	_ =	strace $0x8000004A;
	s8 =	sadd.s32 s8, s0;
	s25 =	sshrl.u32 s4, $0x1  }
0xc: {  	s26 =	sshrl.u32 s6, $0x3;
	s11 =	sadd.s32 s6, s1;
	s7 =	sshrl.u32 s5, $0x3  }
0xd: {  	s5 =	sadd.s32 s6, s5;
	s10 =	ssub.s32 s4, s25;
	s6 =	sor.u32 $0x1C05, s31  }
0xe: {  	s11 =	sshrl.u32 s11, $0x3;
	s25 =	simm.s32 $0x980;
	s5 =	sshrl.u32 s5, $0x3  }
0xf: {  	s7 =	sadd.s32 s7, s0;
	s10 =	smax.u32 s10, $0x1;
	s0 =	sadd.s32 s5, s0  }
0x10: {  	s4 =	sadd.s32 $0x16400, s7;
	s7 =	sadd.s32 $0x1000, s8;
	s8 =	sadd.s32 $0x15A00, s8  }
0x11: {  	s5 =	sadd.s32 s26, s4;
	s9 =	sadd.s32 $0x3DC00, s0;
	s26 =	simm.s32 $0x9A0  }
.LBB2_1:
0x12: {  	[spmem:s11], [sflag:s6] =	dma.local [hbm:s5], $0x13C0  }
0x13: {  	_ =	swait.ge [sflag:s12], $0x13C0  }
0x14: {  	[sflag:s12] =	ssyncset.done $0x0  }
0x15: {  	[sflag:s12] =	ssyncadd.s32 $0xFFFFEC40  }
0x16: {  	[tilespmem:s3], [sflag:$0x5] =	stream.linear.gather [hbm4b:s7+s3], $0x500, $0x38;
	[tilespmem:$0xC800] =	vst v63  }
0x17: {  	_ =	swait.ge [sflag:s12], $0x500  }
0x18: {  	[sflag:s12] =	ssyncset.done $0x0  }
0x19: {  	[sflag:s12] =	ssyncadd.s32 $0xFFFFFB00  }
0x1a: {  	[tilespmem:s13], [sflag:$0x5] =	stream.linear.gather [hbm4b:s8+s3], $0x500, $0x38;
	[tilespmem:$0xC800] =	vst v63  }
0x1b: {  	_ =	swait.ge [sflag:s12], $0x500  }
0x1c: {  	[sflag:s12] =	ssyncset.done $0x0  }
0x1d: {  	[sflag:s12] =	ssyncadd.s32 $0xFFFFFB00  }
0x1e: {  	[bflag:$0x0] =	sbarrier.arrive $0xFFFF  }
0x1f: {  	[tilespmem:s15], [sflag:$0x1] =	stream.indirect.gather [hbm4b:s4+s14], $0x40, s3, s14, $0xb8;
	[tilespmem:$0xC800] =	vst v63  }
0x20: {  	_ = 	snop  }
0x21: {  	[tilespmem:s16], [sflag:$0x2] =	stream.indirect.gather [hbm4b:s4+s14], $0x40, s14, s14, $0xb8;
	[tilespmem:$0xC800] =	vst v63  }
0x22: {  	_ = 	snop  }
0x23: {  	[tilespmem:s18], [sflag:$0x3] =	stream.indirect.gather [hbm4b:s4+s14], $0x40, s17, s14, $0xb8;
	[tilespmem:$0xC800] =	vst v63  }
0x24: {  	_ = 	snop  }
0x25: {  	[tilespmem:s20], [sflag:$0x4] =	stream.indirect.gather [hbm4b:s4+s14], $0x40, s19, s14, $0xb8;
	[tilespmem:$0xC800] =	vst v63  }
0x26: {  	_ =	swait.ge [sflag:s21], $0x800  }
0x27: {  	[sflag:s21] =	ssyncset.done $0x0  }
0x28: {  	s0 =	simm.s32 $0x500;
	[sflag:s21] =	ssyncadd.s32 $0xFFFFF800  }
0x29: {  	[spmem:s1] =	stream.indirect.scatter.add.f32 [tilespmem:s15], [sflag:$0x5], $0x40, s0, s14, $0xb8;
	[tilespmem:$0xC800] =	vst v63  }
0x2a: {  	_ =	swait.ge [sflag:s12], $0x800  }
0x2b: {  	[sflag:s12] =	ssyncset.done $0x0  }
0x2c: {  	s2 =	simm.s32 $0x80;
	[sflag:s12] =	ssyncadd.s32 $0xFFFFF800  }
0x2d: {  	[tilespmem:s15], [sflag:$0x1] =	stream.indirect.gather [hbm4b:s4+s14], $0x40, s2, s14, $0xb8;
	[tilespmem:$0xC800] =	vst v63  }
0x2e: {  	_ =	swait.ge [sflag:s22], $0x800  }
0x2f: {  	[sflag:s22] =	ssyncset.done $0x0  }
0x30: {  	s2 =	simm.s32 $0x520;
	[sflag:s22] =	ssyncadd.s32 $0xFFFFF800  }
0x31: {  	[spmem:s1] =	stream.indirect.scatter.add.f32 [tilespmem:s16], [sflag:$0x5], $0x40, s2, s14, $0xb8;
	[tilespmem:$0xC800] =	vst v63  }
0x32: {  	_ =	swait.ge [sflag:s12], $0x800  }
0x33: {  	[sflag:s12] =	ssyncset.done $0x0  }
0x34: {  	s2 =	simm.s32 $0xA0;
	[sflag:s12] =	ssyncadd.s32 $0xFFFFF800  }
0x35: {  	[tilespmem:s16], [sflag:$0x2] =	stream.indirect.gather [hbm4b:s4+s14], $0x40, s2, s14, $0xb8;
	[tilespmem:$0xC800] =	vst v63  }
0x36: {  	_ =	swait.ge [sflag:s23], $0x800  }
0x37: {  	[sflag:s23] =	ssyncset.done $0x0  }
0x38: {  	s2 =	simm.s32 $0x540;
	[sflag:s23] =	ssyncadd.s32 $0xFFFFF800  }
0x39: {  	[spmem:s1] =	stream.indirect.scatter.add.f32 [tilespmem:s18], [sflag:$0x5], $0x40, s2, s14, $0xb8;
	[tilespmem:$0xC800] =	vst v63  }
0x3a: {  	_ =	swait.ge [sflag:s12], $0x800  }
0x3b: {  	[sflag:s12] =	ssyncset.done $0x0  }
0x3c: {  	s2 =	simm.s32 $0xC0;
	[sflag:s12] =	ssyncadd.s32 $0xFFFFF800  }
0x3d: {  	[tilespmem:s18], [sflag:$0x3] =	stream.indirect.gather [hbm4b:s4+s14], $0x40, s2, s14, $0xb8;
	[tilespmem:$0xC800] =	vst v63  }
0x3e: {  	_ =	swait.ge [sflag:s24], $0x800  }
0x3f: {  	[sflag:s24] =	ssyncset.done $0x0  }
0x40: {  	s2 =	simm.s32 $0x560;
	[sflag:s24] =	ssyncadd.s32 $0xFFFFF800  }
0x41: {  	[spmem:s1] =	stream.indirect.scatter.add.f32 [tilespmem:s20], [sflag:$0x5], $0x40, s2, s14, $0xb8;
	[tilespmem:$0xC800] =	vst v63  }
0x42: {  	_ =	swait.ge [sflag:s12], $0x800  }
0x43: {  	[sflag:s12] =	ssyncset.done $0x0  }
0x44: {  	s31 =	simm.s32 $0x200;
	s0 =	simm.s32 $0xE0;
	[sflag:s12] =	ssyncadd.s32 $0xFFFFF800  }
.LBB2_2:
0x45: {  	[tilespmem:s20], [sflag:$0x4] =	stream.indirect.gather [hbm4b:s4+s14], $0x40, s0, s14, $0xb8;
	[tilespmem:$0xC800] =	vst v63  }
0x46: {  	s0 =	smov.u32 s31  }
0x47: {  	p0 =	sne.s32 s31, $0x1000;
	s31 =	sadd.s32 $0x200, s31;
	_ =	swait.ge [sflag:s21], $0x800  }
0x48: {  	s0 =	sshra.s32 s0, $0x2;
	[sflag:s21] =	ssyncset.done $0x0  }
0x49: {  	s2 =	sadd.s32 $0x500, s0;
	[sflag:s21] =	ssyncadd.s32 $0xFFFFF800  }
0x4a: {  	[spmem:s1] =	stream.indirect.scatter.add.f32 [tilespmem:s15], [sflag:$0x5], $0x40, s2, s14, $0xb8;
	[tilespmem:$0xC800] =	vst v63  }
0x4b: {  	_ =	swait.ge [sflag:s12], $0x800  }
0x4c: {  	[sflag:s12] =	ssyncset.done $0x0  }
0x4d: {  	s2 =	sadd.s32 $0x80, s0;
	[sflag:s12] =	ssyncadd.s32 $0xFFFFF800  }
0x4e: {  	[tilespmem:s15], [sflag:$0x1] =	stream.indirect.gather [hbm4b:s4+s14], $0x40, s2, s14, $0xb8;
	[tilespmem:$0xC800] =	vst v63  }
0x4f: {  	_ =	swait.ge [sflag:s22], $0x800  }
0x50: {  	[sflag:s22] =	ssyncset.done $0x0  }
0x51: {  	s2 =	sadd.s32 $0x520, s0;
	[sflag:s22] =	ssyncadd.s32 $0xFFFFF800  }
0x52: {  	[spmem:s1] =	stream.indirect.scatter.add.f32 [tilespmem:s16], [sflag:$0x5], $0x40, s2, s14, $0xb8;
	[tilespmem:$0xC800] =	vst v63  }
0x53: {  	_ =	swait.ge [sflag:s12], $0x800  }
0x54: {  	[sflag:s12] =	ssyncset.done $0x0  }
0x55: {  	s2 =	sadd.s32 $0xA0, s0;
	[sflag:s12] =	ssyncadd.s32 $0xFFFFF800  }
0x56: {  	[tilespmem:s16], [sflag:$0x2] =	stream.indirect.gather [hbm4b:s4+s14], $0x40, s2, s14, $0xb8;
	[tilespmem:$0xC800] =	vst v63  }
0x57: {  	_ =	swait.ge [sflag:s23], $0x800  }
0x58: {  	[sflag:s23] =	ssyncset.done $0x0  }
0x59: {  	s2 =	sadd.s32 $0x540, s0;
	[sflag:s23] =	ssyncadd.s32 $0xFFFFF800  }
0x5a: {  	[spmem:s1] =	stream.indirect.scatter.add.f32 [tilespmem:s18], [sflag:$0x5], $0x40, s2, s14, $0xb8;
	[tilespmem:$0xC800] =	vst v63  }
0x5b: {  	_ =	swait.ge [sflag:s12], $0x800  }
0x5c: {  	[sflag:s12] =	ssyncset.done $0x0  }
0x5d: {  	s2 =	sadd.s32 $0xC0, s0;
	[sflag:s12] =	ssyncadd.s32 $0xFFFFF800  }
0x5e: {  	[tilespmem:s18], [sflag:$0x3] =	stream.indirect.gather [hbm4b:s4+s14], $0x40, s2, s14, $0xb8;
	[tilespmem:$0xC800] =	vst v63  }
0x5f: {  	_ =	swait.ge [sflag:s24], $0x800  }
0x60: {  	[sflag:s24] =	ssyncset.done $0x0  }
.Ltmp0:
0x61: {  	s2 =	sadd.s32 $0x560, s0;
	[sflag:s24] =	ssyncadd.s32 $0xFFFFF800;
	(pc) =	sbr.rel @p0 .LBB2_2-.Ltmp0, $4  }
0x62: {  	[spmem:s1] =	stream.indirect.scatter.add.f32 [tilespmem:s20], [sflag:$0x5], $0x40, s2, s14, $0xb8;
	[tilespmem:$0xC800] =	vst v63  }
0x63: {  	_ =	swait.ge [sflag:s12], $0x800  }
0x64: {  	[sflag:s12] =	ssyncset.done $0x0  }
0x65: {  	s0 =	sadd.s32 $0xE0, s0;
	[sflag:s12] =	ssyncadd.s32 $0xFFFFF800  }
0x66: {  	[tilespmem:s20], [sflag:$0x4] =	stream.indirect.gather [hbm4b:s4+s14], $0x40, s0, s14, $0xb8;
	[tilespmem:$0xC800] =	vst v63  }
0x67: {  	_ =	swait.ge [sflag:s21], $0x800  }
0x68: {  	[sflag:s21] =	ssyncset.done $0x0  }
0x69: {  	[sflag:s21] =	ssyncadd.s32 $0xFFFFF800  }
0x6a: {  	[spmem:s1] =	stream.indirect.scatter.add.f32 [tilespmem:s15], [sflag:$0x5], $0x40, s25, s14, $0xb8;
	[tilespmem:$0xC800] =	vst v63  }
0x6b: {  	_ =	swait.ge [sflag:s12], $0x800  }
0x6c: {  	[sflag:s12] =	ssyncset.done $0x0  }
0x6d: {  	[sflag:s12] =	ssyncadd.s32 $0xFFFFF800  }
0x6e: {  	_ =	swait.ge [sflag:s22], $0x800  }
0x6f: {  	[sflag:s22] =	ssyncset.done $0x0  }
0x70: {  	[sflag:s22] =	ssyncadd.s32 $0xFFFFF800  }
0x71: {  	[spmem:s1] =	stream.indirect.scatter.add.f32 [tilespmem:s16], [sflag:$0x5], $0x40, s26, s14, $0xb8;
	[tilespmem:$0xC800] =	vst v63  }
0x72: {  	_ =	swait.ge [sflag:s12], $0x800  }
0x73: {  	[sflag:s12] =	ssyncset.done $0x0  }
0x74: {  	[sflag:s12] =	ssyncadd.s32 $0xFFFFF800  }
0x75: {  	_ =	swait.ge [sflag:s23], $0x800  }
0x76: {  	[sflag:s23] =	ssyncset.done $0x0  }
0x77: {  	[sflag:s23] =	ssyncadd.s32 $0xFFFFF800  }
0x78: {  	[spmem:s1] =	stream.indirect.scatter.add.f32 [tilespmem:s18], [sflag:$0x5], $0x40, s28, s14, $0xb8;
	[tilespmem:$0xC800] =	vst v63  }
0x79: {  	_ =	swait.ge [sflag:s12], $0x800  }
0x7a: {  	[sflag:s12] =	ssyncset.done $0x0  }
0x7b: {  	[sflag:s12] =	ssyncadd.s32 $0xFFFFF800  }
0x7c: {  	_ =	swait.ge [sflag:s24], $0x800  }
0x7d: {  	[sflag:s24] =	ssyncset.done $0x0  }
0x7e: {  	[sflag:s24] =	ssyncadd.s32 $0xFFFFF800  }
0x7f: {  	[spmem:s1] =	stream.indirect.scatter.add.f32 [tilespmem:s20], [sflag:$0x5], $0x40, s29, s14, $0xb8;
	[tilespmem:$0xC800] =	vst v63  }
0x80: {  	_ =	swait.ge [sflag:s12], $0x800  }
0x81: {  	s30 =	sadd.s32 $0x1, s30;
	[sflag:s12] =	ssyncset.done $0x0  }
0x82: {  	p0 =	sne.s32 s30, s10;
	[sflag:s12] =	ssyncadd.s32 $0xFFFFF800  }
.Ltmp1:
0x83: {  	[bflag:$0x0] =	sbarrier.arrive $0xFFFF;
	(pc) =	sbr.rel @p0 .LBB2_1-.Ltmp1, $4  }
0x84: {  	[hbm:s9], [sflag:s6] =	dma.local [spmem:s11], $0x13C0  }
0x85: {  	_ =	swait.ge [sflag:s12], $0x13C0  }
0x86: {  	[sflag:s12] =	ssyncset.done $0x0  }
0x87: {  	[sflag:s12] =	ssyncadd.s32 $0xFFFFEC40  }
0x88: {  	_ =	sfence.sel $0x180000  }
0x89: {  	[bflag:$0x0] =	sbarrier.arrive $0xFFFF  }
0x8a: {  	_ =	strace $0x9000004A  }
0x8b: {  	s0 =	stileid.u32;
	[bflag:$0x2] =	sbarrier.arrive $0xFFFF  }
0x8c: {  	p0 =	sne.s32 s0, $0x0;
	s0 =	rddreg [dreg:$0x2]  }
0x8d: {  	s0 =	sadd.s32 @!p0 $0x100000, s0  }
0x8e: {  	[sflag:s0] =	ssyncadd.tile.s32 @!p0 $0x1;
	_ =	shalt  }
.Lfunc_end2:
_tile_overlayer_lowered:
.L_overlay_start_2:
0x8f: {  	(tag) =	ssettag $0x2  }
0x90: {  	s0 =	rddreg [dreg:$0x0];
	s2 =	stileid.u32  }
0x91: {  	s1 =	rddreg [dreg:$0x1];
	p0 =	sne.s32 s2, $0x0  }
0x92: {  	s3 =	rddreg [dreg:$0x2];
	[bflag:$0x3] =	sbarrier.arrive $0xFFFF;
	s2 =	simm.s32 @!p0 $0x1C05  }
0x93: {  	[timem:s3], [sflag:s2] =	dma.local @!p0 [hbm:s0], s1  }
0x94: {  	s0 =	simm.s32 @!p0 $0x5  }
0x95: {  	_ =	swait.ge @!p0 [sflag:s0], s1  }
0x96: {  	s1 =	ssub.s32 @!p0 $0x0, s1;
	[sflag:s0] =	ssyncset.done @!p0 $0x0  }
0x97: {  	[sflag:s0] =	ssyncadd.s32 @!p0 s1  }
0x98: {  	[bflag:$0x3] =	sbarrier.arrive $0xFFFF  }
0x99: {  	_ =	shalt  }

// kernel: kernel.14.cloned.1.call-start
scs
__scs_entry_jumppad:
0x0: {  	(pc) =	sbr.rel $0x88, $3  }
0x1: {  	(tag) =	ssettag $0x0;
	lr =	simm.s32 $0x1  }
0x2: {  	[smem:$0x3F9C] =	sst lr;
	_ =	strace $0xD0000000  }
0x3: {  	_ = 	snop  }
0x4: {  	_ = 	snop  }
0x5: {  	_ = 	snop  }
0x6: {  	_ = 	snop  }
0x7: {  	_ = 	snop  }
__scs_overlays_trampoline_lowered:
0x8: {  	[smem:$0x3FAB] =	sst s0  }
0x9: {  	[smem:$0x3FAC] =	sst s1  }
0xa: {  	[smem:$0x3FAD] =	sst s2  }
0xb: {  	[smem:$0x3FAE] =	sst s3  }
0xc: {  	[smem:$0x3FAF] =	sst s4  }
0xd: {  	[smem:$0x3FB0] =	sst s5  }
0xe: {  	[smem:$0x3FB1] =	sst s6  }
0xf: {  	[smem:$0x3FB2] =	sst s7  }
0x10: {  	[smem:$0x3FB3] =	sst s8  }
0x11: {  	[smem:$0x3FB4] =	sst s9;
	s0 =	simm.s32 @!p0 $0x0  }
0x12: {  	s1 =	sld [smem:$0x3F9A];
	s0 =	simm.s32 @p0 $0x1  }
0x13: {  	[smem:$0x3FB5] =	sst s0;
	s0 =	simm.s32 @!p1 $0x0  }
0x14: {  	s2 =	sld [smem:$0x3F99];
	s0 =	simm.s32 @p1 $0x1  }
0x15: {  	[smem:$0x3FB6] =	sst s0;
	s0 =	simm.s32 @!p2 $0x0  }
0x16: {  	s3 =	sld [smem:$0x3FDB];
	s0 =	simm.s32 @p2 $0x1  }
0x17: {  	s4 =	simm.s32 $0x1BF5;
	[smem:$0x3FB8] =	sst s0  }
0x18: {  	s0 =	sld [smem:$0x3F9B];
	_ =	swait.ge [sflag:s4], $0x0  }
0x19: {  	s7 =	sld [smem:$0x3F9C]  }
0x1a: {  	s8 =	sadd.s32 $0xFFFFE003, lr  }
0x1b: {  	s9 =	sadd.s32 $0xFFFFFEF7, lr;
	s5 =	simm.s32 $0xFFFFFFFF;
	p2 =	slt.u32 s8, $0xFFFFF086  }
0x1c: {  	p1 =	slt.u32 s9, $0xF7A;
	s5 =	simm.s32 @!p2 $0x0  }
0x1d: {  	s5 =	simm.s32 @p1 $0x1;
	p0 =	seq.s32 s7, s2  }
0x1e: {  	s7 =	smul.u32 @!p0 $0xF7A, s2;
	p2 =	seq.s32 @!p0 s5, $0x0  }
0x1f: {  	s9 =	smul.u32 $0xF7A, s1;
	s8 =	simm.s32 @!p0 $0x1BF5;
	p2 =	por !p2, p0  }
0x20: {  	[sflag:s8] =	ssyncset.s32 @!p0 $0xFFFFF086;
	s6 =	sadd.s32 @!p0 s3, s7;
	s7 =	simm.s32 @!p0 $0x108  }
0x21: {  	s3 =	sadd.s32 s3, s9;
	s6 =	sadd.s32 @!p0 $0x88, s6;
	s7 =	simm.s32 @p2 $0x1082  }
0x22: {  	[simem:s7], [sflag:s8] =	dma.local @!p0 [hbm:s6], $0xF7A  }
0x23: {  	s9 =	sor.u32 $0xD0000000, s2;
	s6 =	simm.s32 $0x108;
	_ =	swait.ge @!p0 [sflag:s8], $0x0  }
0x24: {  	s3 =	sadd.s32 $0x88, s3;
	s6 =	simm.s32 @!p1 $0x1082;
	[sflag:s4] =	ssyncset.s32 $0xFFFFF086  }
0x25: {  	[simem:s6], [sflag:s4] =	dma.local [hbm:s3], $0xF7A  }
0x26: {  	[smem:$0x3F9C] =	sst s1;
	(tag) =	ssettag s2;
	_ =	strace s9  }
0x27: {  	s1 =	sld [smem:$0x3FAC]  }
0x28: {  	s2 =	sld [smem:$0x3FAD]  }
0x29: {  	s4 =	sld [smem:$0x3FAF]  }
0x2a: {  	p0 =	seq.s32 s5, $0x0;
	s5 =	sld [smem:$0x3FB0]  }
0x2b: {  	s6 =	sld [smem:$0x3FB1]  }
0x2c: {  	s7 =	sld [smem:$0x3FB2]  }
0x2d: {  	s3 =	simm.s32 $0x108;
	s8 =	sld [smem:$0x3FB3]  }
0x2e: {  	s3 =	simm.s32 @!p0 $0x1082;
	s9 =	sld [smem:$0x3FB4]  }
0x2f: {  	lr =	sadd.s32 s0, s3;
	s0 =	sld [smem:$0x3FAB]  }
0x30: {  	s3 =	sld [smem:$0x3FAE]  }
0x31: {  	[smem:$0x3FB7] =	sst s10  }
0x32: {  	s10 =	sld [smem:$0x3FB5];
	_ =	sdelay $0x3  }
0x33: {  	p0 =	seq.s32 s10, $0x1;
	s10 =	sld [smem:$0x3FB7];
	_ =	sdelay $0x3  }
0x34: {  	[smem:$0x3FB7] =	sst s10  }
0x35: {  	s10 =	sld [smem:$0x3FB6];
	_ =	sdelay $0x3  }
0x36: {  	p1 =	seq.s32 s10, $0x1;
	s10 =	sld [smem:$0x3FB7];
	_ =	sdelay $0x3  }
0x37: {  	[smem:$0x3FB7] =	sst s10  }
0x38: {  	s10 =	sld [smem:$0x3FB8]  }
0x39: {  	_ = 	snop;
	(pc) =	sbr.ind lr, $3  }
0x3a: {  	_ = 	snop  }
0x3b: {  	_ = 	snop  }
0x3c: {  	p2 =	seq.s32 s10, $0x1;
	s10 =	sld [smem:$0x3FB7]  }
0x3d: {  	_ =	shalt  }
0x3e: {  	_ =	shalt  }
0x3f: {  	_ =	shalt  }
0x40: {  	_ =	shalt  }
0x41: {  	_ =	shalt  }
0x42: {  	_ =	shalt  }
0x43: {  	_ =	shalt  }
0x44: {  	_ =	shalt  }
0x45: {  	_ =	shalt  }
0x46: {  	_ =	shalt  }
0x47: {  	_ =	shalt  }
0x48: {  	_ =	shalt  }
0x49: {  	_ =	shalt  }
0x4a: {  	_ =	shalt  }
0x4b: {  	_ =	shalt  }
0x4c: {  	_ =	shalt  }
0x4d: {  	_ =	shalt  }
0x4e: {  	_ =	shalt  }
0x4f: {  	_ =	shalt  }
0x50: {  	_ =	shalt  }
0x51: {  	_ =	shalt  }
0x52: {  	_ =	shalt  }
0x53: {  	_ =	shalt  }
0x54: {  	_ =	shalt  }
0x55: {  	_ =	shalt  }
0x56: {  	_ =	shalt  }
0x57: {  	_ =	shalt  }
0x58: {  	_ =	shalt  }
0x59: {  	_ =	shalt  }
0x5a: {  	_ =	shalt  }
0x5b: {  	_ =	shalt  }
0x5c: {  	_ =	shalt  }
0x5d: {  	_ =	shalt  }
0x5e: {  	_ =	shalt  }
0x5f: {  	_ =	shalt  }
0x60: {  	_ =	shalt  }
0x61: {  	_ =	shalt  }
0x62: {  	_ =	shalt  }
0x63: {  	_ =	shalt  }
0x64: {  	_ =	shalt  }
0x65: {  	_ =	shalt  }
0x66: {  	_ =	shalt  }
0x67: {  	_ =	shalt  }
0x68: {  	_ =	shalt  }
0x69: {  	_ =	shalt  }
0x6a: {  	_ =	shalt  }
0x6b: {  	_ =	shalt  }
0x6c: {  	_ =	shalt  }
0x6d: {  	_ =	shalt  }
0x6e: {  	_ =	shalt  }
0x6f: {  	_ =	shalt  }
0x70: {  	_ =	shalt  }
0x71: {  	_ =	shalt  }
0x72: {  	_ =	shalt  }
0x73: {  	_ =	shalt  }
0x74: {  	_ =	shalt  }
0x75: {  	_ =	shalt  }
0x76: {  	_ =	shalt  }
0x77: {  	_ =	shalt  }
0x78: {  	_ =	shalt  }
0x79: {  	_ =	shalt  }
0x7a: {  	_ =	shalt  }
0x7b: {  	_ =	shalt  }
0x7c: {  	_ =	shalt  }
0x7d: {  	_ =	shalt  }
0x7e: {  	_ =	shalt  }
0x7f: {  	_ =	shalt  }
0x80: {  	_ =	shalt  }
0x81: {  	_ =	shalt  }
0x82: {  	_ =	shalt  }
0x83: {  	_ =	shalt  }
0x84: {  	_ =	shalt  }
0x85: {  	_ =	shalt  }
0x86: {  	_ =	shalt  }
0x87: {  	_ =	shalt  }
.Lfunc_end0:
.L_simem_size_0:
called_computation.2_lowered:
.L_overlay_start_0:
0x88: {  	s2 =	sld [smem:$0x3FD9]  }
0x89: {  	s3 =	sld [smem:$0x3FFE];
	_ =	sdelay $0x1  }
0x8a: {  	s1 =	srdreg.scid  }
0x8b: {  	s0 =	sand.u32 $0x1, s1  }
0x8c: {  	s17 =	sshll.u32 s0, $0xA;
	s2 =	sadd.s32 s3, s2  }
0x8d: {  	s2 =	sadd.s32 s2, s17  }
0x8e: {  	[smem:$0x3FC3] =	sst s2  }
0x8f: {  	_ = 	snop  }
0x90: {  	s2 =	sld [smem:$0x3FD0];
	(tm) =	ssettm $0x1  }
0x91: {  	s18 =	sld [smem:$0x3FFB];
	_ =	sdelay $0x3  }
0x92: {  	_ =	strace s18  }
0x93: {  	s3 =	sld [smem:$0x3FFC];
	_ =	sdelay $0x3  }
0x94: {  	_ =	strace s3  }
0x95: {  	s3 =	sld [smem:$0x3FFD];
	_ =	sdelay $0x3  }
0x96: {  	_ =	strace s3  }
0x97: {  	_ =	strace $0x8FFFFFFF  }
0x98: {  	s19 =	sld [smem:$0x3FDB];
	_ =	sdelay $0x1  }
0x99: {  	s4 =	simm.s32 $_scs_section_size  }
0x9a: {  	s5 =	simm.s32 $_size__tile_overlayer_lowered;
	s6 =	simm.s32 $_tile_overlayer_lowered  }
0x9b: {  	s22 =	simm.s32 $0x1BFF;
	s21 =	sshll.u32 s6, $0x1;
	s3 =	sadd.s32 s4, s19  }
0x9c: {  	s7 =	simm.s32 $0x0;
	s20 =	sshll.u32 s5, $0x1;
	s5 =	sadd.s32 s21, s3  }
0x9d: {  	[timem:s7], [sflag:s22] =	dma.local [hbm:s5], s20  }
0x9e: {  	_ =	swait.ge [sflag:s22], s20  }
0x9f: {  	s4 =	ssub.s32 $0x0, s20;
	[sflag:s22] =	ssyncset.done $0x0  }
0xa0: {  	[sflag:s22] =	ssyncadd.s32 s4;
	_ =	sdelay $0x1  }
0xa1: {  	s23 =	simm.s32 $0x1B8B  }
0xa2: {  	_ =	swait.ge [sflag:s23], $0x1  }
0xa3: {  	[sflag:s23] =	ssyncset.done $0x0  }
0xa4: {  	s25 =	simm.s32 $0x1B8E;
	s24 =	sld [smem:$0x3FFE];
	[sflag:s23] =	ssyncadd.s32 $0xFFFFFFFF  }
0xa5: {  	s26 =	simm.s32 $execute0_lowered;
	[smem:$0x3FD2] =	sst s25  }
0xa6: {  	s5 =	sshll.u32 s26, $0x1;
	_ =	strace $0x8000004C;
	[dreg:$0x1] =	wrdreg $0xFFFFFFFF  }
0xa7: {  	s28 =	simm.s32 $_size_execute0_lowered;
	s3 =	sadd.s32 s3, s5;
	[dreg:$0x0] =	wrdreg $0x0  }
0xa8: {  	s5 =	sshll.u32 s28, $0x1;
	[dreg:$0x2] =	wrdreg s3  }
0xa9: {  	[dreg:$0x3] =	wrdreg s5  }
0xaa: {  	[dreg:$0x4] =	wrdreg $0xC0  }
0xab: {  	_ =	task [dreg:s7], $0x5FFFF  }
0xac: {  	[dreg:$0x1] =	wrdreg $0xFFFFFFFF  }
0xad: {  	[dreg:$0x0] =	wrdreg $0x60  }
0xae: {  	[dreg:$0x2] =	wrdreg s24  }
0xaf: {  	[dreg:$0x3] =	wrdreg s2  }
0xb0: {  	[dreg:$0x4] =	wrdreg $0x15F000  }
0xb1: {  	[dreg:$0x5] =	wrdreg $0x9  }
0xb2: {  	_ =	task.clear_ibuf [dreg:s7], $0x6FFFF;
	_ =	strace $0x9000004C  }
0xb3: {  	s29 =	simm.s32 $0x9;
	_ =	strace $0x8000004E  }
0xb4: {  	_ =	swait.ge [sflag:s29], $0x1  }
0xb5: {  	[sflag:s29] =	ssyncadd.s32 $0xFFFFFFFF  }
0xb6: {  	_ =	strace $0x9000004E  }
0xb7: {  	_ =	sfence  }
0xb8: {  	s30 =	sld [smem:$0x0];
	_ =	sdelay $0x2  }
0xb9: {  	s31 =	sshll.u32 s1, $0xD;
	s1 =	sshrl.u32 s1, $0x2  }
0xba: {  	s3 =	sand.u32 $0x4000, s31;
	s1 =	sadd.s32 s1, s30  }
0xbb: {  	s0 =	sor.u32 s3, s0;
	s1 =	sshll.u32 s1, $0x11  }
0xbc: {  	s0 =	sor.u32 s1, s0  }
0xbd: {  	s0 =	sadd.s32 $0x8F2B, s0  }
0xbe: {  	[sflag:s0] =	ssyncadd.remote.s32 $0x1  }
0xbf: {  	_ =	sfence.sel $0xFFFF  }
0xc0: {  	[dreg:$0x0] =	wrdreg $0xFFFFFFFF;
	(pc) =	sbr.abs _section_cstart, $3  }
0xc1: {  	[dreg:$0x1] =	wrdreg $0xFFFFFFFF  }
0xc2: {  	_ =	task.clear_ibuf [dreg:s7], $0x2FFFF;
	_ =	strace $0x9FFFFFFF  }
0xc3: {  	(tm) =	ssettm $0x7FFFFFFF  }
tec
execute0_lowered:
.L_overlay_start_1:
0x0: {  	(tag) =	ssettag $0x1  }
0x1: {  	s0 =	rddreg [dreg:$0x0]  }
0x2: {  	s2 =	rddreg [dreg:$0x1]  }
0x3: {  	s1 =	rddreg [dreg:$0x2]  }
0x4: {  	s3 =	srdreg.scid;
	s12 =	stileid.u32  }
0x5: {  	s14 =	simm.s32 $0x20;
	s15 =	simm.s32 $0x12F00;
	s18 =	simm.s32 $0x13F00  }
0x6: {  	s22 =	simm.s32 $0x14F00;
	s24 =	simm.s32 $0x15700;
	s28 =	simm.s32 $0x5  }
0x7: {  	s29 =	simm.s32 $0x6;
	s30 =	simm.s32 $0x0;
	s6 =	smul.u32 $0x9E00, s12  }
0x8: {  	s4 =	sand.u32 $0x1, s3;
	s3 =	simm.s32 $0x0;
	s8 =	smul.u32 $0x12F0, s12  }
0x9: {  	s31 =	sshll.u32 s12, $0x6;
	s12 =	simm.s32 $0x7;
	[smem:$0x7FF] =	sst s3  }
0xa: {  	s5 =	smul.u32 $0x9E000, s4;
	s4 =	ssub.s32 $0x2, s4;
	_ =	strace $0x8000004D  }
0xb: {  	s9 =	sadd.s32 s8, s0;
	s25 =	sshrl.u32 s4, $0x1;
	s26 =	sshrl.u32 s6, $0x3  }
0xc: {  	s11 =	sadd.s32 s6, s1;
	s7 =	sshrl.u32 s5, $0x3;
	s5 =	sadd.s32 s6, s5  }
.Ltmp0:
0xd: {  	s10 =	ssub.s32 s4, s25;
	s6 =	sor.u32 $0x1C07, s31;
	(pc) =	sbr.rel .LBB2_1-.Ltmp0, $4  }
0xe: {  	s11 =	sshrl.u32 s11, $0x3;
	s25 =	simm.s32 $0x1;
	s5 =	sshrl.u32 s5, $0x3  }
0xf: {  	s7 =	sadd.s32 s7, s0;
	s10 =	smax.u32 s10, $0x1;
	s0 =	sadd.s32 s5, s0  }
0x10: {  	s4 =	sadd.s32 $0x14A00, s7;
	s7 =	sadd.s32 s2, s8;
	s8 =	sadd.s32 $0x1A00, s9  }
0x11: {  	s5 =	sadd.s32 s26, s4;
	s9 =	sadd.s32 $0x3C200, s0;
	s26 =	simm.s32 $0x3  }
.LBB2_4:
0x12: {  	_ =	swait.ge [sflag:s29], $0x800  }
0x13: {  	[sflag:s29] =	ssyncset.done $0x0  }
0x14: {  	[sflag:s29] =	ssyncadd.s32 $0xFFFFF800  }
0x15: {  	[spmem:s1] =	stream.indirect.scatter.add.f32 [tilespmem:s24], [sflag:$0x7], $0x40, s2, s14, $0xb8;
	[tilespmem:$0x1FD00] =	vst v63  }
0x16: {  	_ =	swait.ge [sflag:s12], $0x800  }
0x17: {  	s30 =	sadd.s32 $0x1, s30;
	[sflag:s12] =	ssyncset.done $0x0  }
0x18: {  	p0 =	sne.s32 s30, s10;
	[sflag:s12] =	ssyncadd.s32 $0xFFFFF800  }
.Ltmp1:
0x19: {  	[bflag:$0x0] =	sbarrier.arrive $0xFFFF;
	(pc) =	sbr.rel @!p0 .LBB2_5-.Ltmp1, $4  }
0x1a: {  	[hbm:s9], [sflag:s6] =	dma.local [spmem:s11], $0x13C0  }
0x1b: {  	_ =	swait.ge [sflag:s12], $0x13C0  }
0x1c: {  	[sflag:s12] =	ssyncset.done $0x0  }
0x1d: {  	[sflag:s12] =	ssyncadd.s32 $0xFFFFEC40  }
.LBB2_1:
0x1e: {  	[spmem:s11], [sflag:s6] =	dma.local [hbm:s5], $0x13C0  }
0x1f: {  	_ =	swait.ge [sflag:s12], $0x13C0  }
0x20: {  	[sflag:s12] =	ssyncset.done $0x0  }
0x21: {  	[sflag:s12] =	ssyncadd.s32 $0xFFFFEC40  }
0x22: {  	[tilespmem:s3], [sflag:$0x7] =	stream.linear.gather [hbm4b:s7+s3], $0x9780, $0x38;
	[tilespmem:$0x1FD00] =	vst v63  }
0x23: {  	_ =	swait.ge [sflag:s12], $0x9780  }
0x24: {  	[sflag:s12] =	ssyncset.done $0x0  }
0x25: {  	s0 =	simm.s32 $0x9780;
	[sflag:s12] =	ssyncadd.s32 $0xFFFF6880  }
0x26: {  	[tilespmem:s0], [sflag:$0x7] =	stream.linear.gather [hbm4b:s8+s3], $0x9780, $0x38;
	[tilespmem:$0x1FD00] =	vst v63  }
0x27: {  	_ =	swait.ge [sflag:s12], $0x9780  }
0x28: {  	[sflag:s12] =	ssyncset.done $0x0  }
0x29: {  	[sflag:s12] =	ssyncadd.s32 $0xFFFF6880  }
0x2a: {  	[bflag:$0x0] =	sbarrier.arrive $0xFFFF  }
0x2b: {  	[tilespmem:s15], [sflag:$0x1] =	stream.indirect.gather [hbm4b:s4+s14], $0x40, s3, s14, $0xb8;
	[tilespmem:$0x1FD00] =	vst v63  }
0x2c: {  	s17 =	simm.s32 $0x13700  }
0x2d: {  	[tilespmem:s17], [sflag:$0x2] =	stream.indirect.gather [hbm4b:s4+s14], $0x40, s14, s14, $0xb8;
	[tilespmem:$0x1FD00] =	vst v63  }
0x2e: {  	s19 =	simm.s32 $0x40  }
0x2f: {  	[tilespmem:s18], [sflag:$0x3] =	stream.indirect.gather [hbm4b:s4+s14], $0x40, s19, s14, $0xb8;
	[tilespmem:$0x1FD00] =	vst v63  }
0x30: {  	s20 =	simm.s32 $0x60;
	s2 =	simm.s32 $0x14700  }
0x31: {  	[tilespmem:s2], [sflag:$0x4] =	stream.indirect.gather [hbm4b:s4+s14], $0x40, s20, s14, $0xb8;
	[tilespmem:$0x1FD00] =	vst v63  }
0x32: {  	s21 =	simm.s32 $0x80  }
0x33: {  	[tilespmem:s22], [sflag:$0x5] =	stream.indirect.gather [hbm4b:s4+s14], $0x40, s21, s14, $0xb8;
	[tilespmem:$0x1FD00] =	vst v63  }
0x34: {  	s23 =	simm.s32 $0xA0;
	s31 =	simm.s32 $0x0  }
0x35: {  	[tilespmem:s24], [sflag:$0x6] =	stream.indirect.gather [hbm4b:s4+s14], $0x40, s23, s14, $0xb8;
	[tilespmem:$0x1FD00] =	vst v63  }
.LBB2_2:
0x36: {  	_ =	swait.ge [sflag:s25], $0x800  }
0x37: {  	s0 =	sshra.s32 s31, $0x2;
	[sflag:s25] =	ssyncset.done $0x0  }
0x38: {  	s2 =	sadd.s32 $0x9780, s0;
	[sflag:s25] =	ssyncadd.s32 $0xFFFFF800  }
0x39: {  	[spmem:s1] =	stream.indirect.scatter.add.f32 [tilespmem:s15], [sflag:$0x7], $0x40, s2, s14, $0xb8;
	[tilespmem:$0x1FD00] =	vst v63  }
0x3a: {  	_ =	swait.ge [sflag:s12], $0x800  }
0x3b: {  	p0 =	seq.s32 s31, $0x25B00;
	[sflag:s12] =	ssyncset.done $0x0  }
0x3c: {  	s2 =	simm.s32 @p0 $0x2;
	[sflag:s12] =	ssyncadd.s32 $0xFFFFF800  }
0x3d: {  	_ =	swait.ge @p0 [sflag:s2], $0x800  }
0x3e: {  	[sflag:s2] =	ssyncset.done @p0 $0x0  }
0x3f: {  	[sflag:s2] =	ssyncadd.s32 @p0 $0xFFFFF800;
	s2 =	sshra.s32 @p0 s31, $0x2  }
0x40: {  	s16 =	simm.s32 @p0 $0x20;
	s17 =	simm.s32 @p0 $0x13700;
	s13 =	sadd.s32 @p0 $0x97A0, s2  }
0x41: {  	[spmem:s1] =	stream.indirect.scatter.add.f32 @p0 [tilespmem:s17], [sflag:$0x7], $0x40, s13, s16, $0xb8;
	[tilespmem:$0x1FD00] =	vst v63  }
0x42: {  	s13 =	simm.s32 @p0 $0x7  }
0x43: {  	_ =	swait.ge @p0 [sflag:s13], $0x800  }
0x44: {  	s20 =	simm.s32 @!p0 $0x20;
	s17 =	sshra.s32 @!p0 s31, $0x2;
	[sflag:s13] =	ssyncset.done @p0 $0x0  }
0x45: {  	s21 =	simm.s32 @!p0 $0x12F00;
	s19 =	sadd.s32 @!p0 $0xC0, s17;
	[sflag:s13] =	ssyncadd.s32 @p0 $0xFFFFF800  }
0x46: {  	[tilespmem:s21], [sflag:$0x1] =	stream.indirect.gather @!p0 [hbm4b:s4+s20], $0x40, s19, s20, $0xb8;
	[tilespmem:$0x1FD00] =	vst v63  }
0x47: {  	s19 =	simm.s32 @!p0 $0x2  }
0x48: {  	_ =	swait.ge @!p0 [sflag:s19], $0x800  }
0x49: {  	[sflag:s19] =	ssyncset.done @!p0 $0x0  }
0x4a: {  	s21 =	simm.s32 @!p0 $0x13700;
	[sflag:s19] =	ssyncadd.s32 @!p0 $0xFFFFF800;
	s19 =	sadd.s32 @!p0 $0x97A0, s17  }
0x4b: {  	[spmem:s1] =	stream.indirect.scatter.add.f32 @!p0 [tilespmem:s21], [sflag:$0x7], $0x40, s19, s20, $0xb8;
	[tilespmem:$0x1FD00] =	vst v63  }
0x4c: {  	s19 =	simm.s32 @!p0 $0x7  }
0x4d: {  	_ =	swait.ge @!p0 [sflag:s19], $0x800  }
0x4e: {  	[sflag:s19] =	ssyncset.done @!p0 $0x0  }
0x4f: {  	s23 =	sadd.s32 @!p0 $0xE0, s17;
	[sflag:s19] =	ssyncadd.s32 @!p0 $0xFFFFF800  }
0x50: {  	[tilespmem:s21], [sflag:$0x2] =	stream.indirect.gather @!p0 [hbm4b:s4+s20], $0x40, s23, s20, $0xb8;
	[tilespmem:$0x1FD00] =	vst v63  }
0x51: {  	_ =	swait.ge [sflag:s26], $0x800  }
0x52: {  	[sflag:s26] =	ssyncset.done $0x0  }
0x53: {  	s23 =	sadd.s32 $0x97C0, s0;
	[sflag:s26] =	ssyncadd.s32 $0xFFFFF800  }
0x54: {  	[spmem:s1] =	stream.indirect.scatter.add.f32 [tilespmem:s18], [sflag:$0x7], $0x40, s23, s14, $0xb8;
	[tilespmem:$0x1FD00] =	vst v63  }
0x55: {  	_ =	swait.ge [sflag:s12], $0x800  }
0x56: {  	[sflag:s12] =	ssyncset.done $0x0  }
0x57: {  	s21 =	simm.s32 @p0 $0x4;
	[sflag:s12] =	ssyncadd.s32 $0xFFFFF800  }
0x58: {  	_ =	swait.ge @p0 [sflag:s21], $0x800  }
0x59: {  	[sflag:s21] =	ssyncset.done @p0 $0x0  }
0x5a: {  	s2 =	sadd.s32 @p0 $0x97E0, s2;
	[sflag:s21] =	ssyncadd.s32 @p0 $0xFFFFF800;
	s21 =	simm.s32 @p0 $0x14700  }
0x5b: {  	[spmem:s1] =	stream.indirect.scatter.add.f32 @p0 [tilespmem:s21], [sflag:$0x7], $0x40, s2, s16, $0xb8;
	[tilespmem:$0x1FD00] =	vst v63  }
0x5c: {  	_ =	swait.ge @p0 [sflag:s13], $0x800  }
0x5d: {  	[sflag:s13] =	ssyncset.done @p0 $0x0  }
0x5e: {  	s2 =	sadd.s32 @!p0 $0x100, s17;
	[sflag:s13] =	ssyncadd.s32 @p0 $0xFFFFF800;
	s13 =	simm.s32 @!p0 $0x13F00  }
0x5f: {  	[tilespmem:s13], [sflag:$0x3] =	stream.indirect.gather @!p0 [hbm4b:s4+s20], $0x40, s2, s20, $0xb8;
	[tilespmem:$0x1FD00] =	vst v63  }
0x60: {  	s2 =	simm.s32 @!p0 $0x4  }
0x61: {  	_ =	swait.ge @!p0 [sflag:s2], $0x800  }
0x62: {  	[sflag:s2] =	ssyncset.done @!p0 $0x0  }
0x63: {  	s13 =	simm.s32 @!p0 $0x14700;
	[sflag:s2] =	ssyncadd.s32 @!p0 $0xFFFFF800;
	s2 =	sadd.s32 @!p0 $0x97E0, s17  }
0x64: {  	[spmem:s1] =	stream.indirect.scatter.add.f32 @!p0 [tilespmem:s13], [sflag:$0x7], $0x40, s2, s20, $0xb8;
	[tilespmem:$0x1FD00] =	vst v63  }
0x65: {  	_ =	swait.ge @!p0 [sflag:s19], $0x800  }
0x66: {  	[sflag:s19] =	ssyncset.done @!p0 $0x0  }
0x67: {  	s2 =	sadd.s32 @!p0 $0x120, s17;
	[sflag:s19] =	ssyncadd.s32 @!p0 $0xFFFFF800  }
0x68: {  	[tilespmem:s13], [sflag:$0x4] =	stream.indirect.gather @!p0 [hbm4b:s4+s20], $0x40, s2, s20, $0xb8;
	[tilespmem:$0x1FD00] =	vst v63  }
0x69: {  	_ =	swait.ge [sflag:s28], $0x800  }
0x6a: {  	[sflag:s28] =	ssyncset.done $0x0  }
.Ltmp2:
0x6b: {  	s23 =	sadd.s32 $0x9800, s0;
	[sflag:s28] =	ssyncadd.s32 $0xFFFFF800;
	(pc) =	sbr.rel @p0 .LBB2_4-.Ltmp2, $4  }
0x6c: {  	[spmem:s1] =	stream.indirect.scatter.add.f32 [tilespmem:s22], [sflag:$0x7], $0x40, s23, s14, $0xb8;
	[tilespmem:$0x1FD00] =	vst v63  }
0x6d: {  	_ =	swait.ge [sflag:s12], $0x800  }
0x6e: {  	[sflag:s12] =	ssyncset.done $0x0  }
0x6f: {  	s2 =	sadd.s32 $0x9820, s0;
	[sflag:s12] =	ssyncadd.s32 $0xFFFFF800  }
0x70: {  	s13 =	sadd.s32 $0x140, s0  }
0x71: {  	[tilespmem:s22], [sflag:$0x5] =	stream.indirect.gather [hbm4b:s4+s14], $0x40, s13, s14, $0xb8;
	[tilespmem:$0x1FD00] =	vst v63  }
0x72: {  	_ =	swait.ge [sflag:s29], $0x800  }
0x73: {  	[sflag:s29] =	ssyncset.done $0x0  }
0x74: {  	[sflag:s29] =	ssyncadd.s32 $0xFFFFF800  }
0x75: {  	[spmem:s1] =	stream.indirect.scatter.add.f32 [tilespmem:s24], [sflag:$0x7], $0x40, s2, s14, $0xb8;
	[tilespmem:$0x1FD00] =	vst v63  }
.Ltmp3:
0x76: {  	_ = 	snop;
	(pc) =	sbr.rel .LBB2_2-.Ltmp3, $4  }
0x77: {  	_ =	swait.ge [sflag:s12], $0x800  }
0x78: {  	[sflag:s12] =	ssyncset.done $0x0  }
0x79: {  	s23 =	sadd.s32 $0x160, s0;
	s31 =	sadd.s32 $0x300, s31;
	[sflag:s12] =	ssyncadd.s32 $0xFFFFF800  }
0x7a: {  	[tilespmem:s24], [sflag:$0x6] =	stream.indirect.gather [hbm4b:s4+s14], $0x40, s23, s14, $0xb8;
	[tilespmem:$0x1FD00] =	vst v63  }
.LBB2_5:
0x7b: {  	_ =	sfence.sel $0x180000  }
0x7c: {  	[bflag:$0x0] =	sbarrier.arrive $0xFFFF  }
0x7d: {  	_ =	strace $0x9000004D  }
0x7e: {  	s0 =	stileid.u32;
	[bflag:$0x2] =	sbarrier.arrive $0xFFFF  }
0x7f: {  	p0 =	sne.s32 s0, $0x0;
	s0 =	rddreg [dreg:$0x3]  }
0x80: {  	s0 =	sadd.s32 @!p0 $0x100000, s0  }
0x81: {  	[sflag:s0] =	ssyncadd.tile.s32 @!p0 $0x1;
	_ =	shalt  }
.Lfunc_end2:
_tile_overlayer_lowered:
.L_overlay_start_2:
0x82: {  	(tag) =	ssettag $0x2  }
0x83: {  	s0 =	rddreg [dreg:$0x0];
	s2 =	stileid.u32  }
0x84: {  	s1 =	rddreg [dreg:$0x1];
	p0 =	sne.s32 s2, $0x0  }
0x85: {  	s3 =	rddreg [dreg:$0x2];
	[bflag:$0x3] =	sbarrier.arrive $0xFFFF;
	s2 =	simm.s32 @!p0 $0x1C07  }
0x86: {  	[timem:s3], [sflag:s2] =	dma.local @!p0 [hbm:s0], s1  }
0x87: {  	s0 =	simm.s32 @!p0 $0x7  }
0x88: {  	_ =	swait.ge @!p0 [sflag:s0], s1  }
0x89: {  	s1 =	ssub.s32 @!p0 $0x0, s1;
	[sflag:s0] =	ssyncset.done @!p0 $0x0  }
0x8a: {  	[sflag:s0] =	ssyncadd.s32 @!p0 s1  }
0x8b: {  	[bflag:$0x3] =	sbarrier.arrive $0xFFFF  }
0x8c: {  	_ =	shalt  }

// kernel: kernel.8.cloned.1.call-start
scs
__scs_entry_jumppad:
0x0: {  	(pc) =	sbr.rel $0x88, $3  }
0x1: {  	(tag) =	ssettag $0x0;
	lr =	simm.s32 $0x1  }
0x2: {  	[smem:$0x3F9C] =	sst lr;
	_ =	strace $0xD0000000  }
0x3: {  	_ = 	snop  }
0x4: {  	_ = 	snop  }
0x5: {  	_ = 	snop  }
0x6: {  	_ = 	snop  }
0x7: {  	_ = 	snop  }
__scs_overlays_trampoline_lowered:
0x8: {  	[smem:$0x3FAB] =	sst s0  }
0x9: {  	[smem:$0x3FAC] =	sst s1  }
0xa: {  	[smem:$0x3FAD] =	sst s2  }
0xb: {  	[smem:$0x3FAE] =	sst s3  }
0xc: {  	[smem:$0x3FAF] =	sst s4  }
0xd: {  	[smem:$0x3FB0] =	sst s5  }
0xe: {  	[smem:$0x3FB1] =	sst s6  }
0xf: {  	[smem:$0x3FB2] =	sst s7  }
0x10: {  	[smem:$0x3FB3] =	sst s8  }
0x11: {  	[smem:$0x3FB4] =	sst s9;
	s0 =	simm.s32 @!p0 $0x0  }
0x12: {  	s1 =	sld [smem:$0x3F9A];
	s0 =	simm.s32 @p0 $0x1  }
0x13: {  	[smem:$0x3FB5] =	sst s0;
	s0 =	simm.s32 @!p1 $0x0  }
0x14: {  	s2 =	sld [smem:$0x3F99];
	s0 =	simm.s32 @p1 $0x1  }
0x15: {  	[smem:$0x3FB6] =	sst s0;
	s0 =	simm.s32 @!p2 $0x0  }
0x16: {  	s3 =	sld [smem:$0x3FDB];
	s0 =	simm.s32 @p2 $0x1  }
0x17: {  	s4 =	simm.s32 $0x1BF5;
	[smem:$0x3FB8] =	sst s0  }
0x18: {  	s0 =	sld [smem:$0x3F9B];
	_ =	swait.ge [sflag:s4], $0x0  }
0x19: {  	s7 =	sld [smem:$0x3F9C]  }
0x1a: {  	s8 =	sadd.s32 $0xFFFFE003, lr  }
0x1b: {  	s9 =	sadd.s32 $0xFFFFFEF7, lr;
	s5 =	simm.s32 $0xFFFFFFFF;
	p2 =	slt.u32 s8, $0xFFFFF086  }
0x1c: {  	p1 =	slt.u32 s9, $0xF7A;
	s5 =	simm.s32 @!p2 $0x0  }
0x1d: {  	s5 =	simm.s32 @p1 $0x1;
	p0 =	seq.s32 s7, s2  }
0x1e: {  	s7 =	smul.u32 @!p0 $0xF7A, s2;
	p2 =	seq.s32 @!p0 s5, $0x0  }
0x1f: {  	s9 =	smul.u32 $0xF7A, s1;
	s8 =	simm.s32 @!p0 $0x1BF5;
	p2 =	por !p2, p0  }
0x20: {  	[sflag:s8] =	ssyncset.s32 @!p0 $0xFFFFF086;
	s6 =	sadd.s32 @!p0 s3, s7;
	s7 =	simm.s32 @!p0 $0x108  }
0x21: {  	s3 =	sadd.s32 s3, s9;
	s6 =	sadd.s32 @!p0 $0x88, s6;
	s7 =	simm.s32 @p2 $0x1082  }
0x22: {  	[simem:s7], [sflag:s8] =	dma.local @!p0 [hbm:s6], $0xF7A  }
0x23: {  	s9 =	sor.u32 $0xD0000000, s2;
	s6 =	simm.s32 $0x108;
	_ =	swait.ge @!p0 [sflag:s8], $0x0  }
0x24: {  	s3 =	sadd.s32 $0x88, s3;
	s6 =	simm.s32 @!p1 $0x1082;
	[sflag:s4] =	ssyncset.s32 $0xFFFFF086  }
0x25: {  	[simem:s6], [sflag:s4] =	dma.local [hbm:s3], $0xF7A  }
0x26: {  	[smem:$0x3F9C] =	sst s1;
	(tag) =	ssettag s2;
	_ =	strace s9  }
0x27: {  	s1 =	sld [smem:$0x3FAC]  }
0x28: {  	s2 =	sld [smem:$0x3FAD]  }
0x29: {  	s4 =	sld [smem:$0x3FAF]  }
0x2a: {  	p0 =	seq.s32 s5, $0x0;
	s5 =	sld [smem:$0x3FB0]  }
0x2b: {  	s6 =	sld [smem:$0x3FB1]  }
0x2c: {  	s7 =	sld [smem:$0x3FB2]  }
0x2d: {  	s3 =	simm.s32 $0x108;
	s8 =	sld [smem:$0x3FB3]  }
0x2e: {  	s3 =	simm.s32 @!p0 $0x1082;
	s9 =	sld [smem:$0x3FB4]  }
0x2f: {  	lr =	sadd.s32 s0, s3;
	s0 =	sld [smem:$0x3FAB]  }
0x30: {  	s3 =	sld [smem:$0x3FAE]  }
0x31: {  	[smem:$0x3FB7] =	sst s10  }
0x32: {  	s10 =	sld [smem:$0x3FB5];
	_ =	sdelay $0x3  }
0x33: {  	p0 =	seq.s32 s10, $0x1;
	s10 =	sld [smem:$0x3FB7];
	_ =	sdelay $0x3  }
0x34: {  	[smem:$0x3FB7] =	sst s10  }
0x35: {  	s10 =	sld [smem:$0x3FB6];
	_ =	sdelay $0x3  }
0x36: {  	p1 =	seq.s32 s10, $0x1;
	s10 =	sld [smem:$0x3FB7];
	_ =	sdelay $0x3  }
0x37: {  	[smem:$0x3FB7] =	sst s10  }
0x38: {  	s10 =	sld [smem:$0x3FB8]  }
0x39: {  	_ = 	snop;
	(pc) =	sbr.ind lr, $3  }
0x3a: {  	_ = 	snop  }
0x3b: {  	_ = 	snop  }
0x3c: {  	p2 =	seq.s32 s10, $0x1;
	s10 =	sld [smem:$0x3FB7]  }
0x3d: {  	_ =	shalt  }
0x3e: {  	_ =	shalt  }
0x3f: {  	_ =	shalt  }
0x40: {  	_ =	shalt  }
0x41: {  	_ =	shalt  }
0x42: {  	_ =	shalt  }
0x43: {  	_ =	shalt  }
0x44: {  	_ =	shalt  }
0x45: {  	_ =	shalt  }
0x46: {  	_ =	shalt  }
0x47: {  	_ =	shalt  }
0x48: {  	_ =	shalt  }
0x49: {  	_ =	shalt  }
0x4a: {  	_ =	shalt  }
0x4b: {  	_ =	shalt  }
0x4c: {  	_ =	shalt  }
0x4d: {  	_ =	shalt  }
0x4e: {  	_ =	shalt  }
0x4f: {  	_ =	shalt  }
0x50: {  	_ =	shalt  }
0x51: {  	_ =	shalt  }
0x52: {  	_ =	shalt  }
0x53: {  	_ =	shalt  }
0x54: {  	_ =	shalt  }
0x55: {  	_ =	shalt  }
0x56: {  	_ =	shalt  }
0x57: {  	_ =	shalt  }
0x58: {  	_ =	shalt  }
0x59: {  	_ =	shalt  }
0x5a: {  	_ =	shalt  }
0x5b: {  	_ =	shalt  }
0x5c: {  	_ =	shalt  }
0x5d: {  	_ =	shalt  }
0x5e: {  	_ =	shalt  }
0x5f: {  	_ =	shalt  }
0x60: {  	_ =	shalt  }
0x61: {  	_ =	shalt  }
0x62: {  	_ =	shalt  }
0x63: {  	_ =	shalt  }
0x64: {  	_ =	shalt  }
0x65: {  	_ =	shalt  }
0x66: {  	_ =	shalt  }
0x67: {  	_ =	shalt  }
0x68: {  	_ =	shalt  }
0x69: {  	_ =	shalt  }
0x6a: {  	_ =	shalt  }
0x6b: {  	_ =	shalt  }
0x6c: {  	_ =	shalt  }
0x6d: {  	_ =	shalt  }
0x6e: {  	_ =	shalt  }
0x6f: {  	_ =	shalt  }
0x70: {  	_ =	shalt  }
0x71: {  	_ =	shalt  }
0x72: {  	_ =	shalt  }
0x73: {  	_ =	shalt  }
0x74: {  	_ =	shalt  }
0x75: {  	_ =	shalt  }
0x76: {  	_ =	shalt  }
0x77: {  	_ =	shalt  }
0x78: {  	_ =	shalt  }
0x79: {  	_ =	shalt  }
0x7a: {  	_ =	shalt  }
0x7b: {  	_ =	shalt  }
0x7c: {  	_ =	shalt  }
0x7d: {  	_ =	shalt  }
0x7e: {  	_ =	shalt  }
0x7f: {  	_ =	shalt  }
0x80: {  	_ =	shalt  }
0x81: {  	_ =	shalt  }
0x82: {  	_ =	shalt  }
0x83: {  	_ =	shalt  }
0x84: {  	_ =	shalt  }
0x85: {  	_ =	shalt  }
0x86: {  	_ =	shalt  }
0x87: {  	_ =	shalt  }
.Lfunc_end0:
.L_simem_size_0:
called_computation_lowered:
.L_overlay_start_0:
0x88: {  	s2 =	sld [smem:$0x3FD9]  }
0x89: {  	s3 =	sld [smem:$0x3FFE];
	_ =	sdelay $0x1  }
0x8a: {  	s1 =	srdreg.scid  }
0x8b: {  	s0 =	sand.u32 $0x1, s1  }
0x8c: {  	s17 =	sshll.u32 s0, $0xA;
	s2 =	sadd.s32 s3, s2  }
0x8d: {  	s2 =	sadd.s32 s2, s17  }
0x8e: {  	[smem:$0x3FC3] =	sst s2  }
0x8f: {  	_ = 	snop  }
0x90: {  	s2 =	sld [smem:$0x3FD0];
	(tm) =	ssettm $0x1  }
0x91: {  	s18 =	sld [smem:$0x3FFB];
	_ =	sdelay $0x3  }
0x92: {  	_ =	strace s18  }
0x93: {  	s3 =	sld [smem:$0x3FFC];
	_ =	sdelay $0x3  }
0x94: {  	_ =	strace s3  }
0x95: {  	s3 =	sld [smem:$0x3FFD];
	_ =	sdelay $0x3  }
0x96: {  	_ =	strace s3  }
0x97: {  	_ =	strace $0x8FFFFFFF  }
0x98: {  	s19 =	sld [smem:$0x3FDB];
	_ =	sdelay $0x1  }
0x99: {  	s4 =	simm.s32 $_scs_section_size  }
0x9a: {  	s5 =	simm.s32 $_size__tile_overlayer_lowered;
	s6 =	simm.s32 $_tile_overlayer_lowered  }
0x9b: {  	s22 =	simm.s32 $0x1BFF;
	s21 =	sshll.u32 s6, $0x1;
	s3 =	sadd.s32 s4, s19  }
0x9c: {  	s7 =	simm.s32 $0x0;
	s20 =	sshll.u32 s5, $0x1;
	s5 =	sadd.s32 s21, s3  }
0x9d: {  	[timem:s7], [sflag:s22] =	dma.local [hbm:s5], s20  }
0x9e: {  	_ =	swait.ge [sflag:s22], s20  }
0x9f: {  	s4 =	ssub.s32 $0x0, s20;
	[sflag:s22] =	ssyncset.done $0x0  }
0xa0: {  	[sflag:s22] =	ssyncadd.s32 s4;
	_ =	sdelay $0x1  }
0xa1: {  	s23 =	simm.s32 $0x1B8B  }
0xa2: {  	_ =	swait.ge [sflag:s23], $0x1  }
0xa3: {  	[sflag:s23] =	ssyncset.done $0x0  }
0xa4: {  	s25 =	simm.s32 $0x1B8E;
	s24 =	sld [smem:$0x3FFE];
	[sflag:s23] =	ssyncadd.s32 $0xFFFFFFFF  }
0xa5: {  	s26 =	simm.s32 $execute0_lowered;
	[smem:$0x3FD2] =	sst s25  }
0xa6: {  	s5 =	sshll.u32 s26, $0x1;
	_ =	strace $0x80000046;
	[dreg:$0x1] =	wrdreg $0xFFFFFFFF  }
0xa7: {  	s28 =	simm.s32 $_size_execute0_lowered;
	s3 =	sadd.s32 s3, s5;
	[dreg:$0x0] =	wrdreg $0x0  }
0xa8: {  	s5 =	sshll.u32 s28, $0x1;
	[dreg:$0x2] =	wrdreg s3  }
0xa9: {  	[dreg:$0x3] =	wrdreg s5  }
0xaa: {  	[dreg:$0x4] =	wrdreg $0xC0  }
0xab: {  	_ =	task [dreg:s7], $0x5FFFF  }
0xac: {  	[dreg:$0x1] =	wrdreg $0xFFFFFFFF  }
0xad: {  	[dreg:$0x0] =	wrdreg $0x60  }
0xae: {  	[dreg:$0x2] =	wrdreg s24  }
0xaf: {  	[dreg:$0x3] =	wrdreg s2  }
0xb0: {  	[dreg:$0x4] =	wrdreg $0x9  }
0xb1: {  	_ =	task.clear_ibuf [dreg:s7], $0x5FFFF;
	_ =	strace $0x90000046  }
0xb2: {  	s29 =	simm.s32 $0x9;
	_ =	strace $0x80000048  }
0xb3: {  	_ =	swait.ge [sflag:s29], $0x1  }
0xb4: {  	[sflag:s29] =	ssyncadd.s32 $0xFFFFFFFF  }
0xb5: {  	_ =	strace $0x90000048  }
0xb6: {  	_ =	sfence  }
0xb7: {  	s30 =	sld [smem:$0x0];
	_ =	sdelay $0x2  }
0xb8: {  	s31 =	sshll.u32 s1, $0xD;
	s1 =	sshrl.u32 s1, $0x2  }
0xb9: {  	s3 =	sand.u32 $0x4000, s31;
	s1 =	sadd.s32 s1, s30  }
0xba: {  	s0 =	sor.u32 s3, s0;
	s1 =	sshll.u32 s1, $0x11  }
0xbb: {  	s0 =	sor.u32 s1, s0  }
0xbc: {  	s0 =	sadd.s32 $0x8F2B, s0  }
0xbd: {  	[sflag:s0] =	ssyncadd.remote.s32 $0x1  }
0xbe: {  	_ =	sfence.sel $0xFFFF  }
0xbf: {  	[dreg:$0x0] =	wrdreg $0xFFFFFFFF;
	(pc) =	sbr.abs _section_cstart, $3  }
0xc0: {  	[dreg:$0x1] =	wrdreg $0xFFFFFFFF  }
0xc1: {  	_ =	task.clear_ibuf [dreg:s7], $0x2FFFF;
	_ =	strace $0x9FFFFFFF  }
0xc2: {  	(tm) =	ssettm $0x7FFFFFFF  }
0xc3: {  	_ =	shalt  }
tec
execute0_lowered:
.L_overlay_start_1:
0x0: {  	(tag) =	ssettag $0x1  }
0x1: {  	s3 =	rddreg [dreg:$0x0]  }
0x2: {  	s5 =	rddreg [dreg:$0x1]  }
0x3: {  	s1 =	srdreg.scid;
	s0 =	rddreg [dreg:$0x2]  }
0x4: {  	s2 =	simm.s32 $0x0;
	s10 =	simm.s32 $0x5300;
	s11 =	simm.s32 $0x2780  }
0x5: {  	s12 =	simm.s32 $0x80;
	s13 =	simm.s32 $0x100;
	s4 =	sand.u32 $0x1, s1  }
0x6: {  	s1 =	stileid.u32;
	[smem:$0x7FF] =	sst s2;
	s6 =	sshll.u32 s4, $0x4  }
0x7: {  	s14 =	simm.s32 $0x0;
	_ =	strace $0x80000047;
	s6 =	sor.u32 s1, s6  }
0x8: {  	s4 =	ssub.s32 $0x2, s4;
	s7 =	smul.u32 $0x980, s6;
	s8 =	sshll.u32 s6, $0x7  }
0x9: {  	s9 =	sshrl.u32 s4, $0x1;
	s6 =	smul.u32 $0x9E0, s6;
	s8 =	sadd.s32 s8, s3  }
0xa: {  	s9 =	ssub.s32 s4, s9;
	s7 =	sadd.s32 s7, s3;
	s3 =	sadd.s32 $0x1A00, s8  }
0xb: {  	s5 =	sadd.s32 s5, s6;
	s8 =	simm.s32 $0x4F00;
	s4 =	sadd.s32 $0x2A00, s7  }
0xc: {  	v0 =	vimm.f32 $0.0e+00;
	v1 =	vimm.f32 $1.000000000e+00;
	s6 =	sadd.s32 $0x10, s5;
	s7 =	smax.u32 s9, $0x1;
	s9 =	simm.s32 $0x1  }
.LBB2_1:
0xd: {  	[tilespmem:s8], [sflag:$0x1] =	stream.linear.gather [hbm4b:s3+s2], $0x280, $0x38;
	[tilespmem:$0x9F00] =	vst v63  }
0xe: {  	_ =	swait.ge [sflag:s9], $0x280  }
0xf: {  	[sflag:s9] =	ssyncset.done $0x0  }
0x10: {  	[sflag:s9] =	ssyncadd.s32 $0xFFFFFD80  }
0x11: {  	[tilespmem:s10], [sflag:$0x1] =	stream.linear.gather [hbm4b:s4+s2], $0x4C00, $0x38;
	[tilespmem:$0x9F00] =	vst v63  }
0x12: {  	_ =	swait.ge [sflag:s9], $0x4C00  }
0x13: {  	[sflag:s9] =	ssyncset.done $0x0  }
0x14: {  	s15 =	simm.s32 $0x40;
	s16 =	simm.s32 $0x0;
	[sflag:s9] =	ssyncadd.s32 $0xFFFFB400  }
.LBB2_2:
0x15: {  	p0 =	sne.s32 s15, $0x9DC0;
	[tilespmem:s16+$0x0] =	vst v0;
	s17 =	smov.u32 s15;
	s15 =	sadd.s32 $0x40, s15  }
.Ltmp0:
0x16: {  	[tilespmem:s16+$0x2780] =	vst v0;
	(pc) =	sbr.rel @p0 .LBB2_2-.Ltmp0, $2  }
0x17: {  	_ =	sdelay $0x2  }
0x18: {  	s16 =	sshra.s32 s17, $0x2  }
0x19: {  	[tilespmem:s16+$0x0] =	vst v0  }
0x1a: {  	[tilespmem:s16+$0x2780] =	vst v0  }
0x1b: {  	v2 =	vld [tilespmem:$0x4F00];
	_ =	sdelay $0x6  }
0x1c: {  	s15 =	simm.s32 $0x0  }
0x1d: {  	[tilespmem:v2+s15+$0x0] =	vst.idx.add.f32.msk $0xffff, v1  }
0x1e: {  	v2 =	vld [tilespmem:$0x4F10];
	_ =	sdelay $0x7  }
0x1f: {  	[tilespmem:v2+s15+$0x0] =	vst.idx.add.f32.msk $0xffff, v1  }
0x20: {  	v2 =	vld [tilespmem:$0x4F20];
	_ =	sdelay $0x7  }
0x21: {  	[tilespmem:v2+s15+$0x0] =	vst.idx.add.f32.msk $0xffff, v1  }
0x22: {  	v2 =	vld [tilespmem:$0x4F30];
	_ =	sdelay $0x7  }
0x23: {  	[tilespmem:v2+s15+$0x0] =	vst.idx.add.f32.msk $0xffff, v1  }
0x24: {  	v2 =	vld [tilespmem:$0x4F40];
	_ =	sdelay $0x7  }
0x25: {  	[tilespmem:v2+s15+$0x0] =	vst.idx.add.f32.msk $0xffff, v1  }
0x26: {  	v2 =	vld [tilespmem:$0x4F50];
	_ =	sdelay $0x7  }
0x27: {  	[tilespmem:v2+s15+$0x0] =	vst.idx.add.f32.msk $0xffff, v1  }
0x28: {  	v2 =	vld [tilespmem:$0x4F60];
	_ =	sdelay $0x7  }
0x29: {  	[tilespmem:v2+s15+$0x0] =	vst.idx.add.f32.msk $0xffff, v1  }
0x2a: {  	v2 =	vld [tilespmem:$0x4F70];
	_ =	sdelay $0x7  }
0x2b: {  	[tilespmem:v2+s15+$0x0] =	vst.idx.add.f32.msk $0xffff, v1  }
0x2c: {  	v2 =	vld [tilespmem:$0x4F80];
	_ =	sdelay $0x7  }
0x2d: {  	[tilespmem:v2+s15+$0x0] =	vst.idx.add.f32.msk $0xffff, v1  }
0x2e: {  	v2 =	vld [tilespmem:$0x4F90];
	_ =	sdelay $0x7  }
0x2f: {  	[tilespmem:v2+s15+$0x0] =	vst.idx.add.f32.msk $0xffff, v1  }
0x30: {  	v2 =	vld [tilespmem:$0x4FA0];
	_ =	sdelay $0x7  }
0x31: {  	[tilespmem:v2+s15+$0x0] =	vst.idx.add.f32.msk $0xffff, v1  }
0x32: {  	v2 =	vld [tilespmem:$0x4FB0];
	_ =	sdelay $0x7  }
0x33: {  	[tilespmem:v2+s15+$0x0] =	vst.idx.add.f32.msk $0xffff, v1  }
0x34: {  	v2 =	vld [tilespmem:$0x4FC0];
	_ =	sdelay $0x7  }
0x35: {  	[tilespmem:v2+s15+$0x0] =	vst.idx.add.f32.msk $0xffff, v1  }
0x36: {  	v2 =	vld [tilespmem:$0x4FD0];
	_ =	sdelay $0x7  }
0x37: {  	[tilespmem:v2+s15+$0x0] =	vst.idx.add.f32.msk $0xffff, v1  }
0x38: {  	v2 =	vld [tilespmem:$0x4FE0];
	_ =	sdelay $0x7  }
0x39: {  	[tilespmem:v2+s15+$0x0] =	vst.idx.add.f32.msk $0xffff, v1  }
0x3a: {  	v2 =	vld [tilespmem:$0x4FF0];
	_ =	sdelay $0x7  }
0x3b: {  	[tilespmem:v2+s15+$0x0] =	vst.idx.add.f32.msk $0xffff, v1  }
0x3c: {  	v2 =	vld [tilespmem:$0x5000];
	_ =	sdelay $0x7  }
0x3d: {  	[tilespmem:v2+s15+$0x0] =	vst.idx.add.f32.msk $0xffff, v1  }
0x3e: {  	v2 =	vld [tilespmem:$0x5010];
	_ =	sdelay $0x7  }
0x3f: {  	[tilespmem:v2+s15+$0x0] =	vst.idx.add.f32.msk $0xffff, v1  }
0x40: {  	v2 =	vld [tilespmem:$0x5020];
	_ =	sdelay $0x7  }
0x41: {  	[tilespmem:v2+s15+$0x0] =	vst.idx.add.f32.msk $0xffff, v1  }
0x42: {  	v2 =	vld [tilespmem:$0x5030];
	_ =	sdelay $0x7  }
0x43: {  	[tilespmem:v2+s15+$0x0] =	vst.idx.add.f32.msk $0xffff, v1  }
0x44: {  	v2 =	vld [tilespmem:$0x5040];
	_ =	sdelay $0x7  }
0x45: {  	[tilespmem:v2+s15+$0x0] =	vst.idx.add.f32.msk $0xffff, v1  }
0x46: {  	v2 =	vld [tilespmem:$0x5050];
	_ =	sdelay $0x7  }
0x47: {  	[tilespmem:v2+s15+$0x0] =	vst.idx.add.f32.msk $0xffff, v1  }
0x48: {  	v2 =	vld [tilespmem:$0x5060];
	_ =	sdelay $0x7  }
0x49: {  	[tilespmem:v2+s15+$0x0] =	vst.idx.add.f32.msk $0xffff, v1  }
0x4a: {  	v2 =	vld [tilespmem:$0x5070];
	_ =	sdelay $0x7  }
0x4b: {  	[tilespmem:v2+s15+$0x0] =	vst.idx.add.f32.msk $0xffff, v1  }
0x4c: {  	v2 =	vld [tilespmem:$0x5080];
	_ =	sdelay $0x7  }
0x4d: {  	[tilespmem:v2+s15+$0x0] =	vst.idx.add.f32.msk $0xffff, v1  }
0x4e: {  	v2 =	vld [tilespmem:$0x5090];
	_ =	sdelay $0x7  }
0x4f: {  	[tilespmem:v2+s15+$0x0] =	vst.idx.add.f32.msk $0xffff, v1  }
0x50: {  	v2 =	vld [tilespmem:$0x50A0];
	_ =	sdelay $0x7  }
0x51: {  	[tilespmem:v2+s15+$0x0] =	vst.idx.add.f32.msk $0xffff, v1  }
0x52: {  	v2 =	vld [tilespmem:$0x50B0];
	_ =	sdelay $0x7  }
0x53: {  	[tilespmem:v2+s15+$0x0] =	vst.idx.add.f32.msk $0xffff, v1  }
0x54: {  	v2 =	vld [tilespmem:$0x50C0];
	_ =	sdelay $0x7  }
0x55: {  	[tilespmem:v2+s15+$0x0] =	vst.idx.add.f32.msk $0xffff, v1  }
0x56: {  	v2 =	vld [tilespmem:$0x50D0];
	_ =	sdelay $0x7  }
0x57: {  	[tilespmem:v2+s15+$0x0] =	vst.idx.add.f32.msk $0xffff, v1  }
0x58: {  	v2 =	vld [tilespmem:$0x50E0];
	_ =	sdelay $0x7  }
0x59: {  	[tilespmem:v2+s15+$0x0] =	vst.idx.add.f32.msk $0xffff, v1  }
0x5a: {  	v2 =	vld [tilespmem:$0x50F0];
	_ =	sdelay $0x7  }
0x5b: {  	[tilespmem:v2+s15+$0x0] =	vst.idx.add.f32.msk $0xffff, v1  }
0x5c: {  	v2 =	vld [tilespmem:$0x5100];
	_ =	sdelay $0x7  }
0x5d: {  	[tilespmem:v2+s15+$0x0] =	vst.idx.add.f32.msk $0xffff, v1  }
0x5e: {  	v2 =	vld [tilespmem:$0x5110];
	_ =	sdelay $0x7  }
0x5f: {  	[tilespmem:v2+s15+$0x0] =	vst.idx.add.f32.msk $0xffff, v1  }
0x60: {  	v2 =	vld [tilespmem:$0x5120];
	_ =	sdelay $0x7  }
0x61: {  	[tilespmem:v2+s15+$0x0] =	vst.idx.add.f32.msk $0xffff, v1  }
0x62: {  	v2 =	vld [tilespmem:$0x5130];
	_ =	sdelay $0x7  }
0x63: {  	[tilespmem:v2+s15+$0x0] =	vst.idx.add.f32.msk $0xffff, v1  }
0x64: {  	v2 =	vld [tilespmem:$0x5140];
	_ =	sdelay $0x7  }
0x65: {  	[tilespmem:v2+s15+$0x0] =	vst.idx.add.f32.msk $0xffff, v1  }
0x66: {  	v2 =	vld [tilespmem:$0x5150];
	_ =	sdelay $0x7  }
0x67: {  	[tilespmem:v2+s15+$0x0] =	vst.idx.add.f32.msk $0xffff, v1  }
0x68: {  	v2 =	vld [tilespmem:$0x5160];
	_ =	sdelay $0x7  }
0x69: {  	[tilespmem:v2+s15+$0x0] =	vst.idx.add.f32.msk $0xffff, v1  }
0x6a: {  	v2 =	vld [tilespmem:$0x5170];
	_ =	sdelay $0x7  }
0x6b: {  	[tilespmem:v2+s15+$0x0] =	vst.idx.add.f32.msk $0xffff, v1  }
.LBB2_4:
0x6c: {  	s16 =	sshra.s32 s15, $0x2  }
0x6d: {  	v2 =	vld [tilespmem:s16+$0x5300];
	_ =	sdelay $0x7  }
0x6e: {  	[tilespmem:v2+s11+$0x0] =	vst.idx.add.f32.msk $0xffff, v1  }
0x6f: {  	v2 =	vld [tilespmem:s16+$0x5310];
	_ =	sdelay $0x7  }
0x70: {  	[tilespmem:v2+s11+$0x0] =	vst.idx.add.f32.msk $0xffff, v1  }
0x71: {  	v2 =	vld [tilespmem:s16+$0x5320];
	_ =	sdelay $0x7  }
0x72: {  	[tilespmem:v2+s11+$0x0] =	vst.idx.add.f32.msk $0xffff, v1  }
0x73: {  	v2 =	vld [tilespmem:s16+$0x5330];
	_ =	sdelay $0x7  }
0x74: {  	[tilespmem:v2+s11+$0x0] =	vst.idx.add.f32.msk $0xffff, v1  }
0x75: {  	v2 =	vld [tilespmem:s16+$0x5340];
	_ =	sdelay $0x7  }
0x76: {  	[tilespmem:v2+s11+$0x0] =	vst.idx.add.f32.msk $0xffff, v1  }
0x77: {  	v2 =	vld [tilespmem:s16+$0x5350];
	_ =	sdelay $0x7  }
0x78: {  	[tilespmem:v2+s11+$0x0] =	vst.idx.add.f32.msk $0xffff, v1  }
0x79: {  	v2 =	vld [tilespmem:s16+$0x5360];
	_ =	sdelay $0x7  }
0x7a: {  	[tilespmem:v2+s11+$0x0] =	vst.idx.add.f32.msk $0xffff, v1  }
0x7b: {  	v2 =	vld [tilespmem:s16+$0x5370];
	_ =	sdelay $0x2  }
0x7c: {  	p0 =	sne.s32 s15, $0x12E00  }
.Ltmp1:
0x7d: {  	_ = 	snop;
	(pc) =	sbr.rel @p0 .LBB2_4-.Ltmp1, $2  }
0x7e: {  	_ =	sdelay $0x2  }
0x7f: {  	s15 =	sadd.s32 $0x200, s15;
	[tilespmem:v2+s11+$0x0] =	vst.idx.add.f32.msk $0xffff, v1  }
0x80: {  	[hbm4b:s5+s12] =	stream.strided.scatter [tilespmem:s2], [sflag:$0x1], $0x2780, s13, s12, $0x38;
	[tilespmem:$0x9F00] =	vst v63  }
0x81: {  	s14 =	sadd.s32 $0x1, s14;
	_ =	swait.ge [sflag:s9], $0x2780  }
0x82: {  	p0 =	sne.s32 s14, s7;
	[sflag:s9] =	ssyncset.done $0x0  }
.Ltmp2:
0x83: {  	[sflag:s9] =	ssyncadd.s32 $0xFFFFD880;
	(pc) =	sbr.rel @p0 .LBB2_1-.Ltmp2, $4  }
0x84: {  	[hbm4b:s6+s12] =	stream.strided.scatter [tilespmem:s11], [sflag:$0x1], $0x2780, s13, s12, $0x38;
	[tilespmem:$0x9F00] =	vst v63  }
0x85: {  	_ =	swait.ge [sflag:s9], $0x2780  }
0x86: {  	[sflag:s9] =	ssyncset.done $0x0  }
0x87: {  	[sflag:s9] =	ssyncadd.s32 $0xFFFFD880  }
0x88: {  	_ =	sfence.sel $0x180000  }
0x89: {  	[bflag:$0x0] =	sbarrier.arrive $0xFFFF  }
0x8a: {  	p0 =	sne.s32 s1, $0x0;
	_ =	strace $0x90000047  }
0x8b: {  	s0 =	sadd.s32 @!p0 $0x100000, s0;
	[bflag:$0x2] =	sbarrier.arrive $0xFFFF  }
0x8c: {  	[sflag:s0] =	ssyncadd.tile.s32 @!p0 $0x1;
	_ =	shalt  }
.Lfunc_end2:
_tile_overlayer_lowered:
.L_overlay_start_2:
0x8d: {  	(tag) =	ssettag $0x2  }
0x8e: {  	s0 =	rddreg [dreg:$0x0];
	s2 =	stileid.u32  }
0x8f: {  	s1 =	rddreg [dreg:$0x1];
	p0 =	sne.s32 s2, $0x0  }
0x90: {  	s3 =	rddreg [dreg:$0x2];
	[bflag:$0x3] =	sbarrier.arrive $0xFFFF;
	s2 =	simm.s32 @!p0 $0x1C01  }
0x91: {  	[timem:s3], [sflag:s2] =	dma.local @!p0 [hbm:s0], s1  }
0x92: {  	s0 =	simm.s32 @!p0 $0x1  }
0x93: {  	_ =	swait.ge @!p0 [sflag:s0], s1  }
0x94: {  	s1 =	ssub.s32 @!p0 $0x0, s1;
	[sflag:s0] =	ssyncset.done @!p0 $0x0  }
0x95: {  	[sflag:s0] =	ssyncadd.s32 @!p0 s1  }
0x96: {  	[bflag:$0x3] =	sbarrier.arrive $0xFFFF  }
0x97: {  	_ =	shalt  }

</sc_bundles>
